<compile_context>
chip_gen: v7x
topology: tpu7x:2x2x1
jax: 0.10.2.dev20260603
libtpu: 0.0.44.dev20260713+nightly
codegen_flags: <defaults>
</compile_context>

<pallas_src>
import functools

import jax
import jax.numpy as jnp
from jax import lax
from jax.experimental import pallas as pl
from jax.experimental.pallas import tpu as pltpu
from jax.experimental.pallas import tpu_sc as plsc

LATENT = 64


@functools.cache
def _make_sc_gather(B: int, D: int, tag: str):
    info = plsc.get_sparse_core_info()
    NC, NS = info.num_cores, info.num_subcores
    NW = NC * NS
    assert B % (8 * NW) == 0
    b_per_w = B // NW
    n_grp = b_per_w // 16

    mesh = plsc.VectorSubcoreMesh(core_axis_name="c", subcore_axis_name="s")

    @functools.partial(
        pl.kernel,
        mesh=mesh,
        name=f"gather_{tag}",
        out_type=jax.ShapeDtypeStruct((B, D), jnp.float32),
        scratch_types=[
            pltpu.VMEM((b_per_w,), jnp.int32),
            pltpu.VMEM((b_per_w, D), jnp.float32),
            pltpu.SemaphoreType.DMA,
        ],
    )
    def gather(idx_hbm, emb_hbm, out_hbm, idx_v, rows_v, sem):
        wid = lax.axis_index("s") * NC + lax.axis_index("c")
        base = wid * b_per_w

        L = 16
        pltpu.sync_copy(idx_hbm.at[pl.ds(base, b_per_w)], idx_v)

        def fire(g):
            v = idx_v[pl.ds(g * L, L)]
            for l in range(L):
                r = v[l]
                pltpu.async_copy(
                    emb_hbm.at[pl.ds(r, 1)],
                    rows_v.at[pl.ds(g * L + l, 1)], sem)

        def drain():
            for _ in range(L):
                pltpu.make_async_copy(
                    emb_hbm.at[pl.ds(0, 1)],
                    rows_v.at[pl.ds(0, 1)], sem).wait()

        fire(0)
        fire(1)

        def body(g, _):
            @pl.when(g + 2 < n_grp)
            def _():
                fire(g + 2)

            drain()
            return 0

        lax.fori_loop(0, n_grp, body, 0)
        pltpu.sync_copy(rows_v, out_hbm.at[pl.ds(base, b_per_w)])

    return gather


def _mlp_body(u_ref, i_ref, w1u_ref, w1i_ref, b1_ref, w2_ref, b2_ref,
              w3_ref, b3_ref, out_ref):
    x = jnp.dot(u_ref[...], w1u_ref[...], preferred_element_type=jnp.float32)
    x = x + jnp.dot(i_ref[...], w1i_ref[...], preferred_element_type=jnp.float32)
    h = jnp.maximum(x + b1_ref[...], 0.0)
    h = jnp.maximum(
        jnp.dot(h, w2_ref[...], preferred_element_type=jnp.float32) + b2_ref[...],
        0.0,
    )
    out_ref[...] = (
        jnp.dot(h, w3_ref[...], preferred_element_type=jnp.float32) + b3_ref[...]
    )


def _mlp(u, i, w1uT, w1iT, b1, w2T, b2, w3T, b3, blk: int):
    B, D = u.shape
    H1 = w1uT.shape[1]
    H2 = w2T.shape[1]
    grid = (B // blk,)
    return pl.pallas_call(
        _mlp_body,
        grid=grid,
        in_specs=[
            pl.BlockSpec((blk, D), lambda g: (g, 0)),
            pl.BlockSpec((blk, D), lambda g: (g, 0)),
            pl.BlockSpec((D, H1), lambda g: (0, 0)),
            pl.BlockSpec((D, H1), lambda g: (0, 0)),
            pl.BlockSpec((1, H1), lambda g: (0, 0)),
            pl.BlockSpec((H1, H2), lambda g: (0, 0)),
            pl.BlockSpec((1, H2), lambda g: (0, 0)),
            pl.BlockSpec((H2, 1), lambda g: (0, 0)),
            pl.BlockSpec((1, 1), lambda g: (0, 0)),
        ],
        out_specs=pl.BlockSpec((blk, 1), lambda g: (g, 0)),
        out_shape=jax.ShapeDtypeStruct((B, 1), jnp.float32),
    )(u, i, w1uT, w1iT, b1, w2T, b2, w3T, b3)


def kernel(user, item, user_emb, item_emb, W1, b1, W2, b2, W3, b3):
    B = user.shape[0]
    D = user_emb.shape[1]
    u = _make_sc_gather(B, D, "user")(user, user_emb)
    i = _make_sc_gather(B, D, "item")(item, item_emb)
    w1T = W1.T
    out = _mlp(
        u, i,
        w1T[:D], w1T[D:],
        b1.reshape(1, -1),
        W2.T,
        b2.reshape(1, -1),
        W3.T,
        b3.reshape(1, 1),
        blk=2048,
    )
    return out[:, 0]

# --- scband reference (transcript-rebuilt; emitter-appended) ---
"""Pipeline reference for scband-ncf-hybrid-10557029613911 (READ-ONLY COPY).

The authoritative reference and input builder live on the scoring server;
editing this copy changes nothing except your own understanding.
"""

import jax, jax.numpy as jnp
import numpy as np

NUM_USERS = 1000000
NUM_ITEMS = 1000000
LATENT = 64
BATCH = 16384


def setup_inputs(seed: int = 0) -> dict:
    key = jax.random.key(seed)
    ks = jax.random.split(key, 12)
    user = jax.random.randint(ks[0], (BATCH,), 0, NUM_USERS, dtype=jnp.int64 if jax.config.jax_enable_x64 else jnp.int32).astype(jnp.int32)
    item = jax.random.randint(ks[1], (BATCH,), 0, NUM_ITEMS, dtype=jnp.int32)
    user_emb = jax.random.normal(ks[2], (NUM_USERS, LATENT), dtype=jnp.float32) * 0.02
    item_emb = jax.random.normal(ks[3], (NUM_ITEMS, LATENT), dtype=jnp.float32) * 0.02
    # fc: Linear(128,128) -> ReLU -> Dropout(eval, identity) -> Linear(128,64) -> ReLU -> Linear(64,1)
    W1 = jax.random.normal(ks[4], (128, 2 * LATENT), dtype=jnp.float32) * 0.05
    b1 = jnp.zeros((128,), dtype=jnp.float32)
    W2 = jax.random.normal(ks[5], (64, 128), dtype=jnp.float32) * 0.05
    b2 = jnp.zeros((64,), dtype=jnp.float32)
    W3 = jax.random.normal(ks[6], (1, 64), dtype=jnp.float32) * 0.05
    b3 = jnp.zeros((1,), dtype=jnp.float32)
    return {"user": user, "item": item, "user_emb": user_emb, "item_emb": item_emb,
            "W1": W1, "b1": b1, "W2": W2, "b2": b2, "W3": W3, "b3": b3}


def reference(user, item, user_emb, item_emb, W1, b1, W2, b2, W3, b3):
    u = jnp.take(user_emb, user, axis=0)
    i = jnp.take(item_emb, item, axis=0)
    x = jnp.concatenate([u, i], axis=-1)
    h = jax.nn.relu(x @ W1.T + b1)
    # Dropout(0.2) is identity in eval mode
    h = jax.nn.relu(h @ W2.T + b2)
    out = h @ W3.T + b3
    return jnp.squeeze(out, axis=-1)

if __name__ == "__main__":
    import jax
    _d = setup_inputs()
    print(jax.jit(kernel)(*tuple(_d.values())))

</pallas_src>

<mosaic_0001>
#map = affine_map<(d0, d1) -> (0)>
#map1 = affine_map<(d0, d1) -> (0, 0)>
module attributes {stable_mosaic.version = 14 : i64} {
  func.func @gather_item(%arg0: i32, %arg1: i32, %arg2: memref<16384xi32, #tpu.memory_space<hbm>>, %arg3: memref<1000000x64xf32, #tpu.memory_space<hbm>>, %arg4: memref<16384x64xf32, #tpu.memory_space<hbm>>, %arg5: memref<512xi32, #tpu.memory_space<vmem>>, %arg6: memref<512x64xf32, #tpu.memory_space<vmem>>, %arg7: memref<!tpu.dma_semaphore, #tpu.memory_space<semaphore_mem>>) attributes {dimension_semantics = [#tpu.dimension_semantics<core_parallel>, #tpu.dimension_semantics<subcore_parallel>], iteration_bounds = array<i64: 2, 16>, scalar_prefetch = 0 : i64, scratch_operands = 3 : i64, tpu.core_type = #tpu.core_type<sc_vector_subcore>, window_params = [{transform_indices = #map}, {transform_indices = #map1}, {transform_indices = #map1}]} {
    %mul3A = arith.constant 2 : i32
    %mul3A_0 = arith.muli %arg1, %mul3A : i32
    %add3A = arith.addi %mul3A_0, %arg0 : i32
    %mul3A_1 = arith.constant 512 : i32
    %mul3A_2 = arith.muli %add3A, %mul3A_1 : i32
    "tpu.region"() ({
      %run_scoped3A = tpu.sem_alloc : memref<!tpu.dma_semaphore, #tpu.memory_space<semaphore_mem>>
      %dma_start3A_395 = tpu.memref_slice %arg2[%mul3A_2] : memref<16384xi32, #tpu.memory_space<hbm>> -> memref<512xi32, #tpu.memory_space<hbm>>
      %dma_start3A_396 = tpu.memref_slice %arg2[%mul3A_2] : memref<16384xi32, #tpu.memory_space<hbm>> -> memref<512xi32, #tpu.memory_space<hbm>>
      tpu.enqueue_dma source(%dma_start3A_396 : memref<512xi32, #tpu.memory_space<hbm>>) target(%arg5 : memref<512xi32, #tpu.memory_space<vmem>>) target_semaphore(%run_scoped3A : memref<!tpu.dma_semaphore, #tpu.memory_space<semaphore_mem>>)
      %dma_wait3A = tpu.memref_slice %arg2[%mul3A_2] : memref<16384xi32, #tpu.memory_space<hbm>> -> memref<512xi32, #tpu.memory_space<hbm>>
      %dma_wait3A_397 = tpu.memref_slice %arg2[%mul3A_2] : memref<16384xi32, #tpu.memory_space<hbm>> -> memref<512xi32, #tpu.memory_space<hbm>>
      tpu.wait_dma2 semaphore(%run_scoped3A : memref<!tpu.dma_semaphore, #tpu.memory_space<semaphore_mem>>) src(%dma_wait3A_397 : memref<512xi32, #tpu.memory_space<hbm>>) dst(%arg5 : memref<512xi32, #tpu.memory_space<vmem>>)
      tpu.yield
    }) : () -> ()
    %get3A = arith.constant 0 : index
    %get3A_3 = tpu.vector_load %arg5[%get3A] {strides = array<i32>} : memref<512xi32, #tpu.memory_space<vmem>>, vector<16xi32>,
    %get3A_4 = vector.shape_cast %get3A_3 : vector<16xi32> to vector<16xi32>
    %slice3A = vector.extract_strided_slice %get3A_4 {offsets = [0], sizes = [1], strides = [1]} : vector<16xi32> to vector<1xi32>
    %squeeze3A = vector.extract %slice3A[0] : i32 from vector<1xi32>
    %dma_start3A = arith.constant 0 : i32
    %dma_start3A_5 = arith.constant 0 : i32
    %dma_start3A_6 = tpu.memref_slice %arg6[%dma_start3A, %dma_start3A_5] : memref<512x64xf32, #tpu.memory_space<vmem>> -> memref<1x64xf32, #tpu.memory_space<vmem>>
    %dma_start3A_7 = arith.constant 0 : i32
    %dma_start3A_8 = tpu.memref_slice %arg3[%squeeze3A, %dma_start3A_7] : memref<1000000x64xf32, #tpu.memory_space<hbm>> -> memref<1x64xf32, #tpu.memory_space<hbm>>
    %dma_start3A_9 = arith.constant 0 : i32
    %dma_start3A_10 = arith.constant 0 : i32
    %dma_start3A_11 = tpu.memref_slice %arg6[%dma_start3A_9, %dma_start3A_10] : memref<512x64xf32, #tpu.memory_space<vmem>> -> memref<1x64xf32, #tpu.memory_space<vmem>>
    %dma_start3A_12 = arith.constant 0 : i32
    %dma_start3A_13 = tpu.memref_slice %arg3[%squeeze3A, %dma_start3A_12] : memref<1000000x64xf32, #tpu.memory_space<hbm>> -> memref<1x64xf32, #tpu.memory_space<hbm>>
    tpu.enqueue_dma source(%dma_start3A_13 : memref<1x64xf32, #tpu.memory_space<hbm>>) target(%dma_start3A_11 : memref<1x64xf32, #tpu.memory_space<vmem>>) target_semaphore(%arg7 : memref<!tpu.dma_semaphore, #tpu.memory_space<semaphore_mem>>)
    %slice3A_14 = vector.extract_strided_slice %get3A_4 {offsets = [1], sizes = [1], strides = [1]} : vector<16xi32> to vector<1xi32>
    %squeeze3A_15 = vector.extract %slice3A_14[0] : i32 from vector<1xi32>
    %dma_start3A_16 = arith.constant 1 : i32
    %dma_start3A_17 = arith.constant 0 : i32
    %dma_start3A_18 = tpu.memref_slice %arg6[%dma_start3A_16, %dma_start3A_17] : memref<512x64xf32, #tpu.memory_space<vmem>> -> memref<1x64xf32, #tpu.memory_space<vmem>>
    %dma_start3A_19 = arith.constant 0 : i32
    %dma_start3A_20 = tpu.memref_slice %arg3[%squeeze3A_15, %dma_start3A_19] : memref<1000000x64xf32, #tpu.memory_space<hbm>> -> memref<1x64xf32, #tpu.memory_space<hbm>>
    %dma_start3A_21 = arith.constant 1 : i32
    %dma_start3A_22 = arith.constant 0 : i32
    %dma_start3A_23 = tpu.memref_slice %arg6[%dma_start3A_21, %dma_start3A_22] : memref<512x64xf32, #tpu.memory_space<vmem>> -> memref<1x64xf32, #tpu.memory_space<vmem>>
    %dma_start3A_24 = arith.constant 0 : i32
    %dma_start3A_25 = tpu.memref_slice %arg3[%squeeze3A_15, %dma_start3A_24] : memref<1000000x64xf32, #tpu.memory_space<hbm>> -> memref<1x64xf32, #tpu.memory_space<hbm>>
    tpu.enqueue_dma source(%dma_start3A_25 : memref<1x64xf32, #tpu.memory_space<hbm>>) target(%dma_start3A_23 : memref<1x64xf32, #tpu.memory_space<vmem>>) target_semaphore(%arg7 : memref<!tpu.dma_semaphore, #tpu.memory_space<semaphore_mem>>)
    %slice3A_26 = vector.extract_strided_slice %get3A_4 {offsets = [2], sizes = [1], strides = [1]} : vector<16xi32> to vector<1xi32>
    %squeeze3A_27 = vector.extract %slice3A_26[0] : i32 from vector<1xi32>
    %dma_start3A_28 = arith.constant 2 : i32
    %dma_start3A_29 = arith.constant 0 : i32
    %dma_start3A_30 = tpu.memref_slice %arg6[%dma_start3A_28, %dma_start3A_29] : memref<512x64xf32, #tpu.memory_space<vmem>> -> memref<1x64xf32, #tpu.memory_space<vmem>>
    %dma_start3A_31 = arith.constant 0 : i32
    %dma_start3A_32 = tpu.memref_slice %arg3[%squeeze3A_27, %dma_start3A_31] : memref<1000000x64xf32, #tpu.memory_space<hbm>> -> memref<1x64xf32, #tpu.memory_space<hbm>>
    %dma_start3A_33 = arith.constant 2 : i32
    %dma_start3A_34 = arith.constant 0 : i32
    %dma_start3A_35 = tpu.memref_slice %arg6[%dma_start3A_33, %dma_start3A_34] : memref<512x64xf32, #tpu.memory_space<vmem>> -> memref<1x64xf32, #tpu.memory_space<vmem>>
    %dma_start3A_36 = arith.constant 0 : i32
    %dma_start3A_37 = tpu.memref_slice %arg3[%squeeze3A_27, %dma_start3A_36] : memref<1000000x64xf32, #tpu.memory_space<hbm>> -> memref<1x64xf32, #tpu.memory_space<hbm>>
    tpu.enqueue_dma source(%dma_start3A_37 : memref<1x64xf32, #tpu.memory_space<hbm>>) target(%dma_start3A_35 : memref<1x64xf32, #tpu.memory_space<vmem>>) target_semaphore(%arg7 : memref<!tpu.dma_semaphore, #tpu.memory_space<semaphore_mem>>)
    %slice3A_38 = vector.extract_strided_slice %get3A_4 {offsets = [3], sizes = [1], strides = [1]} : vector<16xi32> to vector<1xi32>
    %squeeze3A_39 = vector.extract %slice3A_38[0] : i32 from vector<1xi32>
    %dma_start3A_40 = arith.constant 3 : i32
    %dma_start3A_41 = arith.constant 0 : i32
    %dma_start3A_42 = tpu.memref_slice %arg6[%dma_start3A_40, %dma_start3A_41] : memref<512x64xf32, #tpu.memory_space<vmem>> -> memref<1x64xf32, #tpu.memory_space<vmem>>
    %dma_start3A_43 = arith.constant 0 : i32
    %dma_start3A_44 = tpu.memref_slice %arg3[%squeeze3A_39, %dma_start3A_43] : memref<1000000x64xf32, #tpu.memory_space<hbm>> -> memref<1x64xf32, #tpu.memory_space<hbm>>
    %dma_start3A_45 = arith.constant 3 : i32
    %dma_start3A_46 = arith.constant 0 : i32
    %dma_start3A_47 = tpu.memref_slice %arg6[%dma_start3A_45, %dma_start3A_46] : memref<512x64xf32, #tpu.memory_space<vmem>> -> memref<1x64xf32, #tpu.memory_space<vmem>>
    %dma_start3A_48 = arith.constant 0 : i32
    %dma_start3A_49 = tpu.memref_slice %arg3[%squeeze3A_39, %dma_start3A_48] : memref<1000000x64xf32, #tpu.memory_space<hbm>> -> memref<1x64xf32, #tpu.memory_space<hbm>>
    tpu.enqueue_dma source(%dma_start3A_49 : memref<1x64xf32, #tpu.memory_space<hbm>>) target(%dma_start3A_47 : memref<1x64xf32, #tpu.memory_space<vmem>>) target_semaphore(%arg7 : memref<!tpu.dma_semaphore, #tpu.memory_space<semaphore_mem>>)
    %slice3A_50 = vector.extract_strided_slice %get3A_4 {offsets = [4], sizes = [1], strides = [1]} : vector<16xi32> to vector<1xi32>
    %squeeze3A_51 = vector.extract %slice3A_50[0] : i32 from vector<1xi32>
    %dma_start3A_52 = arith.constant 4 : i32
    %dma_start3A_53 = arith.constant 0 : i32
    %dma_start3A_54 = tpu.memref_slice %arg6[%dma_start3A_52, %dma_start3A_53] : memref<512x64xf32, #tpu.memory_space<vmem>> -> memref<1x64xf32, #tpu.memory_space<vmem>>
    %dma_start3A_55 = arith.constant 0 : i32
    %dma_start3A_56 = tpu.memref_slice %arg3[%squeeze3A_51, %dma_start3A_55] : memref<1000000x64xf32, #tpu.memory_space<hbm>> -> memref<1x64xf32, #tpu.memory_space<hbm>>
    %dma_start3A_57 = arith.constant 4 : i32
    %dma_start3A_58 = arith.constant 0 : i32
    %dma_start3A_59 = tpu.memref_slice %arg6[%dma_start3A_57, %dma_start3A_58] : memref<512x64xf32, #tpu.memory_space<vmem>> -> memref<1x64xf32, #tpu.memory_space<vmem>>
    %dma_start3A_60 = arith.constant 0 : i32
    %dma_start3A_61 = tpu.memref_slice %arg3[%squeeze3A_51, %dma_start3A_60] : memref<1000000x64xf32, #tpu.memory_space<hbm>> -> memref<1x64xf32, #tpu.memory_space<hbm>>
    tpu.enqueue_dma source(%dma_start3A_61 : memref<1x64xf32, #tpu.memory_space<hbm>>) target(%dma_start3A_59 : memref<1x64xf32, #tpu.memory_space<vmem>>) target_semaphore(%arg7 : memref<!tpu.dma_semaphore, #tpu.memory_space<semaphore_mem>>)
    %slice3A_62 = vector.extract_strided_slice %get3A_4 {offsets = [5], sizes = [1], strides = [1]} : vector<16xi32> to vector<1xi32>
    %squeeze3A_63 = vector.extract %slice3A_62[0] : i32 from vector<1xi32>
    %dma_start3A_64 = arith.constant 5 : i32
    %dma_start3A_65 = arith.constant 0 : i32
    %dma_start3A_66 = tpu.memref_slice %arg6[%dma_start3A_64, %dma_start3A_65] : memref<512x64xf32, #tpu.memory_space<vmem>> -> memref<1x64xf32, #tpu.memory_space<vmem>>
    %dma_start3A_67 = arith.constant 0 : i32
    %dma_start3A_68 = tpu.memref_slice %arg3[%squeeze3A_63, %dma_start3A_67] : memref<1000000x64xf32, #tpu.memory_space<hbm>> -> memref<1x64xf32, #tpu.memory_space<hbm>>
    %dma_start3A_69 = arith.constant 5 : i32
    %dma_start3A_70 = arith.constant 0 : i32
    %dma_start3A_71 = tpu.memref_slice %arg6[%dma_start3A_69, %dma_start3A_70] : memref<512x64xf32, #tpu.memory_space<vmem>> -> memref<1x64xf32, #tpu.memory_space<vmem>>
    %dma_start3A_72 = arith.constant 0 : i32
    %dma_start3A_73 = tpu.memref_slice %arg3[%squeeze3A_63, %dma_start3A_72] : memref<1000000x64xf32, #tpu.memory_space<hbm>> -> memref<1x64xf32, #tpu.memory_space<hbm>>
    tpu.enqueue_dma source(%dma_start3A_73 : memref<1x64xf32, #tpu.memory_space<hbm>>) target(%dma_start3A_71 : memref<1x64xf32, #tpu.memory_space<vmem>>) target_semaphore(%arg7 : memref<!tpu.dma_semaphore, #tpu.memory_space<semaphore_mem>>)
    %slice3A_74 = vector.extract_strided_slice %get3A_4 {offsets = [6], sizes = [1], strides = [1]} : vector<16xi32> to vector<1xi32>
    %squeeze3A_75 = vector.extract %slice3A_74[0] : i32 from vector<1xi32>
    %dma_start3A_76 = arith.constant 6 : i32
    %dma_start3A_77 = arith.constant 0 : i32
    %dma_start3A_78 = tpu.memref_slice %arg6[%dma_start3A_76, %dma_start3A_77] : memref<512x64xf32, #tpu.memory_space<vmem>> -> memref<1x64xf32, #tpu.memory_space<vmem>>
    %dma_start3A_79 = arith.constant 0 : i32
    %dma_start3A_80 = tpu.memref_slice %arg3[%squeeze3A_75, %dma_start3A_79] : memref<1000000x64xf32, #tpu.memory_space<hbm>> -> memref<1x64xf32, #tpu.memory_space<hbm>>
    %dma_start3A_81 = arith.constant 6 : i32
    %dma_start3A_82 = arith.constant 0 : i32
    %dma_start3A_83 = tpu.memref_slice %arg6[%dma_start3A_81, %dma_start3A_82] : memref<512x64xf32, #tpu.memory_space<vmem>> -> memref<1x64xf32, #tpu.memory_space<vmem>>
    %dma_start3A_84 = arith.constant 0 : i32
    %dma_start3A_85 = tpu.memref_slice %arg3[%squeeze3A_75, %dma_start3A_84] : memref<1000000x64xf32, #tpu.memory_space<hbm>> -> memref<1x64xf32, #tpu.memory_space<hbm>>
    tpu.enqueue_dma source(%dma_start3A_85 : memref<1x64xf32, #tpu.memory_space<hbm>>) target(%dma_start3A_83 : memref<1x64xf32, #tpu.memory_space<vmem>>) target_semaphore(%arg7 : memref<!tpu.dma_semaphore, #tpu.memory_space<semaphore_mem>>)
    %slice3A_86 = vector.extract_strided_slice %get3A_4 {offsets = [7], sizes = [1], strides = [1]} : vector<16xi32> to vector<1xi32>
    %squeeze3A_87 = vector.extract %slice3A_86[0] : i32 from vector<1xi32>
    %dma_start3A_88 = arith.constant 7 : i32
    %dma_start3A_89 = arith.constant 0 : i32
    %dma_start3A_90 = tpu.memref_slice %arg6[%dma_start3A_88, %dma_start3A_89] : memref<512x64xf32, #tpu.memory_space<vmem>> -> memref<1x64xf32, #tpu.memory_space<vmem>>
    %dma_start3A_91 = arith.constant 0 : i32
    %dma_start3A_92 = tpu.memref_slice %arg3[%squeeze3A_87, %dma_start3A_91] : memref<1000000x64xf32, #tpu.memory_space<hbm>> -> memref<1x64xf32, #tpu.memory_space<hbm>>
    %dma_start3A_93 = arith.constant 7 : i32
    %dma_start3A_94 = arith.constant 0 : i32
    %dma_start3A_95 = tpu.memref_slice %arg6[%dma_start3A_93, %dma_start3A_94] : memref<512x64xf32, #tpu.memory_space<vmem>> -> memref<1x64xf32, #tpu.memory_space<vmem>>
    %dma_start3A_96 = arith.constant 0 : i32
    %dma_start3A_97 = tpu.memref_slice %arg3[%squeeze3A_87, %dma_start3A_96] : memref<1000000x64xf32, #tpu.memory_space<hbm>> -> memref<1x64xf32, #tpu.memory_space<hbm>>
    tpu.enqueue_dma source(%dma_start3A_97 : memref<1x64xf32, #tpu.memory_space<hbm>>) target(%dma_start3A_95 : memref<1x64xf32, #tpu.memory_space<vmem>>) target_semaphore(%arg7 : memref<!tpu.dma_semaphore, #tpu.memory_space<semaphore_mem>>)
    %slice3A_98 = vector.extract_strided_slice %get3A_4 {offsets = [8], sizes = [1], strides = [1]} : vector<16xi32> to vector<1xi32>
    %squeeze3A_99 = vector.extract %slice3A_98[0] : i32 from vector<1xi32>
    %dma_start3A_100 = arith.constant 8 : i32
    %dma_start3A_101 = arith.constant 0 : i32
    %dma_start3A_102 = tpu.memref_slice %arg6[%dma_start3A_100, %dma_start3A_101] : memref<512x64xf32, #tpu.memory_space<vmem>> -> memref<1x64xf32, #tpu.memory_space<vmem>>
    %dma_start3A_103 = arith.constant 0 : i32
    %dma_start3A_104 = tpu.memref_slice %arg3[%squeeze3A_99, %dma_start3A_103] : memref<1000000x64xf32, #tpu.memory_space<hbm>> -> memref<1x64xf32, #tpu.memory_space<hbm>>
    %dma_start3A_105 = arith.constant 8 : i32
    %dma_start3A_106 = arith.constant 0 : i32
    %dma_start3A_107 = tpu.memref_slice %arg6[%dma_start3A_105, %dma_start3A_106] : memref<512x64xf32, #tpu.memory_space<vmem>> -> memref<1x64xf32, #tpu.memory_space<vmem>>
    %dma_start3A_108 = arith.constant 0 : i32
    %dma_start3A_109 = tpu.memref_slice %arg3[%squeeze3A_99, %dma_start3A_108] : memref<1000000x64xf32, #tpu.memory_space<hbm>> -> memref<1x64xf32, #tpu.memory_space<hbm>>
    tpu.enqueue_dma source(%dma_start3A_109 : memref<1x64xf32, #tpu.memory_space<hbm>>) target(%dma_start3A_107 : memref<1x64xf32, #tpu.memory_space<vmem>>) target_semaphore(%arg7 : memref<!tpu.dma_semaphore, #tpu.memory_space<semaphore_mem>>)
    %slice3A_110 = vector.extract_strided_slice %get3A_4 {offsets = [9], sizes = [1], strides = [1]} : vector<16xi32> to vector<1xi32>
    %squeeze3A_111 = vector.extract %slice3A_110[0] : i32 from vector<1xi32>
    %dma_start3A_112 = arith.constant 9 : i32
    %dma_start3A_113 = arith.constant 0 : i32
    %dma_start3A_114 = tpu.memref_slice %arg6[%dma_start3A_112, %dma_start3A_113] : memref<512x64xf32, #tpu.memory_space<vmem>> -> memref<1x64xf32, #tpu.memory_space<vmem>>
    %dma_start3A_115 = arith.constant 0 : i32
    %dma_start3A_116 = tpu.memref_slice %arg3[%squeeze3A_111, %dma_start3A_115] : memref<1000000x64xf32, #tpu.memory_space<hbm>> -> memref<1x64xf32, #tpu.memory_space<hbm>>
    %dma_start3A_117 = arith.constant 9 : i32
    %dma_start3A_118 = arith.constant 0 : i32
    %dma_start3A_119 = tpu.memref_slice %arg6[%dma_start3A_117, %dma_start3A_118] : memref<512x64xf32, #tpu.memory_space<vmem>> -> memref<1x64xf32, #tpu.memory_space<vmem>>
    %dma_start3A_120 = arith.constant 0 : i32
    %dma_start3A_121 = tpu.memref_slice %arg3[%squeeze3A_111, %dma_start3A_120] : memref<1000000x64xf32, #tpu.memory_space<hbm>> -> memref<1x64xf32, #tpu.memory_space<hbm>>
    tpu.enqueue_dma source(%dma_start3A_121 : memref<1x64xf32, #tpu.memory_space<hbm>>) target(%dma_start3A_119 : memref<1x64xf32, #tpu.memory_space<vmem>>) target_semaphore(%arg7 : memref<!tpu.dma_semaphore, #tpu.memory_space<semaphore_mem>>)
    %slice3A_122 = vector.extract_strided_slice %get3A_4 {offsets = [10], sizes = [1], strides = [1]} : vector<16xi32> to vector<1xi32>
    %squeeze3A_123 = vector.extract %slice3A_122[0] : i32 from vector<1xi32>
    %dma_start3A_124 = arith.constant 10 : i32
    %dma_start3A_125 = arith.constant 0 : i32
    %dma_start3A_126 = tpu.memref_slice %arg6[%dma_start3A_124, %dma_start3A_125] : memref<512x64xf32, #tpu.memory_space<vmem>> -> memref<1x64xf32, #tpu.memory_space<vmem>>
    %dma_start3A_127 = arith.constant 0 : i32
    %dma_start3A_128 = tpu.memref_slice %arg3[%squeeze3A_123, %dma_start3A_127] : memref<1000000x64xf32, #tpu.memory_space<hbm>> -> memref<1x64xf32, #tpu.memory_space<hbm>>
    %dma_start3A_129 = arith.constant 10 : i32
    %dma_start3A_130 = arith.constant 0 : i32
    %dma_start3A_131 = tpu.memref_slice %arg6[%dma_start3A_129, %dma_start3A_130] : memref<512x64xf32, #tpu.memory_space<vmem>> -> memref<1x64xf32, #tpu.memory_space<vmem>>
    %dma_start3A_132 = arith.constant 0 : i32
    %dma_start3A_133 = tpu.memref_slice %arg3[%squeeze3A_123, %dma_start3A_132] : memref<1000000x64xf32, #tpu.memory_space<hbm>> -> memref<1x64xf32, #tpu.memory_space<hbm>>
    tpu.enqueue_dma source(%dma_start3A_133 : memref<1x64xf32, #tpu.memory_space<hbm>>) target(%dma_start3A_131 : memref<1x64xf32, #tpu.memory_space<vmem>>) target_semaphore(%arg7 : memref<!tpu.dma_semaphore, #tpu.memory_space<semaphore_mem>>)
    %slice3A_134 = vector.extract_strided_slice %get3A_4 {offsets = [11], sizes = [1], strides = [1]} : vector<16xi32> to vector<1xi32>
    %squeeze3A_135 = vector.extract %slice3A_134[0] : i32 from vector<1xi32>
    %dma_start3A_136 = arith.constant 11 : i32
    %dma_start3A_137 = arith.constant 0 : i32
    %dma_start3A_138 = tpu.memref_slice %arg6[%dma_start3A_136, %dma_start3A_137] : memref<512x64xf32, #tpu.memory_space<vmem>> -> memref<1x64xf32, #tpu.memory_space<vmem>>
    %dma_start3A_139 = arith.constant 0 : i32
    %dma_start3A_140 = tpu.memref_slice %arg3[%squeeze3A_135, %dma_start3A_139] : memref<1000000x64xf32, #tpu.memory_space<hbm>> -> memref<1x64xf32, #tpu.memory_space<hbm>>
    %dma_start3A_141 = arith.constant 11 : i32
    %dma_start3A_142 = arith.constant 0 : i32
    %dma_start3A_143 = tpu.memref_slice %arg6[%dma_start3A_141, %dma_start3A_142] : memref<512x64xf32, #tpu.memory_space<vmem>> -> memref<1x64xf32, #tpu.memory_space<vmem>>
    %dma_start3A_144 = arith.constant 0 : i32
    %dma_start3A_145 = tpu.memref_slice %arg3[%squeeze3A_135, %dma_start3A_144] : memref<1000000x64xf32, #tpu.memory_space<hbm>> -> memref<1x64xf32, #tpu.memory_space<hbm>>
    tpu.enqueue_dma source(%dma_start3A_145 : memref<1x64xf32, #tpu.memory_space<hbm>>) target(%dma_start3A_143 : memref<1x64xf32, #tpu.memory_space<vmem>>) target_semaphore(%arg7 : memref<!tpu.dma_semaphore, #tpu.memory_space<semaphore_mem>>)
    %slice3A_146 = vector.extract_strided_slice %get3A_4 {offsets = [12], sizes = [1], strides = [1]} : vector<16xi32> to vector<1xi32>
    %squeeze3A_147 = vector.extract %slice3A_146[0] : i32 from vector<1xi32>
    %dma_start3A_148 = arith.constant 12 : i32
    %dma_start3A_149 = arith.constant 0 : i32
    %dma_start3A_150 = tpu.memref_slice %arg6[%dma_start3A_148, %dma_start3A_149] : memref<512x64xf32, #tpu.memory_space<vmem>> -> memref<1x64xf32, #tpu.memory_space<vmem>>
    %dma_start3A_151 = arith.constant 0 : i32
    %dma_start3A_152 = tpu.memref_slice %arg3[%squeeze3A_147, %dma_start3A_151] : memref<1000000x64xf32, #tpu.memory_space<hbm>> -> memref<1x64xf32, #tpu.memory_space<hbm>>
    %dma_start3A_153 = arith.constant 12 : i32
    %dma_start3A_154 = arith.constant 0 : i32
    %dma_start3A_155 = tpu.memref_slice %arg6[%dma_start3A_153, %dma_start3A_154] : memref<512x64xf32, #tpu.memory_space<vmem>> -> memref<1x64xf32, #tpu.memory_space<vmem>>
    %dma_start3A_156 = arith.constant 0 : i32
    %dma_start3A_157 = tpu.memref_slice %arg3[%squeeze3A_147, %dma_start3A_156] : memref<1000000x64xf32, #tpu.memory_space<hbm>> -> memref<1x64xf32, #tpu.memory_space<hbm>>
    tpu.enqueue_dma source(%dma_start3A_157 : memref<1x64xf32, #tpu.memory_space<hbm>>) target(%dma_start3A_155 : memref<1x64xf32, #tpu.memory_space<vmem>>) target_semaphore(%arg7 : memref<!tpu.dma_semaphore, #tpu.memory_space<semaphore_mem>>)
    %slice3A_158 = vector.extract_strided_slice %get3A_4 {offsets = [13], sizes = [1], strides = [1]} : vector<16xi32> to vector<1xi32>
    %squeeze3A_159 = vector.extract %slice3A_158[0] : i32 from vector<1xi32>
    %dma_start3A_160 = arith.constant 13 : i32
    %dma_start3A_161 = arith.constant 0 : i32
    %dma_start3A_162 = tpu.memref_slice %arg6[%dma_start3A_160, %dma_start3A_161] : memref<512x64xf32, #tpu.memory_space<vmem>> -> memref<1x64xf32, #tpu.memory_space<vmem>>
    %dma_start3A_163 = arith.constant 0 : i32
    %dma_start3A_164 = tpu.memref_slice %arg3[%squeeze3A_159, %dma_start3A_163] : memref<1000000x64xf32, #tpu.memory_space<hbm>> -> memref<1x64xf32, #tpu.memory_space<hbm>>
    %dma_start3A_165 = arith.constant 13 : i32
    %dma_start3A_166 = arith.constant 0 : i32
    %dma_start3A_167 = tpu.memref_slice %arg6[%dma_start3A_165, %dma_start3A_166] : memref<512x64xf32, #tpu.memory_space<vmem>> -> memref<1x64xf32, #tpu.memory_space<vmem>>
    %dma_start3A_168 = arith.constant 0 : i32
    %dma_start3A_169 = tpu.memref_slice %arg3[%squeeze3A_159, %dma_start3A_168] : memref<1000000x64xf32, #tpu.memory_space<hbm>> -> memref<1x64xf32, #tpu.memory_space<hbm>>
    tpu.enqueue_dma source(%dma_start3A_169 : memref<1x64xf32, #tpu.memory_space<hbm>>) target(%dma_start3A_167 : memref<1x64xf32, #tpu.memory_space<vmem>>) target_semaphore(%arg7 : memref<!tpu.dma_semaphore, #tpu.memory_space<semaphore_mem>>)
    %slice3A_170 = vector.extract_strided_slice %get3A_4 {offsets = [14], sizes = [1], strides = [1]} : vector<16xi32> to vector<1xi32>
    %squeeze3A_171 = vector.extract %slice3A_170[0] : i32 from vector<1xi32>
    %dma_start3A_172 = arith.constant 14 : i32
    %dma_start3A_173 = arith.constant 0 : i32
    %dma_start3A_174 = tpu.memref_slice %arg6[%dma_start3A_172, %dma_start3A_173] : memref<512x64xf32, #tpu.memory_space<vmem>> -> memref<1x64xf32, #tpu.memory_space<vmem>>
    %dma_start3A_175 = arith.constant 0 : i32
    %dma_start3A_176 = tpu.memref_slice %arg3[%squeeze3A_171, %dma_start3A_175] : memref<1000000x64xf32, #tpu.memory_space<hbm>> -> memref<1x64xf32, #tpu.memory_space<hbm>>
    %dma_start3A_177 = arith.constant 14 : i32
    %dma_start3A_178 = arith.constant 0 : i32
    %dma_start3A_179 = tpu.memref_slice %arg6[%dma_start3A_177, %dma_start3A_178] : memref<512x64xf32, #tpu.memory_space<vmem>> -> memref<1x64xf32, #tpu.memory_space<vmem>>
    %dma_start3A_180 = arith.constant 0 : i32
    %dma_start3A_181 = tpu.memref_slice %arg3[%squeeze3A_171, %dma_start3A_180] : memref<1000000x64xf32, #tpu.memory_space<hbm>> -> memref<1x64xf32, #tpu.memory_space<hbm>>
    tpu.enqueue_dma source(%dma_start3A_181 : memref<1x64xf32, #tpu.memory_space<hbm>>) target(%dma_start3A_179 : memref<1x64xf32, #tpu.memory_space<vmem>>) target_semaphore(%arg7 : memref<!tpu.dma_semaphore, #tpu.memory_space<semaphore_mem>>)
    %slice3A_182 = vector.extract_strided_slice %get3A_4 {offsets = [15], sizes = [1], strides = [1]} : vector<16xi32> to vector<1xi32>
    %squeeze3A_183 = vector.extract %slice3A_182[0] : i32 from vector<1xi32>
    %dma_start3A_184 = arith.constant 15 : i32
    %dma_start3A_185 = arith.constant 0 : i32
    %dma_start3A_186 = tpu.memref_slice %arg6[%dma_start3A_184, %dma_start3A_185] : memref<512x64xf32, #tpu.memory_space<vmem>> -> memref<1x64xf32, #tpu.memory_space<vmem>>
    %dma_start3A_187 = arith.constant 0 : i32
    %dma_start3A_188 = tpu.memref_slice %arg3[%squeeze3A_183, %dma_start3A_187] : memref<1000000x64xf32, #tpu.memory_space<hbm>> -> memref<1x64xf32, #tpu.memory_space<hbm>>
    %dma_start3A_189 = arith.constant 15 : i32
    %dma_start3A_190 = arith.constant 0 : i32
    %dma_start3A_191 = tpu.memref_slice %arg6[%dma_start3A_189, %dma_start3A_190] : memref<512x64xf32, #tpu.memory_space<vmem>> -> memref<1x64xf32, #tpu.memory_space<vmem>>
    %dma_start3A_192 = arith.constant 0 : i32
    %dma_start3A_193 = tpu.memref_slice %arg3[%squeeze3A_183, %dma_start3A_192] : memref<1000000x64xf32, #tpu.memory_space<hbm>> -> memref<1x64xf32, #tpu.memory_space<hbm>>
    tpu.enqueue_dma source(%dma_start3A_193 : memref<1x64xf32, #tpu.memory_space<hbm>>) target(%dma_start3A_191 : memref<1x64xf32, #tpu.memory_space<vmem>>) target_semaphore(%arg7 : memref<!tpu.dma_semaphore, #tpu.memory_space<semaphore_mem>>)
    %get3A_194 = arith.constant 16 : index
    %get3A_195 = tpu.vector_load %arg5[%get3A_194] {strides = array<i32>} : memref<512xi32, #tpu.memory_space<vmem>>, vector<16xi32>,
    %get3A_196 = vector.shape_cast %get3A_195 : vector<16xi32> to vector<16xi32>
    %slice3A_197 = vector.extract_strided_slice %get3A_196 {offsets = [0], sizes = [1], strides = [1]} : vector<16xi32> to vector<1xi32>
    %squeeze3A_198 = vector.extract %slice3A_197[0] : i32 from vector<1xi32>
    %dma_start3A_199 = arith.constant 16 : i32
    %dma_start3A_200 = arith.constant 0 : i32
    %dma_start3A_201 = tpu.memref_slice %arg6[%dma_start3A_199, %dma_start3A_200] : memref<512x64xf32, #tpu.memory_space<vmem>> -> memref<1x64xf32, #tpu.memory_space<vmem>>
    %dma_start3A_202 = arith.constant 0 : i32
    %dma_start3A_203 = tpu.memref_slice %arg3[%squeeze3A_198, %dma_start3A_202] : memref<1000000x64xf32, #tpu.memory_space<hbm>> -> memref<1x64xf32, #tpu.memory_space<hbm>>
    %dma_start3A_204 = arith.constant 16 : i32
    %dma_start3A_205 = arith.constant 0 : i32
    %dma_start3A_206 = tpu.memref_slice %arg6[%dma_start3A_204, %dma_start3A_205] : memref<512x64xf32, #tpu.memory_space<vmem>> -> memref<1x64xf32, #tpu.memory_space<vmem>>
    %dma_start3A_207 = arith.constant 0 : i32
    %dma_start3A_208 = tpu.memref_slice %arg3[%squeeze3A_198, %dma_start3A_207] : memref<1000000x64xf32, #tpu.memory_space<hbm>> -> memref<1x64xf32, #tpu.memory_space<hbm>>
    tpu.enqueue_dma source(%dma_start3A_208 : memref<1x64xf32, #tpu.memory_space<hbm>>) target(%dma_start3A_206 : memref<1x64xf32, #tpu.memory_space<vmem>>) target_semaphore(%arg7 : memref<!tpu.dma_semaphore, #tpu.memory_space<semaphore_mem>>)
    %slice3A_209 = vector.extract_strided_slice %get3A_196 {offsets = [1], sizes = [1], strides = [1]} : vector<16xi32> to vector<1xi32>
    %squeeze3A_210 = vector.extract %slice3A_209[0] : i32 from vector<1xi32>
    %dma_start3A_211 = arith.constant 17 : i32
    %dma_start3A_212 = arith.constant 0 : i32
    %dma_start3A_213 = tpu.memref_slice %arg6[%dma_start3A_211, %dma_start3A_212] : memref<512x64xf32, #tpu.memory_space<vmem>> -> memref<1x64xf32, #tpu.memory_space<vmem>>
    %dma_start3A_214 = arith.constant 0 : i32
    %dma_start3A_215 = tpu.memref_slice %arg3[%squeeze3A_210, %dma_start3A_214] : memref<1000000x64xf32, #tpu.memory_space<hbm>> -> memref<1x64xf32, #tpu.memory_space<hbm>>
    %dma_start3A_216 = arith.constant 17 : i32
    %dma_start3A_217 = arith.constant 0 : i32
    %dma_start3A_218 = tpu.memref_slice %arg6[%dma_start3A_216, %dma_start3A_217] : memref<512x64xf32, #tpu.memory_space<vmem>> -> memref<1x64xf32, #tpu.memory_space<vmem>>
    %dma_start3A_219 = arith.constant 0 : i32
    %dma_start3A_220 = tpu.memref_slice %arg3[%squeeze3A_210, %dma_start3A_219] : memref<1000000x64xf32, #tpu.memory_space<hbm>> -> memref<1x64xf32, #tpu.memory_space<hbm>>
    tpu.enqueue_dma source(%dma_start3A_220 : memref<1x64xf32, #tpu.memory_space<hbm>>) target(%dma_start3A_218 : memref<1x64xf32, #tpu.memory_space<vmem>>) target_semaphore(%arg7 : memref<!tpu.dma_semaphore, #tpu.memory_space<semaphore_mem>>)
    %slice3A_221 = vector.extract_strided_slice %get3A_196 {offsets = [2], sizes = [1], strides = [1]} : vector<16xi32> to vector<1xi32>
    %squeeze3A_222 = vector.extract %slice3A_221[0] : i32 from vector<1xi32>
    %dma_start3A_223 = arith.constant 18 : i32
    %dma_start3A_224 = arith.constant 0 : i32
    %dma_start3A_225 = tpu.memref_slice %arg6[%dma_start3A_223, %dma_start3A_224] : memref<512x64xf32, #tpu.memory_space<vmem>> -> memref<1x64xf32, #tpu.memory_space<vmem>>
    %dma_start3A_226 = arith.constant 0 : i32
    %dma_start3A_227 = tpu.memref_slice %arg3[%squeeze3A_222, %dma_start3A_226] : memref<1000000x64xf32, #tpu.memory_space<hbm>> -> memref<1x64xf32, #tpu.memory_space<hbm>>
    %dma_start3A_228 = arith.constant 18 : i32
    %dma_start3A_229 = arith.constant 0 : i32
    %dma_start3A_230 = tpu.memref_slice %arg6[%dma_start3A_228, %dma_start3A_229] : memref<512x64xf32, #tpu.memory_space<vmem>> -> memref<1x64xf32, #tpu.memory_space<vmem>>
    %dma_start3A_231 = arith.constant 0 : i32
    %dma_start3A_232 = tpu.memref_slice %arg3[%squeeze3A_222, %dma_start3A_231] : memref<1000000x64xf32, #tpu.memory_space<hbm>> -> memref<1x64xf32, #tpu.memory_space<hbm>>
    tpu.enqueue_dma source(%dma_start3A_232 : memref<1x64xf32, #tpu.memory_space<hbm>>) target(%dma_start3A_230 : memref<1x64xf32, #tpu.memory_space<vmem>>) target_semaphore(%arg7 : memref<!tpu.dma_semaphore, #tpu.memory_space<semaphore_mem>>)
    %slice3A_233 = vector.extract_strided_slice %get3A_196 {offsets = [3], sizes = [1], strides = [1]} : vector<16xi32> to vector<1xi32>
    %squeeze3A_234 = vector.extract %slice3A_233[0] : i32 from vector<1xi32>
    %dma_start3A_235 = arith.constant 19 : i32
    %dma_start3A_236 = arith.constant 0 : i32
    %dma_start3A_237 = tpu.memref_slice %arg6[%dma_start3A_235, %dma_start3A_236] : memref<512x64xf32, #tpu.memory_space<vmem>> -> memref<1x64xf32, #tpu.memory_space<vmem>>
    %dma_start3A_238 = arith.constant 0 : i32
    %dma_start3A_239 = tpu.memref_slice %arg3[%squeeze3A_234, %dma_start3A_238] : memref<1000000x64xf32, #tpu.memory_space<hbm>> -> memref<1x64xf32, #tpu.memory_space<hbm>>
    %dma_start3A_240 = arith.constant 19 : i32
    %dma_start3A_241 = arith.constant 0 : i32
    %dma_start3A_242 = tpu.memref_slice %arg6[%dma_start3A_240, %dma_start3A_241] : memref<512x64xf32, #tpu.memory_space<vmem>> -> memref<1x64xf32, #tpu.memory_space<vmem>>
    %dma_start3A_243 = arith.constant 0 : i32
    %dma_start3A_244 = tpu.memref_slice %arg3[%squeeze3A_234, %dma_start3A_243] : memref<1000000x64xf32, #tpu.memory_space<hbm>> -> memref<1x64xf32, #tpu.memory_space<hbm>>
    tpu.enqueue_dma source(%dma_start3A_244 : memref<1x64xf32, #tpu.memory_space<hbm>>) target(%dma_start3A_242 : memref<1x64xf32, #tpu.memory_space<vmem>>) target_semaphore(%arg7 : memref<!tpu.dma_semaphore, #tpu.memory_space<semaphore_mem>>)
    %slice3A_245 = vector.extract_strided_slice %get3A_196 {offsets = [4], sizes = [1], strides = [1]} : vector<16xi32> to vector<1xi32>
    %squeeze3A_246 = vector.extract %slice3A_245[0] : i32 from vector<1xi32>
    %dma_start3A_247 = arith.constant 20 : i32
    %dma_start3A_248 = arith.constant 0 : i32
    %dma_start3A_249 = tpu.memref_slice %arg6[%dma_start3A_247, %dma_start3A_248] : memref<512x64xf32, #tpu.memory_space<vmem>> -> memref<1x64xf32, #tpu.memory_space<vmem>>
    %dma_start3A_250 = arith.constant 0 : i32
    %dma_start3A_251 = tpu.memref_slice %arg3[%squeeze3A_246, %dma_start3A_250] : memref<1000000x64xf32, #tpu.memory_space<hbm>> -> memref<1x64xf32, #tpu.memory_space<hbm>>
    %dma_start3A_252 = arith.constant 20 : i32
    %dma_start3A_253 = arith.constant 0 : i32
    %dma_start3A_254 = tpu.memref_slice %arg6[%dma_start3A_252, %dma_start3A_253] : memref<512x64xf32, #tpu.memory_space<vmem>> -> memref<1x64xf32, #tpu.memory_space<vmem>>
    %dma_start3A_255 = arith.constant 0 : i32
    %dma_start3A_256 = tpu.memref_slice %arg3[%squeeze3A_246, %dma_start3A_255] : memref<1000000x64xf32, #tpu.memory_space<hbm>> -> memref<1x64xf32, #tpu.memory_space<hbm>>
    tpu.enqueue_dma source(%dma_start3A_256 : memref<1x64xf32, #tpu.memory_space<hbm>>) target(%dma_start3A_254 : memref<1x64xf32, #tpu.memory_space<vmem>>) target_semaphore(%arg7 : memref<!tpu.dma_semaphore, #tpu.memory_space<semaphore_mem>>)
    %slice3A_257 = vector.extract_strided_slice %get3A_196 {offsets = [5], sizes = [1], strides = [1]} : vector<16xi32> to vector<1xi32>
    %squeeze3A_258 = vector.extract %slice3A_257[0] : i32 from vector<1xi32>
    %dma_start3A_259 = arith.constant 21 : i32
    %dma_start3A_260 = arith.constant 0 : i32
    %dma_start3A_261 = tpu.memref_slice %arg6[%dma_start3A_259, %dma_start3A_260] : memref<512x64xf32, #tpu.memory_space<vmem>> -> memref<1x64xf32, #tpu.memory_space<vmem>>
    %dma_start3A_262 = arith.constant 0 : i32
    %dma_start3A_263 = tpu.memref_slice %arg3[%squeeze3A_258, %dma_start3A_262] : memref<1000000x64xf32, #tpu.memory_space<hbm>> -> memref<1x64xf32, #tpu.memory_space<hbm>>
    %dma_start3A_264 = arith.constant 21 : i32
    %dma_start3A_265 = arith.constant 0 : i32
    %dma_start3A_266 = tpu.memref_slice %arg6[%dma_start3A_264, %dma_start3A_265] : memref<512x64xf32, #tpu.memory_space<vmem>> -> memref<1x64xf32, #tpu.memory_space<vmem>>
    %dma_start3A_267 = arith.constant 0 : i32
    %dma_start3A_268 = tpu.memref_slice %arg3[%squeeze3A_258, %dma_start3A_267] : memref<1000000x64xf32, #tpu.memory_space<hbm>> -> memref<1x64xf32, #tpu.memory_space<hbm>>
    tpu.enqueue_dma source(%dma_start3A_268 : memref<1x64xf32, #tpu.memory_space<hbm>>) target(%dma_start3A_266 : memref<1x64xf32, #tpu.memory_space<vmem>>) target_semaphore(%arg7 : memref<!tpu.dma_semaphore, #tpu.memory_space<semaphore_mem>>)
    %slice3A_269 = vector.extract_strided_slice %get3A_196 {offsets = [6], sizes = [1], strides = [1]} : vector<16xi32> to vector<1xi32>
    %squeeze3A_270 = vector.extract %slice3A_269[0] : i32 from vector<1xi32>
    %dma_start3A_271 = arith.constant 22 : i32
    %dma_start3A_272 = arith.constant 0 : i32
    %dma_start3A_273 = tpu.memref_slice %arg6[%dma_start3A_271, %dma_start3A_272] : memref<512x64xf32, #tpu.memory_space<vmem>> -> memref<1x64xf32, #tpu.memory_space<vmem>>
    %dma_start3A_274 = arith.constant 0 : i32
    %dma_start3A_275 = tpu.memref_slice %arg3[%squeeze3A_270, %dma_start3A_274] : memref<1000000x64xf32, #tpu.memory_space<hbm>> -> memref<1x64xf32, #tpu.memory_space<hbm>>
    %dma_start3A_276 = arith.constant 22 : i32
    %dma_start3A_277 = arith.constant 0 : i32
    %dma_start3A_278 = tpu.memref_slice %arg6[%dma_start3A_276, %dma_start3A_277] : memref<512x64xf32, #tpu.memory_space<vmem>> -> memref<1x64xf32, #tpu.memory_space<vmem>>
    %dma_start3A_279 = arith.constant 0 : i32
    %dma_start3A_280 = tpu.memref_slice %arg3[%squeeze3A_270, %dma_start3A_279] : memref<1000000x64xf32, #tpu.memory_space<hbm>> -> memref<1x64xf32, #tpu.memory_space<hbm>>
    tpu.enqueue_dma source(%dma_start3A_280 : memref<1x64xf32, #tpu.memory_space<hbm>>) target(%dma_start3A_278 : memref<1x64xf32, #tpu.memory_space<vmem>>) target_semaphore(%arg7 : memref<!tpu.dma_semaphore, #tpu.memory_space<semaphore_mem>>)
    %slice3A_281 = vector.extract_strided_slice %get3A_196 {offsets = [7], sizes = [1], strides = [1]} : vector<16xi32> to vector<1xi32>
    %squeeze3A_282 = vector.extract %slice3A_281[0] : i32 from vector<1xi32>
    %dma_start3A_283 = arith.constant 23 : i32
    %dma_start3A_284 = arith.constant 0 : i32
    %dma_start3A_285 = tpu.memref_slice %arg6[%dma_start3A_283, %dma_start3A_284] : memref<512x64xf32, #tpu.memory_space<vmem>> -> memref<1x64xf32, #tpu.memory_space<vmem>>
    %dma_start3A_286 = arith.constant 0 : i32
    %dma_start3A_287 = tpu.memref_slice %arg3[%squeeze3A_282, %dma_start3A_286] : memref<1000000x64xf32, #tpu.memory_space<hbm>> -> memref<1x64xf32, #tpu.memory_space<hbm>>
    %dma_start3A_288 = arith.constant 23 : i32
    %dma_start3A_289 = arith.constant 0 : i32
    %dma_start3A_290 = tpu.memref_slice %arg6[%dma_start3A_288, %dma_start3A_289] : memref<512x64xf32, #tpu.memory_space<vmem>> -> memref<1x64xf32, #tpu.memory_space<vmem>>
    %dma_start3A_291 = arith.constant 0 : i32
    %dma_start3A_292 = tpu.memref_slice %arg3[%squeeze3A_282, %dma_start3A_291] : memref<1000000x64xf32, #tpu.memory_space<hbm>> -> memref<1x64xf32, #tpu.memory_space<hbm>>
    tpu.enqueue_dma source(%dma_start3A_292 : memref<1x64xf32, #tpu.memory_space<hbm>>) target(%dma_start3A_290 : memref<1x64xf32, #tpu.memory_space<vmem>>) target_semaphore(%arg7 : memref<!tpu.dma_semaphore, #tpu.memory_space<semaphore_mem>>)
    %slice3A_293 = vector.extract_strided_slice %get3A_196 {offsets = [8], sizes = [1], strides = [1]} : vector<16xi32> to vector<1xi32>
    %squeeze3A_294 = vector.extract %slice3A_293[0] : i32 from vector<1xi32>
    %dma_start3A_295 = arith.constant 24 : i32
    %dma_start3A_296 = arith.constant 0 : i32
    %dma_start3A_297 = tpu.memref_slice %arg6[%dma_start3A_295, %dma_start3A_296] : memref<512x64xf32, #tpu.memory_space<vmem>> -> memref<1x64xf32, #tpu.memory_space<vmem>>
    %dma_start3A_298 = arith.constant 0 : i32
    %dma_start3A_299 = tpu.memref_slice %arg3[%squeeze3A_294, %dma_start3A_298] : memref<1000000x64xf32, #tpu.memory_space<hbm>> -> memref<1x64xf32, #tpu.memory_space<hbm>>
    %dma_start3A_300 = arith.constant 24 : i32
    %dma_start3A_301 = arith.constant 0 : i32
    %dma_start3A_302 = tpu.memref_slice %arg6[%dma_start3A_300, %dma_start3A_301] : memref<512x64xf32, #tpu.memory_space<vmem>> -> memref<1x64xf32, #tpu.memory_space<vmem>>
    %dma_start3A_303 = arith.constant 0 : i32
    %dma_start3A_304 = tpu.memref_slice %arg3[%squeeze3A_294, %dma_start3A_303] : memref<1000000x64xf32, #tpu.memory_space<hbm>> -> memref<1x64xf32, #tpu.memory_space<hbm>>
    tpu.enqueue_dma source(%dma_start3A_304 : memref<1x64xf32, #tpu.memory_space<hbm>>) target(%dma_start3A_302 : memref<1x64xf32, #tpu.memory_space<vmem>>) target_semaphore(%arg7 : memref<!tpu.dma_semaphore, #tpu.memory_space<semaphore_mem>>)
    %slice3A_305 = vector.extract_strided_slice %get3A_196 {offsets = [9], sizes = [1], strides = [1]} : vector<16xi32> to vector<1xi32>
    %squeeze3A_306 = vector.extract %slice3A_305[0] : i32 from vector<1xi32>
    %dma_start3A_307 = arith.constant 25 : i32
    %dma_start3A_308 = arith.constant 0 : i32
    %dma_start3A_309 = tpu.memref_slice %arg6[%dma_start3A_307, %dma_start3A_308] : memref<512x64xf32, #tpu.memory_space<vmem>> -> memref<1x64xf32, #tpu.memory_space<vmem>>
    %dma_start3A_310 = arith.constant 0 : i32
    %dma_start3A_311 = tpu.memref_slice %arg3[%squeeze3A_306, %dma_start3A_310] : memref<1000000x64xf32, #tpu.memory_space<hbm>> -> memref<1x64xf32, #tpu.memory_space<hbm>>
    %dma_start3A_312 = arith.constant 25 : i32
    %dma_start3A_313 = arith.constant 0 : i32
    %dma_start3A_314 = tpu.memref_slice %arg6[%dma_start3A_312, %dma_start3A_313] : memref<512x64xf32, #tpu.memory_space<vmem>> -> memref<1x64xf32, #tpu.memory_space<vmem>>
    %dma_start3A_315 = arith.constant 0 : i32
    %dma_start3A_316 = tpu.memref_slice %arg3[%squeeze3A_306, %dma_start3A_315] : memref<1000000x64xf32, #tpu.memory_space<hbm>> -> memref<1x64xf32, #tpu.memory_space<hbm>>
    tpu.enqueue_dma source(%dma_start3A_316 : memref<1x64xf32, #tpu.memory_space<hbm>>) target(%dma_start3A_314 : memref<1x64xf32, #tpu.memory_space<vmem>>) target_semaphore(%arg7 : memref<!tpu.dma_semaphore, #tpu.memory_space<semaphore_mem>>)
    %slice3A_317 = vector.extract_strided_slice %get3A_196 {offsets = [10], sizes = [1], strides = [1]} : vector<16xi32> to vector<1xi32>
    %squeeze3A_318 = vector.extract %slice3A_317[0] : i32 from vector<1xi32>
    %dma_start3A_319 = arith.constant 26 : i32
    %dma_start3A_320 = arith.constant 0 : i32
    %dma_start3A_321 = tpu.memref_slice %arg6[%dma_start3A_319, %dma_start3A_320] : memref<512x64xf32, #tpu.memory_space<vmem>> -> memref<1x64xf32, #tpu.memory_space<vmem>>
    %dma_start3A_322 = arith.constant 0 : i32
    %dma_start3A_323 = tpu.memref_slice %arg3[%squeeze3A_318, %dma_start3A_322] : memref<1000000x64xf32, #tpu.memory_space<hbm>> -> memref<1x64xf32, #tpu.memory_space<hbm>>
    %dma_start3A_324 = arith.constant 26 : i32
    %dma_start3A_325 = arith.constant 0 : i32
    %dma_start3A_326 = tpu.memref_slice %arg6[%dma_start3A_324, %dma_start3A_325] : memref<512x64xf32, #tpu.memory_space<vmem>> -> memref<1x64xf32, #tpu.memory_space<vmem>>
    %dma_start3A_327 = arith.constant 0 : i32
    %dma_start3A_328 = tpu.memref_slice %arg3[%squeeze3A_318, %dma_start3A_327] : memref<1000000x64xf32, #tpu.memory_space<hbm>> -> memref<1x64xf32, #tpu.memory_space<hbm>>
    tpu.enqueue_dma source(%dma_start3A_328 : memref<1x64xf32, #tpu.memory_space<hbm>>) target(%dma_start3A_326 : memref<1x64xf32, #tpu.memory_space<vmem>>) target_semaphore(%arg7 : memref<!tpu.dma_semaphore, #tpu.memory_space<semaphore_mem>>)
    %slice3A_329 = vector.extract_strided_slice %get3A_196 {offsets = [11], sizes = [1], strides = [1]} : vector<16xi32> to vector<1xi32>
    %squeeze3A_330 = vector.extract %slice3A_329[0] : i32 from vector<1xi32>
    %dma_start3A_331 = arith.constant 27 : i32
    %dma_start3A_332 = arith.constant 0 : i32
    %dma_start3A_333 = tpu.memref_slice %arg6[%dma_start3A_331, %dma_start3A_332] : memref<512x64xf32, #tpu.memory_space<vmem>> -> memref<1x64xf32, #tpu.memory_space<vmem>>
    %dma_start3A_334 = arith.constant 0 : i32
    %dma_start3A_335 = tpu.memref_slice %arg3[%squeeze3A_330, %dma_start3A_334] : memref<1000000x64xf32, #tpu.memory_space<hbm>> -> memref<1x64xf32, #tpu.memory_space<hbm>>
    %dma_start3A_336 = arith.constant 27 : i32
    %dma_start3A_337 = arith.constant 0 : i32
    %dma_start3A_338 = tpu.memref_slice %arg6[%dma_start3A_336, %dma_start3A_337] : memref<512x64xf32, #tpu.memory_space<vmem>> -> memref<1x64xf32, #tpu.memory_space<vmem>>
    %dma_start3A_339 = arith.constant 0 : i32
    %dma_start3A_340 = tpu.memref_slice %arg3[%squeeze3A_330, %dma_start3A_339] : memref<1000000x64xf32, #tpu.memory_space<hbm>> -> memref<1x64xf32, #tpu.memory_space<hbm>>
    tpu.enqueue_dma source(%dma_start3A_340 : memref<1x64xf32, #tpu.memory_space<hbm>>) target(%dma_start3A_338 : memref<1x64xf32, #tpu.memory_space<vmem>>) target_semaphore(%arg7 : memref<!tpu.dma_semaphore, #tpu.memory_space<semaphore_mem>>)
    %slice3A_341 = vector.extract_strided_slice %get3A_196 {offsets = [12], sizes = [1], strides = [1]} : vector<16xi32> to vector<1xi32>
    %squeeze3A_342 = vector.extract %slice3A_341[0] : i32 from vector<1xi32>
    %dma_start3A_343 = arith.constant 28 : i32
    %dma_start3A_344 = arith.constant 0 : i32
    %dma_start3A_345 = tpu.memref_slice %arg6[%dma_start3A_343, %dma_start3A_344] : memref<512x64xf32, #tpu.memory_space<vmem>> -> memref<1x64xf32, #tpu.memory_space<vmem>>
    %dma_start3A_346 = arith.constant 0 : i32
    %dma_start3A_347 = tpu.memref_slice %arg3[%squeeze3A_342, %dma_start3A_346] : memref<1000000x64xf32, #tpu.memory_space<hbm>> -> memref<1x64xf32, #tpu.memory_space<hbm>>
    %dma_start3A_348 = arith.constant 28 : i32
    %dma_start3A_349 = arith.constant 0 : i32
    %dma_start3A_350 = tpu.memref_slice %arg6[%dma_start3A_348, %dma_start3A_349] : memref<512x64xf32, #tpu.memory_space<vmem>> -> memref<1x64xf32, #tpu.memory_space<vmem>>
    %dma_start3A_351 = arith.constant 0 : i32
    %dma_start3A_352 = tpu.memref_slice %arg3[%squeeze3A_342, %dma_start3A_351] : memref<1000000x64xf32, #tpu.memory_space<hbm>> -> memref<1x64xf32, #tpu.memory_space<hbm>>
    tpu.enqueue_dma source(%dma_start3A_352 : memref<1x64xf32, #tpu.memory_space<hbm>>) target(%dma_start3A_350 : memref<1x64xf32, #tpu.memory_space<vmem>>) target_semaphore(%arg7 : memref<!tpu.dma_semaphore, #tpu.memory_space<semaphore_mem>>)
    %slice3A_353 = vector.extract_strided_slice %get3A_196 {offsets = [13], sizes = [1], strides = [1]} : vector<16xi32> to vector<1xi32>
    %squeeze3A_354 = vector.extract %slice3A_353[0] : i32 from vector<1xi32>
    %dma_start3A_355 = arith.constant 29 : i32
    %dma_start3A_356 = arith.constant 0 : i32
    %dma_start3A_357 = tpu.memref_slice %arg6[%dma_start3A_355, %dma_start3A_356] : memref<512x64xf32, #tpu.memory_space<vmem>> -> memref<1x64xf32, #tpu.memory_space<vmem>>
    %dma_start3A_358 = arith.constant 0 : i32
    %dma_start3A_359 = tpu.memref_slice %arg3[%squeeze3A_354, %dma_start3A_358] : memref<1000000x64xf32, #tpu.memory_space<hbm>> -> memref<1x64xf32, #tpu.memory_space<hbm>>
    %dma_start3A_360 = arith.constant 29 : i32
    %dma_start3A_361 = arith.constant 0 : i32
    %dma_start3A_362 = tpu.memref_slice %arg6[%dma_start3A_360, %dma_start3A_361] : memref<512x64xf32, #tpu.memory_space<vmem>> -> memref<1x64xf32, #tpu.memory_space<vmem>>
    %dma_start3A_363 = arith.constant 0 : i32
    %dma_start3A_364 = tpu.memref_slice %arg3[%squeeze3A_354, %dma_start3A_363] : memref<1000000x64xf32, #tpu.memory_space<hbm>> -> memref<1x64xf32, #tpu.memory_space<hbm>>
    tpu.enqueue_dma source(%dma_start3A_364 : memref<1x64xf32, #tpu.memory_space<hbm>>) target(%dma_start3A_362 : memref<1x64xf32, #tpu.memory_space<vmem>>) target_semaphore(%arg7 : memref<!tpu.dma_semaphore, #tpu.memory_space<semaphore_mem>>)
    %slice3A_365 = vector.extract_strided_slice %get3A_196 {offsets = [14], sizes = [1], strides = [1]} : vector<16xi32> to vector<1xi32>
    %squeeze3A_366 = vector.extract %slice3A_365[0] : i32 from vector<1xi32>
    %dma_start3A_367 = arith.constant 30 : i32
    %dma_start3A_368 = arith.constant 0 : i32
    %dma_start3A_369 = tpu.memref_slice %arg6[%dma_start3A_367, %dma_start3A_368] : memref<512x64xf32, #tpu.memory_space<vmem>> -> memref<1x64xf32, #tpu.memory_space<vmem>>
    %dma_start3A_370 = arith.constant 0 : i32
    %dma_start3A_371 = tpu.memref_slice %arg3[%squeeze3A_366, %dma_start3A_370] : memref<1000000x64xf32, #tpu.memory_space<hbm>> -> memref<1x64xf32, #tpu.memory_space<hbm>>
    %dma_start3A_372 = arith.constant 30 : i32
    %dma_start3A_373 = arith.constant 0 : i32
    %dma_start3A_374 = tpu.memref_slice %arg6[%dma_start3A_372, %dma_start3A_373] : memref<512x64xf32, #tpu.memory_space<vmem>> -> memref<1x64xf32, #tpu.memory_space<vmem>>
    %dma_start3A_375 = arith.constant 0 : i32
    %dma_start3A_376 = tpu.memref_slice %arg3[%squeeze3A_366, %dma_start3A_375] : memref<1000000x64xf32, #tpu.memory_space<hbm>> -> memref<1x64xf32, #tpu.memory_space<hbm>>
    tpu.enqueue_dma source(%dma_start3A_376 : memref<1x64xf32, #tpu.memory_space<hbm>>) target(%dma_start3A_374 : memref<1x64xf32, #tpu.memory_space<vmem>>) target_semaphore(%arg7 : memref<!tpu.dma_semaphore, #tpu.memory_space<semaphore_mem>>)
    %slice3A_377 = vector.extract_strided_slice %get3A_196 {offsets = [15], sizes = [1], strides = [1]} : vector<16xi32> to vector<1xi32>
    %squeeze3A_378 = vector.extract %slice3A_377[0] : i32 from vector<1xi32>
    %dma_start3A_379 = arith.constant 31 : i32
    %dma_start3A_380 = arith.constant 0 : i32
    %dma_start3A_381 = tpu.memref_slice %arg6[%dma_start3A_379, %dma_start3A_380] : memref<512x64xf32, #tpu.memory_space<vmem>> -> memref<1x64xf32, #tpu.memory_space<vmem>>
    %dma_start3A_382 = arith.constant 0 : i32
    %dma_start3A_383 = tpu.memref_slice %arg3[%squeeze3A_378, %dma_start3A_382] : memref<1000000x64xf32, #tpu.memory_space<hbm>> -> memref<1x64xf32, #tpu.memory_space<hbm>>
    %dma_start3A_384 = arith.constant 31 : i32
    %dma_start3A_385 = arith.constant 0 : i32
    %dma_start3A_386 = tpu.memref_slice %arg6[%dma_start3A_384, %dma_start3A_385] : memref<512x64xf32, #tpu.memory_space<vmem>> -> memref<1x64xf32, #tpu.memory_space<vmem>>
    %dma_start3A_387 = arith.constant 0 : i32
    %dma_start3A_388 = tpu.memref_slice %arg3[%squeeze3A_378, %dma_start3A_387] : memref<1000000x64xf32, #tpu.memory_space<hbm>> -> memref<1x64xf32, #tpu.memory_space<hbm>>
    tpu.enqueue_dma source(%dma_start3A_388 : memref<1x64xf32, #tpu.memory_space<hbm>>) target(%dma_start3A_386 : memref<1x64xf32, #tpu.memory_space<vmem>>) target_semaphore(%arg7 : memref<!tpu.dma_semaphore, #tpu.memory_space<semaphore_mem>>)
    %scan3A = arith.constant 0 : i32
    %scan3A_389 = arith.constant 0 : i32
    %scan3A_390 = arith.constant 32 : i32
    %scan3A_391 = arith.addi %scan3A_389, %scan3A_390 : i32
    %scan3A_392 = arith.constant 1 : i32
    %scan3A_393 = scf.for %scan3A_395 = %scan3A_389 to %scan3A_391 step %scan3A_392 iter_args(%scan3A_396 = %scan3A) -> (i32)  : i32 {
      %add3A_397 = arith.constant 2 : i32
      %add3A_398 = arith.addi %scan3A_395, %add3A_397 : i32
      %lt3A = arith.constant 32 : i32
      %lt3A_399 = arith.cmpi slt, %add3A_398, %lt3A : i32
      %convert_element_type3A = arith.extui %lt3A_399 : i1 to i32
      %cond3A = arith.constant 0 : i32
      %cond3A_400 = arith.cmpi ne, %convert_element_type3A, %cond3A : i32
      scf.if %cond3A_400 {
        %add3A_593 = arith.constant 2 : i32
        %add3A_594 = arith.addi %scan3A_395, %add3A_593 : i32
        %mul3A_595 = arith.constant 16 : i32
        %mul3A_596 = arith.muli %add3A_594, %mul3A_595 : i32
        %get3A_597 = arith.index_cast %mul3A_596 : i32 to index
        %get3A_598 = tpu.vector_load %arg5[%get3A_597] {strides = array<i32>} : memref<512xi32, #tpu.memory_space<vmem>>, vector<16xi32>,
        %get3A_599 = vector.shape_cast %get3A_598 : vector<16xi32> to vector<16xi32>
        %slice3A_600 = vector.extract_strided_slice %get3A_599 {offsets = [0], sizes = [1], strides = [1]} : vector<16xi32> to vector<1xi32>
        %squeeze3A_601 = vector.extract %slice3A_600[0] : i32 from vector<1xi32>
        %mul3A_602 = arith.constant 16 : i32
        %mul3A_603 = arith.muli %add3A_594, %mul3A_602 : i32
        %add3A_604 = arith.constant 0 : i32
        %add3A_605 = arith.addi %mul3A_603, %add3A_604 : i32
        %dma_start3A_606 = arith.constant 0 : i32
        %dma_start3A_607 = tpu.memref_slice %arg6[%add3A_605, %dma_start3A_606] : memref<512x64xf32, #tpu.memory_space<vmem>> -> memref<1x64xf32, #tpu.memory_space<vmem>>
        %dma_start3A_608 = arith.constant 0 : i32
        %dma_start3A_609 = tpu.memref_slice %arg3[%squeeze3A_601, %dma_start3A_608] : memref<1000000x64xf32, #tpu.memory_space<hbm>> -> memref<1x64xf32, #tpu.memory_space<hbm>>
        %dma_start3A_610 = arith.constant 0 : i32
        %dma_start3A_611 = tpu.memref_slice %arg6[%add3A_605, %dma_start3A_610] : memref<512x64xf32, #tpu.memory_space<vmem>> -> memref<1x64xf32, #tpu.memory_space<vmem>>
        %dma_start3A_612 = arith.constant 0 : i32
        %dma_start3A_613 = tpu.memref_slice %arg3[%squeeze3A_601, %dma_start3A_612] : memref<1000000x64xf32, #tpu.memory_space<hbm>> -> memref<1x64xf32, #tpu.memory_space<hbm>>
        tpu.enqueue_dma source(%dma_start3A_613 : memref<1x64xf32, #tpu.memory_space<hbm>>) target(%dma_start3A_611 : memref<1x64xf32, #tpu.memory_space<vmem>>) target_semaphore(%arg7 : memref<!tpu.dma_semaphore, #tpu.memory_space<semaphore_mem>>)
        %slice3A_614 = vector.extract_strided_slice %get3A_599 {offsets = [1], sizes = [1], strides = [1]} : vector<16xi32> to vector<1xi32>
        %squeeze3A_615 = vector.extract %slice3A_614[0] : i32 from vector<1xi32>
        %mul3A_616 = arith.constant 16 : i32
        %mul3A_617 = arith.muli %add3A_594, %mul3A_616 : i32
        %add3A_618 = arith.constant 1 : i32
        %add3A_619 = arith.addi %mul3A_617, %add3A_618 : i32
        %dma_start3A_620 = arith.constant 0 : i32
        %dma_start3A_621 = tpu.memref_slice %arg6[%add3A_619, %dma_start3A_620] : memref<512x64xf32, #tpu.memory_space<vmem>> -> memref<1x64xf32, #tpu.memory_space<vmem>>
        %dma_start3A_622 = arith.constant 0 : i32
        %dma_start3A_623 = tpu.memref_slice %arg3[%squeeze3A_615, %dma_start3A_622] : memref<1000000x64xf32, #tpu.memory_space<hbm>> -> memref<1x64xf32, #tpu.memory_space<hbm>>
        %dma_start3A_624 = arith.constant 0 : i32
        %dma_start3A_625 = tpu.memref_slice %arg6[%add3A_619, %dma_start3A_624] : memref<512x64xf32, #tpu.memory_space<vmem>> -> memref<1x64xf32, #tpu.memory_space<vmem>>
        %dma_start3A_626 = arith.constant 0 : i32
        %dma_start3A_627 = tpu.memref_slice %arg3[%squeeze3A_615, %dma_start3A_626] : memref<1000000x64xf32, #tpu.memory_space<hbm>> -> memref<1x64xf32, #tpu.memory_space<hbm>>
        tpu.enqueue_dma source(%dma_start3A_627 : memref<1x64xf32, #tpu.memory_space<hbm>>) target(%dma_start3A_625 : memref<1x64xf32, #tpu.memory_space<vmem>>) target_semaphore(%arg7 : memref<!tpu.dma_semaphore, #tpu.memory_space<semaphore_mem>>)
        %slice3A_628 = vector.extract_strided_slice %get3A_599 {offsets = [2], sizes = [1], strides = [1]} : vector<16xi32> to vector<1xi32>
        %squeeze3A_629 = vector.extract %slice3A_628[0] : i32 from vector<1xi32>
        %mul3A_630 = arith.constant 16 : i32
        %mul3A_631 = arith.muli %add3A_594, %mul3A_630 : i32
        %add3A_632 = arith.constant 2 : i32
        %add3A_633 = arith.addi %mul3A_631, %add3A_632 : i32
        %dma_start3A_634 = arith.constant 0 : i32
        %dma_start3A_635 = tpu.memref_slice %arg6[%add3A_633, %dma_start3A_634] : memref<512x64xf32, #tpu.memory_space<vmem>> -> memref<1x64xf32, #tpu.memory_space<vmem>>
        %dma_start3A_636 = arith.constant 0 : i32
        %dma_start3A_637 = tpu.memref_slice %arg3[%squeeze3A_629, %dma_start3A_636] : memref<1000000x64xf32, #tpu.memory_space<hbm>> -> memref<1x64xf32, #tpu.memory_space<hbm>>
        %dma_start3A_638 = arith.constant 0 : i32
        %dma_start3A_639 = tpu.memref_slice %arg6[%add3A_633, %dma_start3A_638] : memref<512x64xf32, #tpu.memory_space<vmem>> -> memref<1x64xf32, #tpu.memory_space<vmem>>
        %dma_start3A_640 = arith.constant 0 : i32
        %dma_start3A_641 = tpu.memref_slice %arg3[%squeeze3A_629, %dma_start3A_640] : memref<1000000x64xf32, #tpu.memory_space<hbm>> -> memref<1x64xf32, #tpu.memory_space<hbm>>
        tpu.enqueue_dma source(%dma_start3A_641 : memref<1x64xf32, #tpu.memory_space<hbm>>) target(%dma_start3A_639 : memref<1x64xf32, #tpu.memory_space<vmem>>) target_semaphore(%arg7 : memref<!tpu.dma_semaphore, #tpu.memory_space<semaphore_mem>>)
        %slice3A_642 = vector.extract_strided_slice %get3A_599 {offsets = [3], sizes = [1], strides = [1]} : vector<16xi32> to vector<1xi32>
        %squeeze3A_643 = vector.extract %slice3A_642[0] : i32 from vector<1xi32>
        %mul3A_644 = arith.constant 16 : i32
        %mul3A_645 = arith.muli %add3A_594, %mul3A_644 : i32
        %add3A_646 = arith.constant 3 : i32
        %add3A_647 = arith.addi %mul3A_645, %add3A_646 : i32
        %dma_start3A_648 = arith.constant 0 : i32
        %dma_start3A_649 = tpu.memref_slice %arg6[%add3A_647, %dma_start3A_648] : memref<512x64xf32, #tpu.memory_space<vmem>> -> memref<1x64xf32, #tpu.memory_space<vmem>>
        %dma_start3A_650 = arith.constant 0 : i32
        %dma_start3A_651 = tpu.memref_slice %arg3[%squeeze3A_643, %dma_start3A_650] : memref<1000000x64xf32, #tpu.memory_space<hbm>> -> memref<1x64xf32, #tpu.memory_space<hbm>>
        %dma_start3A_652 = arith.constant 0 : i32
        %dma_start3A_653 = tpu.memref_slice %arg6[%add3A_647, %dma_start3A_652] : memref<512x64xf32, #tpu.memory_space<vmem>> -> memref<1x64xf32, #tpu.memory_space<vmem>>
        %dma_start3A_654 = arith.constant 0 : i32
        %dma_start3A_655 = tpu.memref_slice %arg3[%squeeze3A_643, %dma_start3A_654] : memref<1000000x64xf32, #tpu.memory_space<hbm>> -> memref<1x64xf32, #tpu.memory_space<hbm>>
        tpu.enqueue_dma source(%dma_start3A_655 : memref<1x64xf32, #tpu.memory_space<hbm>>) target(%dma_start3A_653 : memref<1x64xf32, #tpu.memory_space<vmem>>) target_semaphore(%arg7 : memref<!tpu.dma_semaphore, #tpu.memory_space<semaphore_mem>>)
        %slice3A_656 = vector.extract_strided_slice %get3A_599 {offsets = [4], sizes = [1], strides = [1]} : vector<16xi32> to vector<1xi32>
        %squeeze3A_657 = vector.extract %slice3A_656[0] : i32 from vector<1xi32>
        %mul3A_658 = arith.constant 16 : i32
        %mul3A_659 = arith.muli %add3A_594, %mul3A_658 : i32
        %add3A_660 = arith.constant 4 : i32
        %add3A_661 = arith.addi %mul3A_659, %add3A_660 : i32
        %dma_start3A_662 = arith.constant 0 : i32
        %dma_start3A_663 = tpu.memref_slice %arg6[%add3A_661, %dma_start3A_662] : memref<512x64xf32, #tpu.memory_space<vmem>> -> memref<1x64xf32, #tpu.memory_space<vmem>>
        %dma_start3A_664 = arith.constant 0 : i32
        %dma_start3A_665 = tpu.memref_slice %arg3[%squeeze3A_657, %dma_start3A_664] : memref<1000000x64xf32, #tpu.memory_space<hbm>> -> memref<1x64xf32, #tpu.memory_space<hbm>>
        %dma_start3A_666 = arith.constant 0 : i32
        %dma_start3A_667 = tpu.memref_slice %arg6[%add3A_661, %dma_start3A_666] : memref<512x64xf32, #tpu.memory_space<vmem>> -> memref<1x64xf32, #tpu.memory_space<vmem>>
        %dma_start3A_668 = arith.constant 0 : i32
        %dma_start3A_669 = tpu.memref_slice %arg3[%squeeze3A_657, %dma_start3A_668] : memref<1000000x64xf32, #tpu.memory_space<hbm>> -> memref<1x64xf32, #tpu.memory_space<hbm>>
        tpu.enqueue_dma source(%dma_start3A_669 : memref<1x64xf32, #tpu.memory_space<hbm>>) target(%dma_start3A_667 : memref<1x64xf32, #tpu.memory_space<vmem>>) target_semaphore(%arg7 : memref<!tpu.dma_semaphore, #tpu.memory_space<semaphore_mem>>)
        %slice3A_670 = vector.extract_strided_slice %get3A_599 {offsets = [5], sizes = [1], strides = [1]} : vector<16xi32> to vector<1xi32>
        %squeeze3A_671 = vector.extract %slice3A_670[0] : i32 from vector<1xi32>
        %mul3A_672 = arith.constant 16 : i32
        %mul3A_673 = arith.muli %add3A_594, %mul3A_672 : i32
        %add3A_674 = arith.constant 5 : i32
        %add3A_675 = arith.addi %mul3A_673, %add3A_674 : i32
        %dma_start3A_676 = arith.constant 0 : i32
        %dma_start3A_677 = tpu.memref_slice %arg6[%add3A_675, %dma_start3A_676] : memref<512x64xf32, #tpu.memory_space<vmem>> -> memref<1x64xf32, #tpu.memory_space<vmem>>
        %dma_start3A_678 = arith.constant 0 : i32
        %dma_start3A_679 = tpu.memref_slice %arg3[%squeeze3A_671, %dma_start3A_678] : memref<1000000x64xf32, #tpu.memory_space<hbm>> -> memref<1x64xf32, #tpu.memory_space<hbm>>
        %dma_start3A_680 = arith.constant 0 : i32
        %dma_start3A_681 = tpu.memref_slice %arg6[%add3A_675, %dma_start3A_680] : memref<512x64xf32, #tpu.memory_space<vmem>> -> memref<1x64xf32, #tpu.memory_space<vmem>>
        %dma_start3A_682 = arith.constant 0 : i32
        %dma_start3A_683 = tpu.memref_slice %arg3[%squeeze3A_671, %dma_start3A_682] : memref<1000000x64xf32, #tpu.memory_space<hbm>> -> memref<1x64xf32, #tpu.memory_space<hbm>>
        tpu.enqueue_dma source(%dma_start3A_683 : memref<1x64xf32, #tpu.memory_space<hbm>>) target(%dma_start3A_681 : memref<1x64xf32, #tpu.memory_space<vmem>>) target_semaphore(%arg7 : memref<!tpu.dma_semaphore, #tpu.memory_space<semaphore_mem>>)
        %slice3A_684 = vector.extract_strided_slice %get3A_599 {offsets = [6], sizes = [1], strides = [1]} : vector<16xi32> to vector<1xi32>
        %squeeze3A_685 = vector.extract %slice3A_684[0] : i32 from vector<1xi32>
        %mul3A_686 = arith.constant 16 : i32
        %mul3A_687 = arith.muli %add3A_594, %mul3A_686 : i32
        %add3A_688 = arith.constant 6 : i32
        %add3A_689 = arith.addi %mul3A_687, %add3A_688 : i32
        %dma_start3A_690 = arith.constant 0 : i32
        %dma_start3A_691 = tpu.memref_slice %arg6[%add3A_689, %dma_start3A_690] : memref<512x64xf32, #tpu.memory_space<vmem>> -> memref<1x64xf32, #tpu.memory_space<vmem>>
        %dma_start3A_692 = arith.constant 0 : i32
        %dma_start3A_693 = tpu.memref_slice %arg3[%squeeze3A_685, %dma_start3A_692] : memref<1000000x64xf32, #tpu.memory_space<hbm>> -> memref<1x64xf32, #tpu.memory_space<hbm>>
        %dma_start3A_694 = arith.constant 0 : i32
        %dma_start3A_695 = tpu.memref_slice %arg6[%add3A_689, %dma_start3A_694] : memref<512x64xf32, #tpu.memory_space<vmem>> -> memref<1x64xf32, #tpu.memory_space<vmem>>
        %dma_start3A_696 = arith.constant 0 : i32
        %dma_start3A_697 = tpu.memref_slice %arg3[%squeeze3A_685, %dma_start3A_696] : memref<1000000x64xf32, #tpu.memory_space<hbm>> -> memref<1x64xf32, #tpu.memory_space<hbm>>
        tpu.enqueue_dma source(%dma_start3A_697 : memref<1x64xf32, #tpu.memory_space<hbm>>) target(%dma_start3A_695 : memref<1x64xf32, #tpu.memory_space<vmem>>) target_semaphore(%arg7 : memref<!tpu.dma_semaphore, #tpu.memory_space<semaphore_mem>>)
        %slice3A_698 = vector.extract_strided_slice %get3A_599 {offsets = [7], sizes = [1], strides = [1]} : vector<16xi32> to vector<1xi32>
        %squeeze3A_699 = vector.extract %slice3A_698[0] : i32 from vector<1xi32>
        %mul3A_700 = arith.constant 16 : i32
        %mul3A_701 = arith.muli %add3A_594, %mul3A_700 : i32
        %add3A_702 = arith.constant 7 : i32
        %add3A_703 = arith.addi %mul3A_701, %add3A_702 : i32
        %dma_start3A_704 = arith.constant 0 : i32
        %dma_start3A_705 = tpu.memref_slice %arg6[%add3A_703, %dma_start3A_704] : memref<512x64xf32, #tpu.memory_space<vmem>> -> memref<1x64xf32, #tpu.memory_space<vmem>>
        %dma_start3A_706 = arith.constant 0 : i32
        %dma_start3A_707 = tpu.memref_slice %arg3[%squeeze3A_699, %dma_start3A_706] : memref<1000000x64xf32, #tpu.memory_space<hbm>> -> memref<1x64xf32, #tpu.memory_space<hbm>>
        %dma_start3A_708 = arith.constant 0 : i32
        %dma_start3A_709 = tpu.memref_slice %arg6[%add3A_703, %dma_start3A_708] : memref<512x64xf32, #tpu.memory_space<vmem>> -> memref<1x64xf32, #tpu.memory_space<vmem>>
        %dma_start3A_710 = arith.constant 0 : i32
        %dma_start3A_711 = tpu.memref_slice %arg3[%squeeze3A_699, %dma_start3A_710] : memref<1000000x64xf32, #tpu.memory_space<hbm>> -> memref<1x64xf32, #tpu.memory_space<hbm>>
        tpu.enqueue_dma source(%dma_start3A_711 : memref<1x64xf32, #tpu.memory_space<hbm>>) target(%dma_start3A_709 : memref<1x64xf32, #tpu.memory_space<vmem>>) target_semaphore(%arg7 : memref<!tpu.dma_semaphore, #tpu.memory_space<semaphore_mem>>)
        %slice3A_712 = vector.extract_strided_slice %get3A_599 {offsets = [8], sizes = [1], strides = [1]} : vector<16xi32> to vector<1xi32>
        %squeeze3A_713 = vector.extract %slice3A_712[0] : i32 from vector<1xi32>
        %mul3A_714 = arith.constant 16 : i32
        %mul3A_715 = arith.muli %add3A_594, %mul3A_714 : i32
        %add3A_716 = arith.constant 8 : i32
        %add3A_717 = arith.addi %mul3A_715, %add3A_716 : i32
        %dma_start3A_718 = arith.constant 0 : i32
        %dma_start3A_719 = tpu.memref_slice %arg6[%add3A_717, %dma_start3A_718] : memref<512x64xf32, #tpu.memory_space<vmem>> -> memref<1x64xf32, #tpu.memory_space<vmem>>
        %dma_start3A_720 = arith.constant 0 : i32
        %dma_start3A_721 = tpu.memref_slice %arg3[%squeeze3A_713, %dma_start3A_720] : memref<1000000x64xf32, #tpu.memory_space<hbm>> -> memref<1x64xf32, #tpu.memory_space<hbm>>
        %dma_start3A_722 = arith.constant 0 : i32
        %dma_start3A_723 = tpu.memref_slice %arg6[%add3A_717, %dma_start3A_722] : memref<512x64xf32, #tpu.memory_space<vmem>> -> memref<1x64xf32, #tpu.memory_space<vmem>>
        %dma_start3A_724 = arith.constant 0 : i32
        %dma_start3A_725 = tpu.memref_slice %arg3[%squeeze3A_713, %dma_start3A_724] : memref<1000000x64xf32, #tpu.memory_space<hbm>> -> memref<1x64xf32, #tpu.memory_space<hbm>>
        tpu.enqueue_dma source(%dma_start3A_725 : memref<1x64xf32, #tpu.memory_space<hbm>>) target(%dma_start3A_723 : memref<1x64xf32, #tpu.memory_space<vmem>>) target_semaphore(%arg7 : memref<!tpu.dma_semaphore, #tpu.memory_space<semaphore_mem>>)
        %slice3A_726 = vector.extract_strided_slice %get3A_599 {offsets = [9], sizes = [1], strides = [1]} : vector<16xi32> to vector<1xi32>
        %squeeze3A_727 = vector.extract %slice3A_726[0] : i32 from vector<1xi32>
        %mul3A_728 = arith.constant 16 : i32
        %mul3A_729 = arith.muli %add3A_594, %mul3A_728 : i32
        %add3A_730 = arith.constant 9 : i32
        %add3A_731 = arith.addi %mul3A_729, %add3A_730 : i32
        %dma_start3A_732 = arith.constant 0 : i32
        %dma_start3A_733 = tpu.memref_slice %arg6[%add3A_731, %dma_start3A_732] : memref<512x64xf32, #tpu.memory_space<vmem>> -> memref<1x64xf32, #tpu.memory_space<vmem>>
        %dma_start3A_734 = arith.constant 0 : i32
        %dma_start3A_735 = tpu.memref_slice %arg3[%squeeze3A_727, %dma_start3A_734] : memref<1000000x64xf32, #tpu.memory_space<hbm>> -> memref<1x64xf32, #tpu.memory_space<hbm>>
        %dma_start3A_736 = arith.constant 0 : i32
        %dma_start3A_737 = tpu.memref_slice %arg6[%add3A_731, %dma_start3A_736] : memref<512x64xf32, #tpu.memory_space<vmem>> -> memref<1x64xf32, #tpu.memory_space<vmem>>
        %dma_start3A_738 = arith.constant 0 : i32
        %dma_start3A_739 = tpu.memref_slice %arg3[%squeeze3A_727, %dma_start3A_738] : memref<1000000x64xf32, #tpu.memory_space<hbm>> -> memref<1x64xf32, #tpu.memory_space<hbm>>
        tpu.enqueue_dma source(%dma_start3A_739 : memref<1x64xf32, #tpu.memory_space<hbm>>) target(%dma_start3A_737 : memref<1x64xf32, #tpu.memory_space<vmem>>) target_semaphore(%arg7 : memref<!tpu.dma_semaphore, #tpu.memory_space<semaphore_mem>>)
        %slice3A_740 = vector.extract_strided_slice %get3A_599 {offsets = [10], sizes = [1], strides = [1]} : vector<16xi32> to vector<1xi32>
        %squeeze3A_741 = vector.extract %slice3A_740[0] : i32 from vector<1xi32>
        %mul3A_742 = arith.constant 16 : i32
        %mul3A_743 = arith.muli %add3A_594, %mul3A_742 : i32
        %add3A_744 = arith.constant 10 : i32
        %add3A_745 = arith.addi %mul3A_743, %add3A_744 : i32
        %dma_start3A_746 = arith.constant 0 : i32
        %dma_start3A_747 = tpu.memref_slice %arg6[%add3A_745, %dma_start3A_746] : memref<512x64xf32, #tpu.memory_space<vmem>> -> memref<1x64xf32, #tpu.memory_space<vmem>>
        %dma_start3A_748 = arith.constant 0 : i32
        %dma_start3A_749 = tpu.memref_slice %arg3[%squeeze3A_741, %dma_start3A_748] : memref<1000000x64xf32, #tpu.memory_space<hbm>> -> memref<1x64xf32, #tpu.memory_space<hbm>>
        %dma_start3A_750 = arith.constant 0 : i32
        %dma_start3A_751 = tpu.memref_slice %arg6[%add3A_745, %dma_start3A_750] : memref<512x64xf32, #tpu.memory_space<vmem>> -> memref<1x64xf32, #tpu.memory_space<vmem>>
        %dma_start3A_752 = arith.constant 0 : i32
        %dma_start3A_753 = tpu.memref_slice %arg3[%squeeze3A_741, %dma_start3A_752] : memref<1000000x64xf32, #tpu.memory_space<hbm>> -> memref<1x64xf32, #tpu.memory_space<hbm>>
        tpu.enqueue_dma source(%dma_start3A_753 : memref<1x64xf32, #tpu.memory_space<hbm>>) target(%dma_start3A_751 : memref<1x64xf32, #tpu.memory_space<vmem>>) target_semaphore(%arg7 : memref<!tpu.dma_semaphore, #tpu.memory_space<semaphore_mem>>)
        %slice3A_754 = vector.extract_strided_slice %get3A_599 {offsets = [11], sizes = [1], strides = [1]} : vector<16xi32> to vector<1xi32>
        %squeeze3A_755 = vector.extract %slice3A_754[0] : i32 from vector<1xi32>
        %mul3A_756 = arith.constant 16 : i32
        %mul3A_757 = arith.muli %add3A_594, %mul3A_756 : i32
        %add3A_758 = arith.constant 11 : i32
        %add3A_759 = arith.addi %mul3A_757, %add3A_758 : i32
        %dma_start3A_760 = arith.constant 0 : i32
        %dma_start3A_761 = tpu.memref_slice %arg6[%add3A_759, %dma_start3A_760] : memref<512x64xf32, #tpu.memory_space<vmem>> -> memref<1x64xf32, #tpu.memory_space<vmem>>
        %dma_start3A_762 = arith.constant 0 : i32
        %dma_start3A_763 = tpu.memref_slice %arg3[%squeeze3A_755, %dma_start3A_762] : memref<1000000x64xf32, #tpu.memory_space<hbm>> -> memref<1x64xf32, #tpu.memory_space<hbm>>
        %dma_start3A_764 = arith.constant 0 : i32
        %dma_start3A_765 = tpu.memref_slice %arg6[%add3A_759, %dma_start3A_764] : memref<512x64xf32, #tpu.memory_space<vmem>> -> memref<1x64xf32, #tpu.memory_space<vmem>>
        %dma_start3A_766 = arith.constant 0 : i32
        %dma_start3A_767 = tpu.memref_slice %arg3[%squeeze3A_755, %dma_start3A_766] : memref<1000000x64xf32, #tpu.memory_space<hbm>> -> memref<1x64xf32, #tpu.memory_space<hbm>>
        tpu.enqueue_dma source(%dma_start3A_767 : memref<1x64xf32, #tpu.memory_space<hbm>>) target(%dma_start3A_765 : memref<1x64xf32, #tpu.memory_space<vmem>>) target_semaphore(%arg7 : memref<!tpu.dma_semaphore, #tpu.memory_space<semaphore_mem>>)
        %slice3A_768 = vector.extract_strided_slice %get3A_599 {offsets = [12], sizes = [1], strides = [1]} : vector<16xi32> to vector<1xi32>
        %squeeze3A_769 = vector.extract %slice3A_768[0] : i32 from vector<1xi32>
        %mul3A_770 = arith.constant 16 : i32
        %mul3A_771 = arith.muli %add3A_594, %mul3A_770 : i32
        %add3A_772 = arith.constant 12 : i32
        %add3A_773 = arith.addi %mul3A_771, %add3A_772 : i32
        %dma_start3A_774 = arith.constant 0 : i32
        %dma_start3A_775 = tpu.memref_slice %arg6[%add3A_773, %dma_start3A_774] : memref<512x64xf32, #tpu.memory_space<vmem>> -> memref<1x64xf32, #tpu.memory_space<vmem>>
        %dma_start3A_776 = arith.constant 0 : i32
        %dma_start3A_777 = tpu.memref_slice %arg3[%squeeze3A_769, %dma_start3A_776] : memref<1000000x64xf32, #tpu.memory_space<hbm>> -> memref<1x64xf32, #tpu.memory_space<hbm>>
        %dma_start3A_778 = arith.constant 0 : i32
        %dma_start3A_779 = tpu.memref_slice %arg6[%add3A_773, %dma_start3A_778] : memref<512x64xf32, #tpu.memory_space<vmem>> -> memref<1x64xf32, #tpu.memory_space<vmem>>
        %dma_start3A_780 = arith.constant 0 : i32
        %dma_start3A_781 = tpu.memref_slice %arg3[%squeeze3A_769, %dma_start3A_780] : memref<1000000x64xf32, #tpu.memory_space<hbm>> -> memref<1x64xf32, #tpu.memory_space<hbm>>
        tpu.enqueue_dma source(%dma_start3A_781 : memref<1x64xf32, #tpu.memory_space<hbm>>) target(%dma_start3A_779 : memref<1x64xf32, #tpu.memory_space<vmem>>) target_semaphore(%arg7 : memref<!tpu.dma_semaphore, #tpu.memory_space<semaphore_mem>>)
        %slice3A_782 = vector.extract_strided_slice %get3A_599 {offsets = [13], sizes = [1], strides = [1]} : vector<16xi32> to vector<1xi32>
        %squeeze3A_783 = vector.extract %slice3A_782[0] : i32 from vector<1xi32>
        %mul3A_784 = arith.constant 16 : i32
        %mul3A_785 = arith.muli %add3A_594, %mul3A_784 : i32
        %add3A_786 = arith.constant 13 : i32
        %add3A_787 = arith.addi %mul3A_785, %add3A_786 : i32
        %dma_start3A_788 = arith.constant 0 : i32
        %dma_start3A_789 = tpu.memref_slice %arg6[%add3A_787, %dma_start3A_788] : memref<512x64xf32, #tpu.memory_space<vmem>> -> memref<1x64xf32, #tpu.memory_space<vmem>>
        %dma_start3A_790 = arith.constant 0 : i32
        %dma_start3A_791 = tpu.memref_slice %arg3[%squeeze3A_783, %dma_start3A_790] : memref<1000000x64xf32, #tpu.memory_space<hbm>> -> memref<1x64xf32, #tpu.memory_space<hbm>>
        %dma_start3A_792 = arith.constant 0 : i32
        %dma_start3A_793 = tpu.memref_slice %arg6[%add3A_787, %dma_start3A_792] : memref<512x64xf32, #tpu.memory_space<vmem>> -> memref<1x64xf32, #tpu.memory_space<vmem>>
        %dma_start3A_794 = arith.constant 0 : i32
        %dma_start3A_795 = tpu.memref_slice %arg3[%squeeze3A_783, %dma_start3A_794] : memref<1000000x64xf32, #tpu.memory_space<hbm>> -> memref<1x64xf32, #tpu.memory_space<hbm>>
        tpu.enqueue_dma source(%dma_start3A_795 : memref<1x64xf32, #tpu.memory_space<hbm>>) target(%dma_start3A_793 : memref<1x64xf32, #tpu.memory_space<vmem>>) target_semaphore(%arg7 : memref<!tpu.dma_semaphore, #tpu.memory_space<semaphore_mem>>)
        %slice3A_796 = vector.extract_strided_slice %get3A_599 {offsets = [14], sizes = [1], strides = [1]} : vector<16xi32> to vector<1xi32>
        %squeeze3A_797 = vector.extract %slice3A_796[0] : i32 from vector<1xi32>
        %mul3A_798 = arith.constant 16 : i32
        %mul3A_799 = arith.muli %add3A_594, %mul3A_798 : i32
        %add3A_800 = arith.constant 14 : i32
        %add3A_801 = arith.addi %mul3A_799, %add3A_800 : i32
        %dma_start3A_802 = arith.constant 0 : i32
        %dma_start3A_803 = tpu.memref_slice %arg6[%add3A_801, %dma_start3A_802] : memref<512x64xf32, #tpu.memory_space<vmem>> -> memref<1x64xf32, #tpu.memory_space<vmem>>
        %dma_start3A_804 = arith.constant 0 : i32
        %dma_start3A_805 = tpu.memref_slice %arg3[%squeeze3A_797, %dma_start3A_804] : memref<1000000x64xf32, #tpu.memory_space<hbm>> -> memref<1x64xf32, #tpu.memory_space<hbm>>
        %dma_start3A_806 = arith.constant 0 : i32
        %dma_start3A_807 = tpu.memref_slice %arg6[%add3A_801, %dma_start3A_806] : memref<512x64xf32, #tpu.memory_space<vmem>> -> memref<1x64xf32, #tpu.memory_space<vmem>>
        %dma_start3A_808 = arith.constant 0 : i32
        %dma_start3A_809 = tpu.memref_slice %arg3[%squeeze3A_797, %dma_start3A_808] : memref<1000000x64xf32, #tpu.memory_space<hbm>> -> memref<1x64xf32, #tpu.memory_space<hbm>>
        tpu.enqueue_dma source(%dma_start3A_809 : memref<1x64xf32, #tpu.memory_space<hbm>>) target(%dma_start3A_807 : memref<1x64xf32, #tpu.memory_space<vmem>>) target_semaphore(%arg7 : memref<!tpu.dma_semaphore, #tpu.memory_space<semaphore_mem>>)
        %slice3A_810 = vector.extract_strided_slice %get3A_599 {offsets = [15], sizes = [1], strides = [1]} : vector<16xi32> to vector<1xi32>
        %squeeze3A_811 = vector.extract %slice3A_810[0] : i32 from vector<1xi32>
        %mul3A_812 = arith.constant 16 : i32
        %mul3A_813 = arith.muli %add3A_594, %mul3A_812 : i32
        %add3A_814 = arith.constant 15 : i32
        %add3A_815 = arith.addi %mul3A_813, %add3A_814 : i32
        %dma_start3A_816 = arith.constant 0 : i32
        %dma_start3A_817 = tpu.memref_slice %arg6[%add3A_815, %dma_start3A_816] : memref<512x64xf32, #tpu.memory_space<vmem>> -> memref<1x64xf32, #tpu.memory_space<vmem>>
        %dma_start3A_818 = arith.constant 0 : i32
        %dma_start3A_819 = tpu.memref_slice %arg3[%squeeze3A_811, %dma_start3A_818] : memref<1000000x64xf32, #tpu.memory_space<hbm>> -> memref<1x64xf32, #tpu.memory_space<hbm>>
        %dma_start3A_820 = arith.constant 0 : i32
        %dma_start3A_821 = tpu.memref_slice %arg6[%add3A_815, %dma_start3A_820] : memref<512x64xf32, #tpu.memory_space<vmem>> -> memref<1x64xf32, #tpu.memory_space<vmem>>
        %dma_start3A_822 = arith.constant 0 : i32
        %dma_start3A_823 = tpu.memref_slice %arg3[%squeeze3A_811, %dma_start3A_822] : memref<1000000x64xf32, #tpu.memory_space<hbm>> -> memref<1x64xf32, #tpu.memory_space<hbm>>
        tpu.enqueue_dma source(%dma_start3A_823 : memref<1x64xf32, #tpu.memory_space<hbm>>) target(%dma_start3A_821 : memref<1x64xf32, #tpu.memory_space<vmem>>) target_semaphore(%arg7 : memref<!tpu.dma_semaphore, #tpu.memory_space<semaphore_mem>>)
      } else {
      }
      %dma_wait3A = arith.constant 0 : i32
      %dma_wait3A_401 = arith.constant 0 : i32
      %dma_wait3A_402 = tpu.memref_slice %arg6[%dma_wait3A, %dma_wait3A_401] : memref<512x64xf32, #tpu.memory_space<vmem>> -> memref<1x64xf32, #tpu.memory_space<vmem>>
      %dma_wait3A_403 = arith.constant 0 : i32
      %dma_wait3A_404 = arith.constant 0 : i32
      %dma_wait3A_405 = tpu.memref_slice %arg3[%dma_wait3A_403, %dma_wait3A_404] : memref<1000000x64xf32, #tpu.memory_space<hbm>> -> memref<1x64xf32, #tpu.memory_space<hbm>>
      %dma_wait3A_406 = arith.constant 0 : i32
      %dma_wait3A_407 = arith.constant 0 : i32
      %dma_wait3A_408 = tpu.memref_slice %arg6[%dma_wait3A_406, %dma_wait3A_407] : memref<512x64xf32, #tpu.memory_space<vmem>> -> memref<1x64xf32, #tpu.memory_space<vmem>>
      %dma_wait3A_409 = arith.constant 0 : i32
      %dma_wait3A_410 = arith.constant 0 : i32
      %dma_wait3A_411 = tpu.memref_slice %arg3[%dma_wait3A_409, %dma_wait3A_410] : memref<1000000x64xf32, #tpu.memory_space<hbm>> -> memref<1x64xf32, #tpu.memory_space<hbm>>
      tpu.wait_dma2 semaphore(%arg7 : memref<!tpu.dma_semaphore, #tpu.memory_space<semaphore_mem>>) src(%dma_wait3A_411 : memref<1x64xf32, #tpu.memory_space<hbm>>) dst(%dma_wait3A_408 : memref<1x64xf32, #tpu.memory_space<vmem>>)
      %dma_wait3A_412 = arith.constant 0 : i32
      %dma_wait3A_413 = arith.constant 0 : i32
      %dma_wait3A_414 = tpu.memref_slice %arg6[%dma_wait3A_412, %dma_wait3A_413] : memref<512x64xf32, #tpu.memory_space<vmem>> -> memref<1x64xf32, #tpu.memory_space<vmem>>
      %dma_wait3A_415 = arith.constant 0 : i32
      %dma_wait3A_416 = arith.constant 0 : i32
      %dma_wait3A_417 = tpu.memref_slice %arg3[%dma_wait3A_415, %dma_wait3A_416] : memref<1000000x64xf32, #tpu.memory_space<hbm>> -> memref<1x64xf32, #tpu.memory_space<hbm>>
      %dma_wait3A_418 = arith.constant 0 : i32
      %dma_wait3A_419 = arith.constant 0 : i32
      %dma_wait3A_420 = tpu.memref_slice %arg6[%dma_wait3A_418, %dma_wait3A_419] : memref<512x64xf32, #tpu.memory_space<vmem>> -> memref<1x64xf32, #tpu.memory_space<vmem>>
      %dma_wait3A_421 = arith.constant 0 : i32
      %dma_wait3A_422 = arith.constant 0 : i32
      %dma_wait3A_423 = tpu.memref_slice %arg3[%dma_wait3A_421, %dma_wait3A_422] : memref<1000000x64xf32, #tpu.memory_space<hbm>> -> memref<1x64xf32, #tpu.memory_space<hbm>>
      tpu.wait_dma2 semaphore(%arg7 : memref<!tpu.dma_semaphore, #tpu.memory_space<semaphore_mem>>) src(%dma_wait3A_423 : memref<1x64xf32, #tpu.memory_space<hbm>>) dst(%dma_wait3A_420 : memref<1x64xf32, #tpu.memory_space<vmem>>)
      %dma_wait3A_424 = arith.constant 0 : i32
      %dma_wait3A_425 = arith.constant 0 : i32
      %dma_wait3A_426 = tpu.memref_slice %arg6[%dma_wait3A_424, %dma_wait3A_425] : memref<512x64xf32, #tpu.memory_space<vmem>> -> memref<1x64xf32, #tpu.memory_space<vmem>>
      %dma_wait3A_427 = arith.constant 0 : i32
      %dma_wait3A_428 = arith.constant 0 : i32
      %dma_wait3A_429 = tpu.memref_slice %arg3[%dma_wait3A_427, %dma_wait3A_428] : memref<1000000x64xf32, #tpu.memory_space<hbm>> -> memref<1x64xf32, #tpu.memory_space<hbm>>
      %dma_wait3A_430 = arith.constant 0 : i32
      %dma_wait3A_431 = arith.constant 0 : i32
      %dma_wait3A_432 = tpu.memref_slice %arg6[%dma_wait3A_430, %dma_wait3A_431] : memref<512x64xf32, #tpu.memory_space<vmem>> -> memref<1x64xf32, #tpu.memory_space<vmem>>
      %dma_wait3A_433 = arith.constant 0 : i32
      %dma_wait3A_434 = arith.constant 0 : i32
      %dma_wait3A_435 = tpu.memref_slice %arg3[%dma_wait3A_433, %dma_wait3A_434] : memref<1000000x64xf32, #tpu.memory_space<hbm>> -> memref<1x64xf32, #tpu.memory_space<hbm>>
      tpu.wait_dma2 semaphore(%arg7 : memref<!tpu.dma_semaphore, #tpu.memory_space<semaphore_mem>>) src(%dma_wait3A_435 : memref<1x64xf32, #tpu.memory_space<hbm>>) dst(%dma_wait3A_432 : memref<1x64xf32, #tpu.memory_space<vmem>>)
      %dma_wait3A_436 = arith.constant 0 : i32
      %dma_wait3A_437 = arith.constant 0 : i32
      %dma_wait3A_438 = tpu.memref_slice %arg6[%dma_wait3A_436, %dma_wait3A_437] : memref<512x64xf32, #tpu.memory_space<vmem>> -> memref<1x64xf32, #tpu.memory_space<vmem>>
      %dma_wait3A_439 = arith.constant 0 : i32
      %dma_wait3A_440 = arith.constant 0 : i32
      %dma_wait3A_441 = tpu.memref_slice %arg3[%dma_wait3A_439, %dma_wait3A_440] : memref<1000000x64xf32, #tpu.memory_space<hbm>> -> memref<1x64xf32, #tpu.memory_space<hbm>>
      %dma_wait3A_442 = arith.constant 0 : i32
      %dma_wait3A_443 = arith.constant 0 : i32
      %dma_wait3A_444 = tpu.memref_slice %arg6[%dma_wait3A_442, %dma_wait3A_443] : memref<512x64xf32, #tpu.memory_space<vmem>> -> memref<1x64xf32, #tpu.memory_space<vmem>>
      %dma_wait3A_445 = arith.constant 0 : i32
      %dma_wait3A_446 = arith.constant 0 : i32
      %dma_wait3A_447 = tpu.memref_slice %arg3[%dma_wait3A_445, %dma_wait3A_446] : memref<1000000x64xf32, #tpu.memory_space<hbm>> -> memref<1x64xf32, #tpu.memory_space<hbm>>
      tpu.wait_dma2 semaphore(%arg7 : memref<!tpu.dma_semaphore, #tpu.memory_space<semaphore_mem>>) src(%dma_wait3A_447 : memref<1x64xf32, #tpu.memory_space<hbm>>) dst(%dma_wait3A_444 : memref<1x64xf32, #tpu.memory_space<vmem>>)
      %dma_wait3A_448 = arith.constant 0 : i32
      %dma_wait3A_449 = arith.constant 0 : i32
      %dma_wait3A_450 = tpu.memref_slice %arg6[%dma_wait3A_448, %dma_wait3A_449] : memref<512x64xf32, #tpu.memory_space<vmem>> -> memref<1x64xf32, #tpu.memory_space<vmem>>
      %dma_wait3A_451 = arith.constant 0 : i32
      %dma_wait3A_452 = arith.constant 0 : i32
      %dma_wait3A_453 = tpu.memref_slice %arg3[%dma_wait3A_451, %dma_wait3A_452] : memref<1000000x64xf32, #tpu.memory_space<hbm>> -> memref<1x64xf32, #tpu.memory_space<hbm>>
      %dma_wait3A_454 = arith.constant 0 : i32
      %dma_wait3A_455 = arith.constant 0 : i32
      %dma_wait3A_456 = tpu.memref_slice %arg6[%dma_wait3A_454, %dma_wait3A_455] : memref<512x64xf32, #tpu.memory_space<vmem>> -> memref<1x64xf32, #tpu.memory_space<vmem>>
      %dma_wait3A_457 = arith.constant 0 : i32
      %dma_wait3A_458 = arith.constant 0 : i32
      %dma_wait3A_459 = tpu.memref_slice %arg3[%dma_wait3A_457, %dma_wait3A_458] : memref<1000000x64xf32, #tpu.memory_space<hbm>> -> memref<1x64xf32, #tpu.memory_space<hbm>>
      tpu.wait_dma2 semaphore(%arg7 : memref<!tpu.dma_semaphore, #tpu.memory_space<semaphore_mem>>) src(%dma_wait3A_459 : memref<1x64xf32, #tpu.memory_space<hbm>>) dst(%dma_wait3A_456 : memref<1x64xf32, #tpu.memory_space<vmem>>)
      %dma_wait3A_460 = arith.constant 0 : i32
      %dma_wait3A_461 = arith.constant 0 : i32
      %dma_wait3A_462 = tpu.memref_slice %arg6[%dma_wait3A_460, %dma_wait3A_461] : memref<512x64xf32, #tpu.memory_space<vmem>> -> memref<1x64xf32, #tpu.memory_space<vmem>>
      %dma_wait3A_463 = arith.constant 0 : i32
      %dma_wait3A_464 = arith.constant 0 : i32
      %dma_wait3A_465 = tpu.memref_slice %arg3[%dma_wait3A_463, %dma_wait3A_464] : memref<1000000x64xf32, #tpu.memory_space<hbm>> -> memref<1x64xf32, #tpu.memory_space<hbm>>
      %dma_wait3A_466 = arith.constant 0 : i32
      %dma_wait3A_467 = arith.constant 0 : i32
      %dma_wait3A_468 = tpu.memref_slice %arg6[%dma_wait3A_466, %dma_wait3A_467] : memref<512x64xf32, #tpu.memory_space<vmem>> -> memref<1x64xf32, #tpu.memory_space<vmem>>
      %dma_wait3A_469 = arith.constant 0 : i32
      %dma_wait3A_470 = arith.constant 0 : i32
      %dma_wait3A_471 = tpu.memref_slice %arg3[%dma_wait3A_469, %dma_wait3A_470] : memref<1000000x64xf32, #tpu.memory_space<hbm>> -> memref<1x64xf32, #tpu.memory_space<hbm>>
      tpu.wait_dma2 semaphore(%arg7 : memref<!tpu.dma_semaphore, #tpu.memory_space<semaphore_mem>>) src(%dma_wait3A_471 : memref<1x64xf32, #tpu.memory_space<hbm>>) dst(%dma_wait3A_468 : memref<1x64xf32, #tpu.memory_space<vmem>>)
      %dma_wait3A_472 = arith.constant 0 : i32
      %dma_wait3A_473 = arith.constant 0 : i32
      %dma_wait3A_474 = tpu.memref_slice %arg6[%dma_wait3A_472, %dma_wait3A_473] : memref<512x64xf32, #tpu.memory_space<vmem>> -> memref<1x64xf32, #tpu.memory_space<vmem>>
      %dma_wait3A_475 = arith.constant 0 : i32
      %dma_wait3A_476 = arith.constant 0 : i32
      %dma_wait3A_477 = tpu.memref_slice %arg3[%dma_wait3A_475, %dma_wait3A_476] : memref<1000000x64xf32, #tpu.memory_space<hbm>> -> memref<1x64xf32, #tpu.memory_space<hbm>>
      %dma_wait3A_478 = arith.constant 0 : i32
      %dma_wait3A_479 = arith.constant 0 : i32
      %dma_wait3A_480 = tpu.memref_slice %arg6[%dma_wait3A_478, %dma_wait3A_479] : memref<512x64xf32, #tpu.memory_space<vmem>> -> memref<1x64xf32, #tpu.memory_space<vmem>>
      %dma_wait3A_481 = arith.constant 0 : i32
      %dma_wait3A_482 = arith.constant 0 : i32
      %dma_wait3A_483 = tpu.memref_slice %arg3[%dma_wait3A_481, %dma_wait3A_482] : memref<1000000x64xf32, #tpu.memory_space<hbm>> -> memref<1x64xf32, #tpu.memory_space<hbm>>
      tpu.wait_dma2 semaphore(%arg7 : memref<!tpu.dma_semaphore, #tpu.memory_space<semaphore_mem>>) src(%dma_wait3A_483 : memref<1x64xf32, #tpu.memory_space<hbm>>) dst(%dma_wait3A_480 : memref<1x64xf32, #tpu.memory_space<vmem>>)
      %dma_wait3A_484 = arith.constant 0 : i32
      %dma_wait3A_485 = arith.constant 0 : i32
      %dma_wait3A_486 = tpu.memref_slice %arg6[%dma_wait3A_484, %dma_wait3A_485] : memref<512x64xf32, #tpu.memory_space<vmem>> -> memref<1x64xf32, #tpu.memory_space<vmem>>
      %dma_wait3A_487 = arith.constant 0 : i32
      %dma_wait3A_488 = arith.constant 0 : i32
      %dma_wait3A_489 = tpu.memref_slice %arg3[%dma_wait3A_487, %dma_wait3A_488] : memref<1000000x64xf32, #tpu.memory_space<hbm>> -> memref<1x64xf32, #tpu.memory_space<hbm>>
      %dma_wait3A_490 = arith.constant 0 : i32
      %dma_wait3A_491 = arith.constant 0 : i32
      %dma_wait3A_492 = tpu.memref_slice %arg6[%dma_wait3A_490, %dma_wait3A_491] : memref<512x64xf32, #tpu.memory_space<vmem>> -> memref<1x64xf32, #tpu.memory_space<vmem>>
      %dma_wait3A_493 = arith.constant 0 : i32
      %dma_wait3A_494 = arith.constant 0 : i32
      %dma_wait3A_495 = tpu.memref_slice %arg3[%dma_wait3A_493, %dma_wait3A_494] : memref<1000000x64xf32, #tpu.memory_space<hbm>> -> memref<1x64xf32, #tpu.memory_space<hbm>>
      tpu.wait_dma2 semaphore(%arg7 : memref<!tpu.dma_semaphore, #tpu.memory_space<semaphore_mem>>) src(%dma_wait3A_495 : memref<1x64xf32, #tpu.memory_space<hbm>>) dst(%dma_wait3A_492 : memref<1x64xf32, #tpu.memory_space<vmem>>)
      %dma_wait3A_496 = arith.constant 0 : i32
      %dma_wait3A_497 = arith.constant 0 : i32
      %dma_wait3A_498 = tpu.memref_slice %arg6[%dma_wait3A_496, %dma_wait3A_497] : memref<512x64xf32, #tpu.memory_space<vmem>> -> memref<1x64xf32, #tpu.memory_space<vmem>>
      %dma_wait3A_499 = arith.constant 0 : i32
      %dma_wait3A_500 = arith.constant 0 : i32
      %dma_wait3A_501 = tpu.memref_slice %arg3[%dma_wait3A_499, %dma_wait3A_500] : memref<1000000x64xf32, #tpu.memory_space<hbm>> -> memref<1x64xf32, #tpu.memory_space<hbm>>
      %dma_wait3A_502 = arith.constant 0 : i32
      %dma_wait3A_503 = arith.constant 0 : i32
      %dma_wait3A_504 = tpu.memref_slice %arg6[%dma_wait3A_502, %dma_wait3A_503] : memref<512x64xf32, #tpu.memory_space<vmem>> -> memref<1x64xf32, #tpu.memory_space<vmem>>
      %dma_wait3A_505 = arith.constant 0 : i32
      %dma_wait3A_506 = arith.constant 0 : i32
      %dma_wait3A_507 = tpu.memref_slice %arg3[%dma_wait3A_505, %dma_wait3A_506] : memref<1000000x64xf32, #tpu.memory_space<hbm>> -> memref<1x64xf32, #tpu.memory_space<hbm>>
      tpu.wait_dma2 semaphore(%arg7 : memref<!tpu.dma_semaphore, #tpu.memory_space<semaphore_mem>>) src(%dma_wait3A_507 : memref<1x64xf32, #tpu.memory_space<hbm>>) dst(%dma_wait3A_504 : memref<1x64xf32, #tpu.memory_space<vmem>>)
      %dma_wait3A_508 = arith.constant 0 : i32
      %dma_wait3A_509 = arith.constant 0 : i32
      %dma_wait3A_510 = tpu.memref_slice %arg6[%dma_wait3A_508, %dma_wait3A_509] : memref<512x64xf32, #tpu.memory_space<vmem>> -> memref<1x64xf32, #tpu.memory_space<vmem>>
      %dma_wait3A_511 = arith.constant 0 : i32
      %dma_wait3A_512 = arith.constant 0 : i32
      %dma_wait3A_513 = tpu.memref_slice %arg3[%dma_wait3A_511, %dma_wait3A_512] : memref<1000000x64xf32, #tpu.memory_space<hbm>> -> memref<1x64xf32, #tpu.memory_space<hbm>>
      %dma_wait3A_514 = arith.constant 0 : i32
      %dma_wait3A_515 = arith.constant 0 : i32
      %dma_wait3A_516 = tpu.memref_slice %arg6[%dma_wait3A_514, %dma_wait3A_515] : memref<512x64xf32, #tpu.memory_space<vmem>> -> memref<1x64xf32, #tpu.memory_space<vmem>>
      %dma_wait3A_517 = arith.constant 0 : i32
      %dma_wait3A_518 = arith.constant 0 : i32
      %dma_wait3A_519 = tpu.memref_slice %arg3[%dma_wait3A_517, %dma_wait3A_518] : memref<1000000x64xf32, #tpu.memory_space<hbm>> -> memref<1x64xf32, #tpu.memory_space<hbm>>
      tpu.wait_dma2 semaphore(%arg7 : memref<!tpu.dma_semaphore, #tpu.memory_space<semaphore_mem>>) src(%dma_wait3A_519 : memref<1x64xf32, #tpu.memory_space<hbm>>) dst(%dma_wait3A_516 : memref<1x64xf32, #tpu.memory_space<vmem>>)
      %dma_wait3A_520 = arith.constant 0 : i32
      %dma_wait3A_521 = arith.constant 0 : i32
      %dma_wait3A_522 = tpu.memref_slice %arg6[%dma_wait3A_520, %dma_wait3A_521] : memref<512x64xf32, #tpu.memory_space<vmem>> -> memref<1x64xf32, #tpu.memory_space<vmem>>
      %dma_wait3A_523 = arith.constant 0 : i32
      %dma_wait3A_524 = arith.constant 0 : i32
      %dma_wait3A_525 = tpu.memref_slice %arg3[%dma_wait3A_523, %dma_wait3A_524] : memref<1000000x64xf32, #tpu.memory_space<hbm>> -> memref<1x64xf32, #tpu.memory_space<hbm>>
      %dma_wait3A_526 = arith.constant 0 : i32
      %dma_wait3A_527 = arith.constant 0 : i32
      %dma_wait3A_528 = tpu.memref_slice %arg6[%dma_wait3A_526, %dma_wait3A_527] : memref<512x64xf32, #tpu.memory_space<vmem>> -> memref<1x64xf32, #tpu.memory_space<vmem>>
      %dma_wait3A_529 = arith.constant 0 : i32
      %dma_wait3A_530 = arith.constant 0 : i32
      %dma_wait3A_531 = tpu.memref_slice %arg3[%dma_wait3A_529, %dma_wait3A_530] : memref<1000000x64xf32, #tpu.memory_space<hbm>> -> memref<1x64xf32, #tpu.memory_space<hbm>>
      tpu.wait_dma2 semaphore(%arg7 : memref<!tpu.dma_semaphore, #tpu.memory_space<semaphore_mem>>) src(%dma_wait3A_531 : memref<1x64xf32, #tpu.memory_space<hbm>>) dst(%dma_wait3A_528 : memref<1x64xf32, #tpu.memory_space<vmem>>)
      %dma_wait3A_532 = arith.constant 0 : i32
      %dma_wait3A_533 = arith.constant 0 : i32
      %dma_wait3A_534 = tpu.memref_slice %arg6[%dma_wait3A_532, %dma_wait3A_533] : memref<512x64xf32, #tpu.memory_space<vmem>> -> memref<1x64xf32, #tpu.memory_space<vmem>>
      %dma_wait3A_535 = arith.constant 0 : i32
      %dma_wait3A_536 = arith.constant 0 : i32
      %dma_wait3A_537 = tpu.memref_slice %arg3[%dma_wait3A_535, %dma_wait3A_536] : memref<1000000x64xf32, #tpu.memory_space<hbm>> -> memref<1x64xf32, #tpu.memory_space<hbm>>
      %dma_wait3A_538 = arith.constant 0 : i32
      %dma_wait3A_539 = arith.constant 0 : i32
      %dma_wait3A_540 = tpu.memref_slice %arg6[%dma_wait3A_538, %dma_wait3A_539] : memref<512x64xf32, #tpu.memory_space<vmem>> -> memref<1x64xf32, #tpu.memory_space<vmem>>
      %dma_wait3A_541 = arith.constant 0 : i32
      %dma_wait3A_542 = arith.constant 0 : i32
      %dma_wait3A_543 = tpu.memref_slice %arg3[%dma_wait3A_541, %dma_wait3A_542] : memref<1000000x64xf32, #tpu.memory_space<hbm>> -> memref<1x64xf32, #tpu.memory_space<hbm>>
      tpu.wait_dma2 semaphore(%arg7 : memref<!tpu.dma_semaphore, #tpu.memory_space<semaphore_mem>>) src(%dma_wait3A_543 : memref<1x64xf32, #tpu.memory_space<hbm>>) dst(%dma_wait3A_540 : memref<1x64xf32, #tpu.memory_space<vmem>>)
      %dma_wait3A_544 = arith.constant 0 : i32
      %dma_wait3A_545 = arith.constant 0 : i32
      %dma_wait3A_546 = tpu.memref_slice %arg6[%dma_wait3A_544, %dma_wait3A_545] : memref<512x64xf32, #tpu.memory_space<vmem>> -> memref<1x64xf32, #tpu.memory_space<vmem>>
      %dma_wait3A_547 = arith.constant 0 : i32
      %dma_wait3A_548 = arith.constant 0 : i32
      %dma_wait3A_549 = tpu.memref_slice %arg3[%dma_wait3A_547, %dma_wait3A_548] : memref<1000000x64xf32, #tpu.memory_space<hbm>> -> memref<1x64xf32, #tpu.memory_space<hbm>>
      %dma_wait3A_550 = arith.constant 0 : i32
      %dma_wait3A_551 = arith.constant 0 : i32
      %dma_wait3A_552 = tpu.memref_slice %arg6[%dma_wait3A_550, %dma_wait3A_551] : memref<512x64xf32, #tpu.memory_space<vmem>> -> memref<1x64xf32, #tpu.memory_space<vmem>>
      %dma_wait3A_553 = arith.constant 0 : i32
      %dma_wait3A_554 = arith.constant 0 : i32
      %dma_wait3A_555 = tpu.memref_slice %arg3[%dma_wait3A_553, %dma_wait3A_554] : memref<1000000x64xf32, #tpu.memory_space<hbm>> -> memref<1x64xf32, #tpu.memory_space<hbm>>
      tpu.wait_dma2 semaphore(%arg7 : memref<!tpu.dma_semaphore, #tpu.memory_space<semaphore_mem>>) src(%dma_wait3A_555 : memref<1x64xf32, #tpu.memory_space<hbm>>) dst(%dma_wait3A_552 : memref<1x64xf32, #tpu.memory_space<vmem>>)
      %dma_wait3A_556 = arith.constant 0 : i32
      %dma_wait3A_557 = arith.constant 0 : i32
      %dma_wait3A_558 = tpu.memref_slice %arg6[%dma_wait3A_556, %dma_wait3A_557] : memref<512x64xf32, #tpu.memory_space<vmem>> -> memref<1x64xf32, #tpu.memory_space<vmem>>
      %dma_wait3A_559 = arith.constant 0 : i32
      %dma_wait3A_560 = arith.constant 0 : i32
      %dma_wait3A_561 = tpu.memref_slice %arg3[%dma_wait3A_559, %dma_wait3A_560] : memref<1000000x64xf32, #tpu.memory_space<hbm>> -> memref<1x64xf32, #tpu.memory_space<hbm>>
      %dma_wait3A_562 = arith.constant 0 : i32
      %dma_wait3A_563 = arith.constant 0 : i32
      %dma_wait3A_564 = tpu.memref_slice %arg6[%dma_wait3A_562, %dma_wait3A_563] : memref<512x64xf32, #tpu.memory_space<vmem>> -> memref<1x64xf32, #tpu.memory_space<vmem>>
      %dma_wait3A_565 = arith.constant 0 : i32
      %dma_wait3A_566 = arith.constant 0 : i32
      %dma_wait3A_567 = tpu.memref_slice %arg3[%dma_wait3A_565, %dma_wait3A_566] : memref<1000000x64xf32, #tpu.memory_space<hbm>> -> memref<1x64xf32, #tpu.memory_space<hbm>>
      tpu.wait_dma2 semaphore(%arg7 : memref<!tpu.dma_semaphore, #tpu.memory_space<semaphore_mem>>) src(%dma_wait3A_567 : memref<1x64xf32, #tpu.memory_space<hbm>>) dst(%dma_wait3A_564 : memref<1x64xf32, #tpu.memory_space<vmem>>)
      %dma_wait3A_568 = arith.constant 0 : i32
      %dma_wait3A_569 = arith.constant 0 : i32
      %dma_wait3A_570 = tpu.memref_slice %arg6[%dma_wait3A_568, %dma_wait3A_569] : memref<512x64xf32, #tpu.memory_space<vmem>> -> memref<1x64xf32, #tpu.memory_space<vmem>>
      %dma_wait3A_571 = arith.constant 0 : i32
      %dma_wait3A_572 = arith.constant 0 : i32
      %dma_wait3A_573 = tpu.memref_slice %arg3[%dma_wait3A_571, %dma_wait3A_572] : memref<1000000x64xf32, #tpu.memory_space<hbm>> -> memref<1x64xf32, #tpu.memory_space<hbm>>
      %dma_wait3A_574 = arith.constant 0 : i32
      %dma_wait3A_575 = arith.constant 0 : i32
      %dma_wait3A_576 = tpu.memref_slice %arg6[%dma_wait3A_574, %dma_wait3A_575] : memref<512x64xf32, #tpu.memory_space<vmem>> -> memref<1x64xf32, #tpu.memory_space<vmem>>
      %dma_wait3A_577 = arith.constant 0 : i32
      %dma_wait3A_578 = arith.constant 0 : i32
      %dma_wait3A_579 = tpu.memref_slice %arg3[%dma_wait3A_577, %dma_wait3A_578] : memref<1000000x64xf32, #tpu.memory_space<hbm>> -> memref<1x64xf32, #tpu.memory_space<hbm>>
      tpu.wait_dma2 semaphore(%arg7 : memref<!tpu.dma_semaphore, #tpu.memory_space<semaphore_mem>>) src(%dma_wait3A_579 : memref<1x64xf32, #tpu.memory_space<hbm>>) dst(%dma_wait3A_576 : memref<1x64xf32, #tpu.memory_space<vmem>>)
      %dma_wait3A_580 = arith.constant 0 : i32
      %dma_wait3A_581 = arith.constant 0 : i32
      %dma_wait3A_582 = tpu.memref_slice %arg6[%dma_wait3A_580, %dma_wait3A_581] : memref<512x64xf32, #tpu.memory_space<vmem>> -> memref<1x64xf32, #tpu.memory_space<vmem>>
      %dma_wait3A_583 = arith.constant 0 : i32
      %dma_wait3A_584 = arith.constant 0 : i32
      %dma_wait3A_585 = tpu.memref_slice %arg3[%dma_wait3A_583, %dma_wait3A_584] : memref<1000000x64xf32, #tpu.memory_space<hbm>> -> memref<1x64xf32, #tpu.memory_space<hbm>>
      %dma_wait3A_586 = arith.constant 0 : i32
      %dma_wait3A_587 = arith.constant 0 : i32
      %dma_wait3A_588 = tpu.memref_slice %arg6[%dma_wait3A_586, %dma_wait3A_587] : memref<512x64xf32, #tpu.memory_space<vmem>> -> memref<1x64xf32, #tpu.memory_space<vmem>>
      %dma_wait3A_589 = arith.constant 0 : i32
      %dma_wait3A_590 = arith.constant 0 : i32
      %dma_wait3A_591 = tpu.memref_slice %arg3[%dma_wait3A_589, %dma_wait3A_590] : memref<1000000x64xf32, #tpu.memory_space<hbm>> -> memref<1x64xf32, #tpu.memory_space<hbm>>
      tpu.wait_dma2 semaphore(%arg7 : memref<!tpu.dma_semaphore, #tpu.memory_space<semaphore_mem>>) src(%dma_wait3A_591 : memref<1x64xf32, #tpu.memory_space<hbm>>) dst(%dma_wait3A_588 : memref<1x64xf32, #tpu.memory_space<vmem>>)
      %scan3A_592 = arith.constant 0 : i32
      scf.yield %scan3A_592 : i32
    }
    %scan3A_394 = arith.constant 32 : i32
    "tpu.region"() ({
      %run_scoped3A = tpu.sem_alloc : memref<!tpu.dma_semaphore, #tpu.memory_space<semaphore_mem>>
      %dma_start3A_395 = arith.constant 0 : i32
      %dma_start3A_396 = tpu.memref_slice %arg4[%mul3A_2, %dma_start3A_395] : memref<16384x64xf32, #tpu.memory_space<hbm>> -> memref<512x64xf32, #tpu.memory_space<hbm>>
      %dma_start3A_397 = arith.constant 0 : i32
      %dma_start3A_398 = tpu.memref_slice %arg4[%mul3A_2, %dma_start3A_397] : memref<16384x64xf32, #tpu.memory_space<hbm>> -> memref<512x64xf32, #tpu.memory_space<hbm>>
      tpu.enqueue_dma source(%arg6 : memref<512x64xf32, #tpu.memory_space<vmem>>) target(%dma_start3A_398 : memref<512x64xf32, #tpu.memory_space<hbm>>) target_semaphore(%run_scoped3A : memref<!tpu.dma_semaphore, #tpu.memory_space<semaphore_mem>>)
      %dma_wait3A = arith.constant 0 : i32
      %dma_wait3A_399 = tpu.memref_slice %arg4[%mul3A_2, %dma_wait3A] : memref<16384x64xf32, #tpu.memory_space<hbm>> -> memref<512x64xf32, #tpu.memory_space<hbm>>
      %dma_wait3A_400 = arith.constant 0 : i32
      %dma_wait3A_401 = tpu.memref_slice %arg4[%mul3A_2, %dma_wait3A_400] : memref<16384x64xf32, #tpu.memory_space<hbm>> -> memref<512x64xf32, #tpu.memory_space<hbm>>
      tpu.wait_dma2 semaphore(%run_scoped3A : memref<!tpu.dma_semaphore, #tpu.memory_space<semaphore_mem>>) src(%arg6 : memref<512x64xf32, #tpu.memory_space<vmem>>) dst(%dma_wait3A_401 : memref<512x64xf32, #tpu.memory_space<hbm>>)
      tpu.yield
    }) : () -> ()
    return
  }
}

#map = affine_map<(d0, d1) -> (0)>
#map1 = affine_map<(d0, d1) -> (0, 0)>
module attributes {stable_mosaic.version = 14 : i64} {
  func.func @gather_user(%arg0: i32, %arg1: i32, %arg2: memref<16384xi32, #tpu.memory_space<hbm>>, %arg3: memref<1000000x64xf32, #tpu.memory_space<hbm>>, %arg4: memref<16384x64xf32, #tpu.memory_space<hbm>>, %arg5: memref<512xi32, #tpu.memory_space<vmem>>, %arg6: memref<512x64xf32, #tpu.memory_space<vmem>>, %arg7: memref<!tpu.dma_semaphore, #tpu.memory_space<semaphore_mem>>) attributes {dimension_semantics = [#tpu.dimension_semantics<core_parallel>, #tpu.dimension_semantics<subcore_parallel>], iteration_bounds = array<i64: 2, 16>, scalar_prefetch = 0 : i64, scratch_operands = 3 : i64, tpu.core_type = #tpu.core_type<sc_vector_subcore>, window_params = [{transform_indices = #map}, {transform_indices = #map1}, {transform_indices = #map1}]} {
    %mul3A = arith.constant 2 : i32
    %mul3A_0 = arith.muli %arg1, %mul3A : i32
    %add3A = arith.addi %mul3A_0, %arg0 : i32
    %mul3A_1 = arith.constant 512 : i32
    %mul3A_2 = arith.muli %add3A, %mul3A_1 : i32
    "tpu.region"() ({
      %run_scoped3A = tpu.sem_alloc : memref<!tpu.dma_semaphore, #tpu.memory_space<semaphore_mem>>
      %dma_start3A_395 = tpu.memref_slice %arg2[%mul3A_2] : memref<16384xi32, #tpu.memory_space<hbm>> -> memref<512xi32, #tpu.memory_space<hbm>>
      %dma_start3A_396 = tpu.memref_slice %arg2[%mul3A_2] : memref<16384xi32, #tpu.memory_space<hbm>> -> memref<512xi32, #tpu.memory_space<hbm>>
      tpu.enqueue_dma source(%dma_start3A_396 : memref<512xi32, #tpu.memory_space<hbm>>) target(%arg5 : memref<512xi32, #tpu.memory_space<vmem>>) target_semaphore(%run_scoped3A : memref<!tpu.dma_semaphore, #tpu.memory_space<semaphore_mem>>)
      %dma_wait3A = tpu.memref_slice %arg2[%mul3A_2] : memref<16384xi32, #tpu.memory_space<hbm>> -> memref<512xi32, #tpu.memory_space<hbm>>
      %dma_wait3A_397 = tpu.memref_slice %arg2[%mul3A_2] : memref<16384xi32, #tpu.memory_space<hbm>> -> memref<512xi32, #tpu.memory_space<hbm>>
      tpu.wait_dma2 semaphore(%run_scoped3A : memref<!tpu.dma_semaphore, #tpu.memory_space<semaphore_mem>>) src(%dma_wait3A_397 : memref<512xi32, #tpu.memory_space<hbm>>) dst(%arg5 : memref<512xi32, #tpu.memory_space<vmem>>)
      tpu.yield
    }) : () -> ()
    %get3A = arith.constant 0 : index
    %get3A_3 = tpu.vector_load %arg5[%get3A] {strides = array<i32>} : memref<512xi32, #tpu.memory_space<vmem>>, vector<16xi32>,
    %get3A_4 = vector.shape_cast %get3A_3 : vector<16xi32> to vector<16xi32>
    %slice3A = vector.extract_strided_slice %get3A_4 {offsets = [0], sizes = [1], strides = [1]} : vector<16xi32> to vector<1xi32>
    %squeeze3A = vector.extract %slice3A[0] : i32 from vector<1xi32>
    %dma_start3A = arith.constant 0 : i32
    %dma_start3A_5 = arith.constant 0 : i32
    %dma_start3A_6 = tpu.memref_slice %arg6[%dma_start3A, %dma_start3A_5] : memref<512x64xf32, #tpu.memory_space<vmem>> -> memref<1x64xf32, #tpu.memory_space<vmem>>
    %dma_start3A_7 = arith.constant 0 : i32
    %dma_start3A_8 = tpu.memref_slice %arg3[%squeeze3A, %dma_start3A_7] : memref<1000000x64xf32, #tpu.memory_space<hbm>> -> memref<1x64xf32, #tpu.memory_space<hbm>>
    %dma_start3A_9 = arith.constant 0 : i32
    %dma_start3A_10 = arith.constant 0 : i32
    %dma_start3A_11 = tpu.memref_slice %arg6[%dma_start3A_9, %dma_start3A_10] : memref<512x64xf32, #tpu.memory_space<vmem>> -> memref<1x64xf32, #tpu.memory_space<vmem>>
    %dma_start3A_12 = arith.constant 0 : i32
    %dma_start3A_13 = tpu.memref_slice %arg3[%squeeze3A, %dma_start3A_12] : memref<1000000x64xf32, #tpu.memory_space<hbm>> -> memref<1x64xf32, #tpu.memory_space<hbm>>
    tpu.enqueue_dma source(%dma_start3A_13 : memref<1x64xf32, #tpu.memory_space<hbm>>) target(%dma_start3A_11 : memref<1x64xf32, #tpu.memory_space<vmem>>) target_semaphore(%arg7 : memref<!tpu.dma_semaphore, #tpu.memory_space<semaphore_mem>>)
    %slice3A_14 = vector.extract_strided_slice %get3A_4 {offsets = [1], sizes = [1], strides = [1]} : vector<16xi32> to vector<1xi32>
    %squeeze3A_15 = vector.extract %slice3A_14[0] : i32 from vector<1xi32>
    %dma_start3A_16 = arith.constant 1 : i32
    %dma_start3A_17 = arith.constant 0 : i32
    %dma_start3A_18 = tpu.memref_slice %arg6[%dma_start3A_16, %dma_start3A_17] : memref<512x64xf32, #tpu.memory_space<vmem>> -> memref<1x64xf32, #tpu.memory_space<vmem>>
    %dma_start3A_19 = arith.constant 0 : i32
    %dma_start3A_20 = tpu.memref_slice %arg3[%squeeze3A_15, %dma_start3A_19] : memref<1000000x64xf32, #tpu.memory_space<hbm>> -> memref<1x64xf32, #tpu.memory_space<hbm>>
    %dma_start3A_21 = arith.constant 1 : i32
    %dma_start3A_22 = arith.constant 0 : i32
    %dma_start3A_23 = tpu.memref_slice %arg6[%dma_start3A_21, %dma_start3A_22] : memref<512x64xf32, #tpu.memory_space<vmem>> -> memref<1x64xf32, #tpu.memory_space<vmem>>
    %dma_start3A_24 = arith.constant 0 : i32
    %dma_start3A_25 = tpu.memref_slice %arg3[%squeeze3A_15, %dma_start3A_24] : memref<1000000x64xf32, #tpu.memory_space<hbm>> -> memref<1x64xf32, #tpu.memory_space<hbm>>
    tpu.enqueue_dma source(%dma_start3A_25 : memref<1x64xf32, #tpu.memory_space<hbm>>) target(%dma_start3A_23 : memref<1x64xf32, #tpu.memory_space<vmem>>) target_semaphore(%arg7 : memref<!tpu.dma_semaphore, #tpu.memory_space<semaphore_mem>>)
    %slice3A_26 = vector.extract_strided_slice %get3A_4 {offsets = [2], sizes = [1], strides = [1]} : vector<16xi32> to vector<1xi32>
    %squeeze3A_27 = vector.extract %slice3A_26[0] : i32 from vector<1xi32>
    %dma_start3A_28 = arith.constant 2 : i32
    %dma_start3A_29 = arith.constant 0 : i32
    %dma_start3A_30 = tpu.memref_slice %arg6[%dma_start3A_28, %dma_start3A_29] : memref<512x64xf32, #tpu.memory_space<vmem>> -> memref<1x64xf32, #tpu.memory_space<vmem>>
    %dma_start3A_31 = arith.constant 0 : i32
    %dma_start3A_32 = tpu.memref_slice %arg3[%squeeze3A_27, %dma_start3A_31] : memref<1000000x64xf32, #tpu.memory_space<hbm>> -> memref<1x64xf32, #tpu.memory_space<hbm>>
    %dma_start3A_33 = arith.constant 2 : i32
    %dma_start3A_34 = arith.constant 0 : i32
    %dma_start3A_35 = tpu.memref_slice %arg6[%dma_start3A_33, %dma_start3A_34] : memref<512x64xf32, #tpu.memory_space<vmem>> -> memref<1x64xf32, #tpu.memory_space<vmem>>
    %dma_start3A_36 = arith.constant 0 : i32
    %dma_start3A_37 = tpu.memref_slice %arg3[%squeeze3A_27, %dma_start3A_36] : memref<1000000x64xf32, #tpu.memory_space<hbm>> -> memref<1x64xf32, #tpu.memory_space<hbm>>
    tpu.enqueue_dma source(%dma_start3A_37 : memref<1x64xf32, #tpu.memory_space<hbm>>) target(%dma_start3A_35 : memref<1x64xf32, #tpu.memory_space<vmem>>) target_semaphore(%arg7 : memref<!tpu.dma_semaphore, #tpu.memory_space<semaphore_mem>>)
    %slice3A_38 = vector.extract_strided_slice %get3A_4 {offsets = [3], sizes = [1], strides = [1]} : vector<16xi32> to vector<1xi32>
    %squeeze3A_39 = vector.extract %slice3A_38[0] : i32 from vector<1xi32>
    %dma_start3A_40 = arith.constant 3 : i32
    %dma_start3A_41 = arith.constant 0 : i32
    %dma_start3A_42 = tpu.memref_slice %arg6[%dma_start3A_40, %dma_start3A_41] : memref<512x64xf32, #tpu.memory_space<vmem>> -> memref<1x64xf32, #tpu.memory_space<vmem>>
    %dma_start3A_43 = arith.constant 0 : i32
    %dma_start3A_44 = tpu.memref_slice %arg3[%squeeze3A_39, %dma_start3A_43] : memref<1000000x64xf32, #tpu.memory_space<hbm>> -> memref<1x64xf32, #tpu.memory_space<hbm>>
    %dma_start3A_45 = arith.constant 3 : i32
    %dma_start3A_46 = arith.constant 0 : i32
    %dma_start3A_47 = tpu.memref_slice %arg6[%dma_start3A_45, %dma_start3A_46] : memref<512x64xf32, #tpu.memory_space<vmem>> -> memref<1x64xf32, #tpu.memory_space<vmem>>
    %dma_start3A_48 = arith.constant 0 : i32
    %dma_start3A_49 = tpu.memref_slice %arg3[%squeeze3A_39, %dma_start3A_48] : memref<1000000x64xf32, #tpu.memory_space<hbm>> -> memref<1x64xf32, #tpu.memory_space<hbm>>
    tpu.enqueue_dma source(%dma_start3A_49 : memref<1x64xf32, #tpu.memory_space<hbm>>) target(%dma_start3A_47 : memref<1x64xf32, #tpu.memory_space<vmem>>) target_semaphore(%arg7 : memref<!tpu.dma_semaphore, #tpu.memory_space<semaphore_mem>>)
    %slice3A_50 = vector.extract_strided_slice %get3A_4 {offsets = [4], sizes = [1], strides = [1]} : vector<16xi32> to vector<1xi32>
    %squeeze3A_51 = vector.extract %slice3A_50[0] : i32 from vector<1xi32>
    %dma_start3A_52 = arith.constant 4 : i32
    %dma_start3A_53 = arith.constant 0 : i32
    %dma_start3A_54 = tpu.memref_slice %arg6[%dma_start3A_52, %dma_start3A_53] : memref<512x64xf32, #tpu.memory_space<vmem>> -> memref<1x64xf32, #tpu.memory_space<vmem>>
    %dma_start3A_55 = arith.constant 0 : i32
    %dma_start3A_56 = tpu.memref_slice %arg3[%squeeze3A_51, %dma_start3A_55] : memref<1000000x64xf32, #tpu.memory_space<hbm>> -> memref<1x64xf32, #tpu.memory_space<hbm>>
    %dma_start3A_57 = arith.constant 4 : i32
    %dma_start3A_58 = arith.constant 0 : i32
    %dma_start3A_59 = tpu.memref_slice %arg6[%dma_start3A_57, %dma_start3A_58] : memref<512x64xf32, #tpu.memory_space<vmem>> -> memref<1x64xf32, #tpu.memory_space<vmem>>
    %dma_start3A_60 = arith.constant 0 : i32
    %dma_start3A_61 = tpu.memref_slice %arg3[%squeeze3A_51, %dma_start3A_60] : memref<1000000x64xf32, #tpu.memory_space<hbm>> -> memref<1x64xf32, #tpu.memory_space<hbm>>
    tpu.enqueue_dma source(%dma_start3A_61 : memref<1x64xf32, #tpu.memory_space<hbm>>) target(%dma_start3A_59 : memref<1x64xf32, #tpu.memory_space<vmem>>) target_semaphore(%arg7 : memref<!tpu.dma_semaphore, #tpu.memory_space<semaphore_mem>>)
    %slice3A_62 = vector.extract_strided_slice %get3A_4 {offsets = [5], sizes = [1], strides = [1]} : vector<16xi32> to vector<1xi32>
    %squeeze3A_63 = vector.extract %slice3A_62[0] : i32 from vector<1xi32>
    %dma_start3A_64 = arith.constant 5 : i32
    %dma_start3A_65 = arith.constant 0 : i32
    %dma_start3A_66 = tpu.memref_slice %arg6[%dma_start3A_64, %dma_start3A_65] : memref<512x64xf32, #tpu.memory_space<vmem>> -> memref<1x64xf32, #tpu.memory_space<vmem>>
    %dma_start3A_67 = arith.constant 0 : i32
    %dma_start3A_68 = tpu.memref_slice %arg3[%squeeze3A_63, %dma_start3A_67] : memref<1000000x64xf32, #tpu.memory_space<hbm>> -> memref<1x64xf32, #tpu.memory_space<hbm>>
    %dma_start3A_69 = arith.constant 5 : i32
    %dma_start3A_70 = arith.constant 0 : i32
    %dma_start3A_71 = tpu.memref_slice %arg6[%dma_start3A_69, %dma_start3A_70] : memref<512x64xf32, #tpu.memory_space<vmem>> -> memref<1x64xf32, #tpu.memory_space<vmem>>
    %dma_start3A_72 = arith.constant 0 : i32
    %dma_start3A_73 = tpu.memref_slice %arg3[%squeeze3A_63, %dma_start3A_72] : memref<1000000x64xf32, #tpu.memory_space<hbm>> -> memref<1x64xf32, #tpu.memory_space<hbm>>
    tpu.enqueue_dma source(%dma_start3A_73 : memref<1x64xf32, #tpu.memory_space<hbm>>) target(%dma_start3A_71 : memref<1x64xf32, #tpu.memory_space<vmem>>) target_semaphore(%arg7 : memref<!tpu.dma_semaphore, #tpu.memory_space<semaphore_mem>>)
    %slice3A_74 = vector.extract_strided_slice %get3A_4 {offsets = [6], sizes = [1], strides = [1]} : vector<16xi32> to vector<1xi32>
    %squeeze3A_75 = vector.extract %slice3A_74[0] : i32 from vector<1xi32>
    %dma_start3A_76 = arith.constant 6 : i32
    %dma_start3A_77 = arith.constant 0 : i32
    %dma_start3A_78 = tpu.memref_slice %arg6[%dma_start3A_76, %dma_start3A_77] : memref<512x64xf32, #tpu.memory_space<vmem>> -> memref<1x64xf32, #tpu.memory_space<vmem>>
    %dma_start3A_79 = arith.constant 0 : i32
    %dma_start3A_80 = tpu.memref_slice %arg3[%squeeze3A_75, %dma_start3A_79] : memref<1000000x64xf32, #tpu.memory_space<hbm>> -> memref<1x64xf32, #tpu.memory_space<hbm>>
    %dma_start3A_81 = arith.constant 6 : i32
    %dma_start3A_82 = arith.constant 0 : i32
    %dma_start3A_83 = tpu.memref_slice %arg6[%dma_start3A_81, %dma_start3A_82] : memref<512x64xf32, #tpu.memory_space<vmem>> -> memref<1x64xf32, #tpu.memory_space<vmem>>
    %dma_start3A_84 = arith.constant 0 : i32
    %dma_start3A_85 = tpu.memref_slice %arg3[%squeeze3A_75, %dma_start3A_84] : memref<1000000x64xf32, #tpu.memory_space<hbm>> -> memref<1x64xf32, #tpu.memory_space<hbm>>
    tpu.enqueue_dma source(%dma_start3A_85 : memref<1x64xf32, #tpu.memory_space<hbm>>) target(%dma_start3A_83 : memref<1x64xf32, #tpu.memory_space<vmem>>) target_semaphore(%arg7 : memref<!tpu.dma_semaphore, #tpu.memory_space<semaphore_mem>>)
    %slice3A_86 = vector.extract_strided_slice %get3A_4 {offsets = [7], sizes = [1], strides = [1]} : vector<16xi32> to vector<1xi32>
    %squeeze3A_87 = vector.extract %slice3A_86[0] : i32 from vector<1xi32>
    %dma_start3A_88 = arith.constant 7 : i32
    %dma_start3A_89 = arith.constant 0 : i32
    %dma_start3A_90 = tpu.memref_slice %arg6[%dma_start3A_88, %dma_start3A_89] : memref<512x64xf32, #tpu.memory_space<vmem>> -> memref<1x64xf32, #tpu.memory_space<vmem>>
    %dma_start3A_91 = arith.constant 0 : i32
    %dma_start3A_92 = tpu.memref_slice %arg3[%squeeze3A_87, %dma_start3A_91] : memref<1000000x64xf32, #tpu.memory_space<hbm>> -> memref<1x64xf32, #tpu.memory_space<hbm>>
    %dma_start3A_93 = arith.constant 7 : i32
    %dma_start3A_94 = arith.constant 0 : i32
    %dma_start3A_95 = tpu.memref_slice %arg6[%dma_start3A_93, %dma_start3A_94] : memref<512x64xf32, #tpu.memory_space<vmem>> -> memref<1x64xf32, #tpu.memory_space<vmem>>
    %dma_start3A_96 = arith.constant 0 : i32
    %dma_start3A_97 = tpu.memref_slice %arg3[%squeeze3A_87, %dma_start3A_96] : memref<1000000x64xf32, #tpu.memory_space<hbm>> -> memref<1x64xf32, #tpu.memory_space<hbm>>
    tpu.enqueue_dma source(%dma_start3A_97 : memref<1x64xf32, #tpu.memory_space<hbm>>) target(%dma_start3A_95 : memref<1x64xf32, #tpu.memory_space<vmem>>) target_semaphore(%arg7 : memref<!tpu.dma_semaphore, #tpu.memory_space<semaphore_mem>>)
    %slice3A_98 = vector.extract_strided_slice %get3A_4 {offsets = [8], sizes = [1], strides = [1]} : vector<16xi32> to vector<1xi32>
    %squeeze3A_99 = vector.extract %slice3A_98[0] : i32 from vector<1xi32>
    %dma_start3A_100 = arith.constant 8 : i32
    %dma_start3A_101 = arith.constant 0 : i32
    %dma_start3A_102 = tpu.memref_slice %arg6[%dma_start3A_100, %dma_start3A_101] : memref<512x64xf32, #tpu.memory_space<vmem>> -> memref<1x64xf32, #tpu.memory_space<vmem>>
    %dma_start3A_103 = arith.constant 0 : i32
    %dma_start3A_104 = tpu.memref_slice %arg3[%squeeze3A_99, %dma_start3A_103] : memref<1000000x64xf32, #tpu.memory_space<hbm>> -> memref<1x64xf32, #tpu.memory_space<hbm>>
    %dma_start3A_105 = arith.constant 8 : i32
    %dma_start3A_106 = arith.constant 0 : i32
    %dma_start3A_107 = tpu.memref_slice %arg6[%dma_start3A_105, %dma_start3A_106] : memref<512x64xf32, #tpu.memory_space<vmem>> -> memref<1x64xf32, #tpu.memory_space<vmem>>
    %dma_start3A_108 = arith.constant 0 : i32
    %dma_start3A_109 = tpu.memref_slice %arg3[%squeeze3A_99, %dma_start3A_108] : memref<1000000x64xf32, #tpu.memory_space<hbm>> -> memref<1x64xf32, #tpu.memory_space<hbm>>
    tpu.enqueue_dma source(%dma_start3A_109 : memref<1x64xf32, #tpu.memory_space<hbm>>) target(%dma_start3A_107 : memref<1x64xf32, #tpu.memory_space<vmem>>) target_semaphore(%arg7 : memref<!tpu.dma_semaphore, #tpu.memory_space<semaphore_mem>>)
    %slice3A_110 = vector.extract_strided_slice %get3A_4 {offsets = [9], sizes = [1], strides = [1]} : vector<16xi32> to vector<1xi32>
    %squeeze3A_111 = vector.extract %slice3A_110[0] : i32 from vector<1xi32>
    %dma_start3A_112 = arith.constant 9 : i32
    %dma_start3A_113 = arith.constant 0 : i32
    %dma_start3A_114 = tpu.memref_slice %arg6[%dma_start3A_112, %dma_start3A_113] : memref<512x64xf32, #tpu.memory_space<vmem>> -> memref<1x64xf32, #tpu.memory_space<vmem>>
    %dma_start3A_115 = arith.constant 0 : i32
    %dma_start3A_116 = tpu.memref_slice %arg3[%squeeze3A_111, %dma_start3A_115] : memref<1000000x64xf32, #tpu.memory_space<hbm>> -> memref<1x64xf32, #tpu.memory_space<hbm>>
    %dma_start3A_117 = arith.constant 9 : i32
    %dma_start3A_118 = arith.constant 0 : i32
    %dma_start3A_119 = tpu.memref_slice %arg6[%dma_start3A_117, %dma_start3A_118] : memref<512x64xf32, #tpu.memory_space<vmem>> -> memref<1x64xf32, #tpu.memory_space<vmem>>
    %dma_start3A_120 = arith.constant 0 : i32
    %dma_start3A_121 = tpu.memref_slice %arg3[%squeeze3A_111, %dma_start3A_120] : memref<1000000x64xf32, #tpu.memory_space<hbm>> -> memref<1x64xf32, #tpu.memory_space<hbm>>
    tpu.enqueue_dma source(%dma_start3A_121 : memref<1x64xf32, #tpu.memory_space<hbm>>) target(%dma_start3A_119 : memref<1x64xf32, #tpu.memory_space<vmem>>) target_semaphore(%arg7 : memref<!tpu.dma_semaphore, #tpu.memory_space<semaphore_mem>>)
    %slice3A_122 = vector.extract_strided_slice %get3A_4 {offsets = [10], sizes = [1], strides = [1]} : vector<16xi32> to vector<1xi32>
    %squeeze3A_123 = vector.extract %slice3A_122[0] : i32 from vector<1xi32>
    %dma_start3A_124 = arith.constant 10 : i32
    %dma_start3A_125 = arith.constant 0 : i32
    %dma_start3A_126 = tpu.memref_slice %arg6[%dma_start3A_124, %dma_start3A_125] : memref<512x64xf32, #tpu.memory_space<vmem>> -> memref<1x64xf32, #tpu.memory_space<vmem>>
    %dma_start3A_127 = arith.constant 0 : i32
    %dma_start3A_128 = tpu.memref_slice %arg3[%squeeze3A_123, %dma_start3A_127] : memref<1000000x64xf32, #tpu.memory_space<hbm>> -> memref<1x64xf32, #tpu.memory_space<hbm>>
    %dma_start3A_129 = arith.constant 10 : i32
    %dma_start3A_130 = arith.constant 0 : i32
    %dma_start3A_131 = tpu.memref_slice %arg6[%dma_start3A_129, %dma_start3A_130] : memref<512x64xf32, #tpu.memory_space<vmem>> -> memref<1x64xf32, #tpu.memory_space<vmem>>
    %dma_start3A_132 = arith.constant 0 : i32
    %dma_start3A_133 = tpu.memref_slice %arg3[%squeeze3A_123, %dma_start3A_132] : memref<1000000x64xf32, #tpu.memory_space<hbm>> -> memref<1x64xf32, #tpu.memory_space<hbm>>
    tpu.enqueue_dma source(%dma_start3A_133 : memref<1x64xf32, #tpu.memory_space<hbm>>) target(%dma_start3A_131 : memref<1x64xf32, #tpu.memory_space<vmem>>) target_semaphore(%arg7 : memref<!tpu.dma_semaphore, #tpu.memory_space<semaphore_mem>>)
    %slice3A_134 = vector.extract_strided_slice %get3A_4 {offsets = [11], sizes = [1], strides = [1]} : vector<16xi32> to vector<1xi32>
    %squeeze3A_135 = vector.extract %slice3A_134[0] : i32 from vector<1xi32>
    %dma_start3A_136 = arith.constant 11 : i32
    %dma_start3A_137 = arith.constant 0 : i32
    %dma_start3A_138 = tpu.memref_slice %arg6[%dma_start3A_136, %dma_start3A_137] : memref<512x64xf32, #tpu.memory_space<vmem>> -> memref<1x64xf32, #tpu.memory_space<vmem>>
    %dma_start3A_139 = arith.constant 0 : i32
    %dma_start3A_140 = tpu.memref_slice %arg3[%squeeze3A_135, %dma_start3A_139] : memref<1000000x64xf32, #tpu.memory_space<hbm>> -> memref<1x64xf32, #tpu.memory_space<hbm>>
    %dma_start3A_141 = arith.constant 11 : i32
    %dma_start3A_142 = arith.constant 0 : i32
    %dma_start3A_143 = tpu.memref_slice %arg6[%dma_start3A_141, %dma_start3A_142] : memref<512x64xf32, #tpu.memory_space<vmem>> -> memref<1x64xf32, #tpu.memory_space<vmem>>
    %dma_start3A_144 = arith.constant 0 : i32
    %dma_start3A_145 = tpu.memref_slice %arg3[%squeeze3A_135, %dma_start3A_144] : memref<1000000x64xf32, #tpu.memory_space<hbm>> -> memref<1x64xf32, #tpu.memory_space<hbm>>
    tpu.enqueue_dma source(%dma_start3A_145 : memref<1x64xf32, #tpu.memory_space<hbm>>) target(%dma_start3A_143 : memref<1x64xf32, #tpu.memory_space<vmem>>) target_semaphore(%arg7 : memref<!tpu.dma_semaphore, #tpu.memory_space<semaphore_mem>>)
    %slice3A_146 = vector.extract_strided_slice %get3A_4 {offsets = [12], sizes = [1], strides = [1]} : vector<16xi32> to vector<1xi32>
    %squeeze3A_147 = vector.extract %slice3A_146[0] : i32 from vector<1xi32>
    %dma_start3A_148 = arith.constant 12 : i32
    %dma_start3A_149 = arith.constant 0 : i32
    %dma_start3A_150 = tpu.memref_slice %arg6[%dma_start3A_148, %dma_start3A_149] : memref<512x64xf32, #tpu.memory_space<vmem>> -> memref<1x64xf32, #tpu.memory_space<vmem>>
    %dma_start3A_151 = arith.constant 0 : i32
    %dma_start3A_152 = tpu.memref_slice %arg3[%squeeze3A_147, %dma_start3A_151] : memref<1000000x64xf32, #tpu.memory_space<hbm>> -> memref<1x64xf32, #tpu.memory_space<hbm>>
    %dma_start3A_153 = arith.constant 12 : i32
    %dma_start3A_154 = arith.constant 0 : i32
    %dma_start3A_155 = tpu.memref_slice %arg6[%dma_start3A_153, %dma_start3A_154] : memref<512x64xf32, #tpu.memory_space<vmem>> -> memref<1x64xf32, #tpu.memory_space<vmem>>
    %dma_start3A_156 = arith.constant 0 : i32
    %dma_start3A_157 = tpu.memref_slice %arg3[%squeeze3A_147, %dma_start3A_156] : memref<1000000x64xf32, #tpu.memory_space<hbm>> -> memref<1x64xf32, #tpu.memory_space<hbm>>
    tpu.enqueue_dma source(%dma_start3A_157 : memref<1x64xf32, #tpu.memory_space<hbm>>) target(%dma_start3A_155 : memref<1x64xf32, #tpu.memory_space<vmem>>) target_semaphore(%arg7 : memref<!tpu.dma_semaphore, #tpu.memory_space<semaphore_mem>>)
    %slice3A_158 = vector.extract_strided_slice %get3A_4 {offsets = [13], sizes = [1], strides = [1]} : vector<16xi32> to vector<1xi32>
    %squeeze3A_159 = vector.extract %slice3A_158[0] : i32 from vector<1xi32>
    %dma_start3A_160 = arith.constant 13 : i32
    %dma_start3A_161 = arith.constant 0 : i32
    %dma_start3A_162 = tpu.memref_slice %arg6[%dma_start3A_160, %dma_start3A_161] : memref<512x64xf32, #tpu.memory_space<vmem>> -> memref<1x64xf32, #tpu.memory_space<vmem>>
    %dma_start3A_163 = arith.constant 0 : i32
    %dma_start3A_164 = tpu.memref_slice %arg3[%squeeze3A_159, %dma_start3A_163] : memref<1000000x64xf32, #tpu.memory_space<hbm>> -> memref<1x64xf32, #tpu.memory_space<hbm>>
    %dma_start3A_165 = arith.constant 13 : i32
    %dma_start3A_166 = arith.constant 0 : i32
    %dma_start3A_167 = tpu.memref_slice %arg6[%dma_start3A_165, %dma_start3A_166] : memref<512x64xf32, #tpu.memory_space<vmem>> -> memref<1x64xf32, #tpu.memory_space<vmem>>
    %dma_start3A_168 = arith.constant 0 : i32
    %dma_start3A_169 = tpu.memref_slice %arg3[%squeeze3A_159, %dma_start3A_168] : memref<1000000x64xf32, #tpu.memory_space<hbm>> -> memref<1x64xf32, #tpu.memory_space<hbm>>
    tpu.enqueue_dma source(%dma_start3A_169 : memref<1x64xf32, #tpu.memory_space<hbm>>) target(%dma_start3A_167 : memref<1x64xf32, #tpu.memory_space<vmem>>) target_semaphore(%arg7 : memref<!tpu.dma_semaphore, #tpu.memory_space<semaphore_mem>>)
    %slice3A_170 = vector.extract_strided_slice %get3A_4 {offsets = [14], sizes = [1], strides = [1]} : vector<16xi32> to vector<1xi32>
    %squeeze3A_171 = vector.extract %slice3A_170[0] : i32 from vector<1xi32>
    %dma_start3A_172 = arith.constant 14 : i32
    %dma_start3A_173 = arith.constant 0 : i32
    %dma_start3A_174 = tpu.memref_slice %arg6[%dma_start3A_172, %dma_start3A_173] : memref<512x64xf32, #tpu.memory_space<vmem>> -> memref<1x64xf32, #tpu.memory_space<vmem>>
    %dma_start3A_175 = arith.constant 0 : i32
    %dma_start3A_176 = tpu.memref_slice %arg3[%squeeze3A_171, %dma_start3A_175] : memref<1000000x64xf32, #tpu.memory_space<hbm>> -> memref<1x64xf32, #tpu.memory_space<hbm>>
    %dma_start3A_177 = arith.constant 14 : i32
    %dma_start3A_178 = arith.constant 0 : i32
    %dma_start3A_179 = tpu.memref_slice %arg6[%dma_start3A_177, %dma_start3A_178] : memref<512x64xf32, #tpu.memory_space<vmem>> -> memref<1x64xf32, #tpu.memory_space<vmem>>
    %dma_start3A_180 = arith.constant 0 : i32
    %dma_start3A_181 = tpu.memref_slice %arg3[%squeeze3A_171, %dma_start3A_180] : memref<1000000x64xf32, #tpu.memory_space<hbm>> -> memref<1x64xf32, #tpu.memory_space<hbm>>
    tpu.enqueue_dma source(%dma_start3A_181 : memref<1x64xf32, #tpu.memory_space<hbm>>) target(%dma_start3A_179 : memref<1x64xf32, #tpu.memory_space<vmem>>) target_semaphore(%arg7 : memref<!tpu.dma_semaphore, #tpu.memory_space<semaphore_mem>>)
    %slice3A_182 = vector.extract_strided_slice %get3A_4 {offsets = [15], sizes = [1], strides = [1]} : vector<16xi32> to vector<1xi32>
    %squeeze3A_183 = vector.extract %slice3A_182[0] : i32 from vector<1xi32>
    %dma_start3A_184 = arith.constant 15 : i32
    %dma_start3A_185 = arith.constant 0 : i32
    %dma_start3A_186 = tpu.memref_slice %arg6[%dma_start3A_184, %dma_start3A_185] : memref<512x64xf32, #tpu.memory_space<vmem>> -> memref<1x64xf32, #tpu.memory_space<vmem>>
    %dma_start3A_187 = arith.constant 0 : i32
    %dma_start3A_188 = tpu.memref_slice %arg3[%squeeze3A_183, %dma_start3A_187] : memref<1000000x64xf32, #tpu.memory_space<hbm>> -> memref<1x64xf32, #tpu.memory_space<hbm>>
    %dma_start3A_189 = arith.constant 15 : i32
    %dma_start3A_190 = arith.constant 0 : i32
    %dma_start3A_191 = tpu.memref_slice %arg6[%dma_start3A_189, %dma_start3A_190] : memref<512x64xf32, #tpu.memory_space<vmem>> -> memref<1x64xf32, #tpu.memory_space<vmem>>
    %dma_start3A_192 = arith.constant 0 : i32
    %dma_start3A_193 = tpu.memref_slice %arg3[%squeeze3A_183, %dma_start3A_192] : memref<1000000x64xf32, #tpu.memory_space<hbm>> -> memref<1x64xf32, #tpu.memory_space<hbm>>
    tpu.enqueue_dma source(%dma_start3A_193 : memref<1x64xf32, #tpu.memory_space<hbm>>) target(%dma_start3A_191 : memref<1x64xf32, #tpu.memory_space<vmem>>) target_semaphore(%arg7 : memref<!tpu.dma_semaphore, #tpu.memory_space<semaphore_mem>>)
    %get3A_194 = arith.constant 16 : index
    %get3A_195 = tpu.vector_load %arg5[%get3A_194] {strides = array<i32>} : memref<512xi32, #tpu.memory_space<vmem>>, vector<16xi32>,
    %get3A_196 = vector.shape_cast %get3A_195 : vector<16xi32> to vector<16xi32>
    %slice3A_197 = vector.extract_strided_slice %get3A_196 {offsets = [0], sizes = [1], strides = [1]} : vector<16xi32> to vector<1xi32>
    %squeeze3A_198 = vector.extract %slice3A_197[0] : i32 from vector<1xi32>
    %dma_start3A_199 = arith.constant 16 : i32
    %dma_start3A_200 = arith.constant 0 : i32
    %dma_start3A_201 = tpu.memref_slice %arg6[%dma_start3A_199, %dma_start3A_200] : memref<512x64xf32, #tpu.memory_space<vmem>> -> memref<1x64xf32, #tpu.memory_space<vmem>>
    %dma_start3A_202 = arith.constant 0 : i32
    %dma_start3A_203 = tpu.memref_slice %arg3[%squeeze3A_198, %dma_start3A_202] : memref<1000000x64xf32, #tpu.memory_space<hbm>> -> memref<1x64xf32, #tpu.memory_space<hbm>>
    %dma_start3A_204 = arith.constant 16 : i32
    %dma_start3A_205 = arith.constant 0 : i32
    %dma_start3A_206 = tpu.memref_slice %arg6[%dma_start3A_204, %dma_start3A_205] : memref<512x64xf32, #tpu.memory_space<vmem>> -> memref<1x64xf32, #tpu.memory_space<vmem>>
    %dma_start3A_207 = arith.constant 0 : i32
    %dma_start3A_208 = tpu.memref_slice %arg3[%squeeze3A_198, %dma_start3A_207] : memref<1000000x64xf32, #tpu.memory_space<hbm>> -> memref<1x64xf32, #tpu.memory_space<hbm>>
    tpu.enqueue_dma source(%dma_start3A_208 : memref<1x64xf32, #tpu.memory_space<hbm>>) target(%dma_start3A_206 : memref<1x64xf32, #tpu.memory_space<vmem>>) target_semaphore(%arg7 : memref<!tpu.dma_semaphore, #tpu.memory_space<semaphore_mem>>)
    %slice3A_209 = vector.extract_strided_slice %get3A_196 {offsets = [1], sizes = [1], strides = [1]} : vector<16xi32> to vector<1xi32>
    %squeeze3A_210 = vector.extract %slice3A_209[0] : i32 from vector<1xi32>
    %dma_start3A_211 = arith.constant 17 : i32
    %dma_start3A_212 = arith.constant 0 : i32
    %dma_start3A_213 = tpu.memref_slice %arg6[%dma_start3A_211, %dma_start3A_212] : memref<512x64xf32, #tpu.memory_space<vmem>> -> memref<1x64xf32, #tpu.memory_space<vmem>>
    %dma_start3A_214 = arith.constant 0 : i32
    %dma_start3A_215 = tpu.memref_slice %arg3[%squeeze3A_210, %dma_start3A_214] : memref<1000000x64xf32, #tpu.memory_space<hbm>> -> memref<1x64xf32, #tpu.memory_space<hbm>>
    %dma_start3A_216 = arith.constant 17 : i32
    %dma_start3A_217 = arith.constant 0 : i32
    %dma_start3A_218 = tpu.memref_slice %arg6[%dma_start3A_216, %dma_start3A_217] : memref<512x64xf32, #tpu.memory_space<vmem>> -> memref<1x64xf32, #tpu.memory_space<vmem>>
    %dma_start3A_219 = arith.constant 0 : i32
    %dma_start3A_220 = tpu.memref_slice %arg3[%squeeze3A_210, %dma_start3A_219] : memref<1000000x64xf32, #tpu.memory_space<hbm>> -> memref<1x64xf32, #tpu.memory_space<hbm>>
    tpu.enqueue_dma source(%dma_start3A_220 : memref<1x64xf32, #tpu.memory_space<hbm>>) target(%dma_start3A_218 : memref<1x64xf32, #tpu.memory_space<vmem>>) target_semaphore(%arg7 : memref<!tpu.dma_semaphore, #tpu.memory_space<semaphore_mem>>)
    %slice3A_221 = vector.extract_strided_slice %get3A_196 {offsets = [2], sizes = [1], strides = [1]} : vector<16xi32> to vector<1xi32>
    %squeeze3A_222 = vector.extract %slice3A_221[0] : i32 from vector<1xi32>
    %dma_start3A_223 = arith.constant 18 : i32
    %dma_start3A_224 = arith.constant 0 : i32
    %dma_start3A_225 = tpu.memref_slice %arg6[%dma_start3A_223, %dma_start3A_224] : memref<512x64xf32, #tpu.memory_space<vmem>> -> memref<1x64xf32, #tpu.memory_space<vmem>>
    %dma_start3A_226 = arith.constant 0 : i32
    %dma_start3A_227 = tpu.memref_slice %arg3[%squeeze3A_222, %dma_start3A_226] : memref<1000000x64xf32, #tpu.memory_space<hbm>> -> memref<1x64xf32, #tpu.memory_space<hbm>>
    %dma_start3A_228 = arith.constant 18 : i32
    %dma_start3A_229 = arith.constant 0 : i32
    %dma_start3A_230 = tpu.memref_slice %arg6[%dma_start3A_228, %dma_start3A_229] : memref<512x64xf32, #tpu.memory_space<vmem>> -> memref<1x64xf32, #tpu.memory_space<vmem>>
    %dma_start3A_231 = arith.constant 0 : i32
    %dma_start3A_232 = tpu.memref_slice %arg3[%squeeze3A_222, %dma_start3A_231] : memref<1000000x64xf32, #tpu.memory_space<hbm>> -> memref<1x64xf32, #tpu.memory_space<hbm>>
    tpu.enqueue_dma source(%dma_start3A_232 : memref<1x64xf32, #tpu.memory_space<hbm>>) target(%dma_start3A_230 : memref<1x64xf32, #tpu.memory_space<vmem>>) target_semaphore(%arg7 : memref<!tpu.dma_semaphore, #tpu.memory_space<semaphore_mem>>)
    %slice3A_233 = vector.extract_strided_slice %get3A_196 {offsets = [3], sizes = [1], strides = [1]} : vector<16xi32> to vector<1xi32>
    %squeeze3A_234 = vector.extract %slice3A_233[0] : i32 from vector<1xi32>
    %dma_start3A_235 = arith.constant 19 : i32
    %dma_start3A_236 = arith.constant 0 : i32
    %dma_start3A_237 = tpu.memref_slice %arg6[%dma_start3A_235, %dma_start3A_236] : memref<512x64xf32, #tpu.memory_space<vmem>> -> memref<1x64xf32, #tpu.memory_space<vmem>>
    %dma_start3A_238 = arith.constant 0 : i32
    %dma_start3A_239 = tpu.memref_slice %arg3[%squeeze3A_234, %dma_start3A_238] : memref<1000000x64xf32, #tpu.memory_space<hbm>> -> memref<1x64xf32, #tpu.memory_space<hbm>>
    %dma_start3A_240 = arith.constant 19 : i32
    %dma_start3A_241 = arith.constant 0 : i32
    %dma_start3A_242 = tpu.memref_slice %arg6[%dma_start3A_240, %dma_start3A_241] : memref<512x64xf32, #tpu.memory_space<vmem>> -> memref<1x64xf32, #tpu.memory_space<vmem>>
    %dma_start3A_243 = arith.constant 0 : i32
    %dma_start3A_244 = tpu.memref_slice %arg3[%squeeze3A_234, %dma_start3A_243] : memref<1000000x64xf32, #tpu.memory_space<hbm>> -> memref<1x64xf32, #tpu.memory_space<hbm>>
    tpu.enqueue_dma source(%dma_start3A_244 : memref<1x64xf32, #tpu.memory_space<hbm>>) target(%dma_start3A_242 : memref<1x64xf32, #tpu.memory_space<vmem>>) target_semaphore(%arg7 : memref<!tpu.dma_semaphore, #tpu.memory_space<semaphore_mem>>)
    %slice3A_245 = vector.extract_strided_slice %get3A_196 {offsets = [4], sizes = [1], strides = [1]} : vector<16xi32> to vector<1xi32>
    %squeeze3A_246 = vector.extract %slice3A_245[0] : i32 from vector<1xi32>
    %dma_start3A_247 = arith.constant 20 : i32
    %dma_start3A_248 = arith.constant 0 : i32
    %dma_start3A_249 = tpu.memref_slice %arg6[%dma_start3A_247, %dma_start3A_248] : memref<512x64xf32, #tpu.memory_space<vmem>> -> memref<1x64xf32, #tpu.memory_space<vmem>>
    %dma_start3A_250 = arith.constant 0 : i32
    %dma_start3A_251 = tpu.memref_slice %arg3[%squeeze3A_246, %dma_start3A_250] : memref<1000000x64xf32, #tpu.memory_space<hbm>> -> memref<1x64xf32, #tpu.memory_space<hbm>>
    %dma_start3A_252 = arith.constant 20 : i32
    %dma_start3A_253 = arith.constant 0 : i32
    %dma_start3A_254 = tpu.memref_slice %arg6[%dma_start3A_252, %dma_start3A_253] : memref<512x64xf32, #tpu.memory_space<vmem>> -> memref<1x64xf32, #tpu.memory_space<vmem>>
    %dma_start3A_255 = arith.constant 0 : i32
    %dma_start3A_256 = tpu.memref_slice %arg3[%squeeze3A_246, %dma_start3A_255] : memref<1000000x64xf32, #tpu.memory_space<hbm>> -> memref<1x64xf32, #tpu.memory_space<hbm>>
    tpu.enqueue_dma source(%dma_start3A_256 : memref<1x64xf32, #tpu.memory_space<hbm>>) target(%dma_start3A_254 : memref<1x64xf32, #tpu.memory_space<vmem>>) target_semaphore(%arg7 : memref<!tpu.dma_semaphore, #tpu.memory_space<semaphore_mem>>)
    %slice3A_257 = vector.extract_strided_slice %get3A_196 {offsets = [5], sizes = [1], strides = [1]} : vector<16xi32> to vector<1xi32>
    %squeeze3A_258 = vector.extract %slice3A_257[0] : i32 from vector<1xi32>
    %dma_start3A_259 = arith.constant 21 : i32
    %dma_start3A_260 = arith.constant 0 : i32
    %dma_start3A_261 = tpu.memref_slice %arg6[%dma_start3A_259, %dma_start3A_260] : memref<512x64xf32, #tpu.memory_space<vmem>> -> memref<1x64xf32, #tpu.memory_space<vmem>>
    %dma_start3A_262 = arith.constant 0 : i32
    %dma_start3A_263 = tpu.memref_slice %arg3[%squeeze3A_258, %dma_start3A_262] : memref<1000000x64xf32, #tpu.memory_space<hbm>> -> memref<1x64xf32, #tpu.memory_space<hbm>>
    %dma_start3A_264 = arith.constant 21 : i32
    %dma_start3A_265 = arith.constant 0 : i32
    %dma_start3A_266 = tpu.memref_slice %arg6[%dma_start3A_264, %dma_start3A_265] : memref<512x64xf32, #tpu.memory_space<vmem>> -> memref<1x64xf32, #tpu.memory_space<vmem>>
    %dma_start3A_267 = arith.constant 0 : i32
    %dma_start3A_268 = tpu.memref_slice %arg3[%squeeze3A_258, %dma_start3A_267] : memref<1000000x64xf32, #tpu.memory_space<hbm>> -> memref<1x64xf32, #tpu.memory_space<hbm>>
    tpu.enqueue_dma source(%dma_start3A_268 : memref<1x64xf32, #tpu.memory_space<hbm>>) target(%dma_start3A_266 : memref<1x64xf32, #tpu.memory_space<vmem>>) target_semaphore(%arg7 : memref<!tpu.dma_semaphore, #tpu.memory_space<semaphore_mem>>)
    %slice3A_269 = vector.extract_strided_slice %get3A_196 {offsets = [6], sizes = [1], strides = [1]} : vector<16xi32> to vector<1xi32>
    %squeeze3A_270 = vector.extract %slice3A_269[0] : i32 from vector<1xi32>
    %dma_start3A_271 = arith.constant 22 : i32
    %dma_start3A_272 = arith.constant 0 : i32
    %dma_start3A_273 = tpu.memref_slice %arg6[%dma_start3A_271, %dma_start3A_272] : memref<512x64xf32, #tpu.memory_space<vmem>> -> memref<1x64xf32, #tpu.memory_space<vmem>>
    %dma_start3A_274 = arith.constant 0 : i32
    %dma_start3A_275 = tpu.memref_slice %arg3[%squeeze3A_270, %dma_start3A_274] : memref<1000000x64xf32, #tpu.memory_space<hbm>> -> memref<1x64xf32, #tpu.memory_space<hbm>>
    %dma_start3A_276 = arith.constant 22 : i32
    %dma_start3A_277 = arith.constant 0 : i32
    %dma_start3A_278 = tpu.memref_slice %arg6[%dma_start3A_276, %dma_start3A_277] : memref<512x64xf32, #tpu.memory_space<vmem>> -> memref<1x64xf32, #tpu.memory_space<vmem>>
    %dma_start3A_279 = arith.constant 0 : i32
    %dma_start3A_280 = tpu.memref_slice %arg3[%squeeze3A_270, %dma_start3A_279] : memref<1000000x64xf32, #tpu.memory_space<hbm>> -> memref<1x64xf32, #tpu.memory_space<hbm>>
    tpu.enqueue_dma source(%dma_start3A_280 : memref<1x64xf32, #tpu.memory_space<hbm>>) target(%dma_start3A_278 : memref<1x64xf32, #tpu.memory_space<vmem>>) target_semaphore(%arg7 : memref<!tpu.dma_semaphore, #tpu.memory_space<semaphore_mem>>)
    %slice3A_281 = vector.extract_strided_slice %get3A_196 {offsets = [7], sizes = [1], strides = [1]} : vector<16xi32> to vector<1xi32>
    %squeeze3A_282 = vector.extract %slice3A_281[0] : i32 from vector<1xi32>
    %dma_start3A_283 = arith.constant 23 : i32
    %dma_start3A_284 = arith.constant 0 : i32
    %dma_start3A_285 = tpu.memref_slice %arg6[%dma_start3A_283, %dma_start3A_284] : memref<512x64xf32, #tpu.memory_space<vmem>> -> memref<1x64xf32, #tpu.memory_space<vmem>>
    %dma_start3A_286 = arith.constant 0 : i32
    %dma_start3A_287 = tpu.memref_slice %arg3[%squeeze3A_282, %dma_start3A_286] : memref<1000000x64xf32, #tpu.memory_space<hbm>> -> memref<1x64xf32, #tpu.memory_space<hbm>>
    %dma_start3A_288 = arith.constant 23 : i32
    %dma_start3A_289 = arith.constant 0 : i32
    %dma_start3A_290 = tpu.memref_slice %arg6[%dma_start3A_288, %dma_start3A_289] : memref<512x64xf32, #tpu.memory_space<vmem>> -> memref<1x64xf32, #tpu.memory_space<vmem>>
    %dma_start3A_291 = arith.constant 0 : i32
    %dma_start3A_292 = tpu.memref_slice %arg3[%squeeze3A_282, %dma_start3A_291] : memref<1000000x64xf32, #tpu.memory_space<hbm>> -> memref<1x64xf32, #tpu.memory_space<hbm>>
    tpu.enqueue_dma source(%dma_start3A_292 : memref<1x64xf32, #tpu.memory_space<hbm>>) target(%dma_start3A_290 : memref<1x64xf32, #tpu.memory_space<vmem>>) target_semaphore(%arg7 : memref<!tpu.dma_semaphore, #tpu.memory_space<semaphore_mem>>)
    %slice3A_293 = vector.extract_strided_slice %get3A_196 {offsets = [8], sizes = [1], strides = [1]} : vector<16xi32> to vector<1xi32>
    %squeeze3A_294 = vector.extract %slice3A_293[0] : i32 from vector<1xi32>
    %dma_start3A_295 = arith.constant 24 : i32
    %dma_start3A_296 = arith.constant 0 : i32
    %dma_start3A_297 = tpu.memref_slice %arg6[%dma_start3A_295, %dma_start3A_296] : memref<512x64xf32, #tpu.memory_space<vmem>> -> memref<1x64xf32, #tpu.memory_space<vmem>>
    %dma_start3A_298 = arith.constant 0 : i32
    %dma_start3A_299 = tpu.memref_slice %arg3[%squeeze3A_294, %dma_start3A_298] : memref<1000000x64xf32, #tpu.memory_space<hbm>> -> memref<1x64xf32, #tpu.memory_space<hbm>>
    %dma_start3A_300 = arith.constant 24 : i32
    %dma_start3A_301 = arith.constant 0 : i32
    %dma_start3A_302 = tpu.memref_slice %arg6[%dma_start3A_300, %dma_start3A_301] : memref<512x64xf32, #tpu.memory_space<vmem>> -> memref<1x64xf32, #tpu.memory_space<vmem>>
    %dma_start3A_303 = arith.constant 0 : i32
    %dma_start3A_304 = tpu.memref_slice %arg3[%squeeze3A_294, %dma_start3A_303] : memref<1000000x64xf32, #tpu.memory_space<hbm>> -> memref<1x64xf32, #tpu.memory_space<hbm>>
    tpu.enqueue_dma source(%dma_start3A_304 : memref<1x64xf32, #tpu.memory_space<hbm>>) target(%dma_start3A_302 : memref<1x64xf32, #tpu.memory_space<vmem>>) target_semaphore(%arg7 : memref<!tpu.dma_semaphore, #tpu.memory_space<semaphore_mem>>)
    %slice3A_305 = vector.extract_strided_slice %get3A_196 {offsets = [9], sizes = [1], strides = [1]} : vector<16xi32> to vector<1xi32>
    %squeeze3A_306 = vector.extract %slice3A_305[0] : i32 from vector<1xi32>
    %dma_start3A_307 = arith.constant 25 : i32
    %dma_start3A_308 = arith.constant 0 : i32
    %dma_start3A_309 = tpu.memref_slice %arg6[%dma_start3A_307, %dma_start3A_308] : memref<512x64xf32, #tpu.memory_space<vmem>> -> memref<1x64xf32, #tpu.memory_space<vmem>>
    %dma_start3A_310 = arith.constant 0 : i32
    %dma_start3A_311 = tpu.memref_slice %arg3[%squeeze3A_306, %dma_start3A_310] : memref<1000000x64xf32, #tpu.memory_space<hbm>> -> memref<1x64xf32, #tpu.memory_space<hbm>>
    %dma_start3A_312 = arith.constant 25 : i32
    %dma_start3A_313 = arith.constant 0 : i32
    %dma_start3A_314 = tpu.memref_slice %arg6[%dma_start3A_312, %dma_start3A_313] : memref<512x64xf32, #tpu.memory_space<vmem>> -> memref<1x64xf32, #tpu.memory_space<vmem>>
    %dma_start3A_315 = arith.constant 0 : i32
    %dma_start3A_316 = tpu.memref_slice %arg3[%squeeze3A_306, %dma_start3A_315] : memref<1000000x64xf32, #tpu.memory_space<hbm>> -> memref<1x64xf32, #tpu.memory_space<hbm>>
    tpu.enqueue_dma source(%dma_start3A_316 : memref<1x64xf32, #tpu.memory_space<hbm>>) target(%dma_start3A_314 : memref<1x64xf32, #tpu.memory_space<vmem>>) target_semaphore(%arg7 : memref<!tpu.dma_semaphore, #tpu.memory_space<semaphore_mem>>)
    %slice3A_317 = vector.extract_strided_slice %get3A_196 {offsets = [10], sizes = [1], strides = [1]} : vector<16xi32> to vector<1xi32>
    %squeeze3A_318 = vector.extract %slice3A_317[0] : i32 from vector<1xi32>
    %dma_start3A_319 = arith.constant 26 : i32
    %dma_start3A_320 = arith.constant 0 : i32
    %dma_start3A_321 = tpu.memref_slice %arg6[%dma_start3A_319, %dma_start3A_320] : memref<512x64xf32, #tpu.memory_space<vmem>> -> memref<1x64xf32, #tpu.memory_space<vmem>>
    %dma_start3A_322 = arith.constant 0 : i32
    %dma_start3A_323 = tpu.memref_slice %arg3[%squeeze3A_318, %dma_start3A_322] : memref<1000000x64xf32, #tpu.memory_space<hbm>> -> memref<1x64xf32, #tpu.memory_space<hbm>>
    %dma_start3A_324 = arith.constant 26 : i32
    %dma_start3A_325 = arith.constant 0 : i32
    %dma_start3A_326 = tpu.memref_slice %arg6[%dma_start3A_324, %dma_start3A_325] : memref<512x64xf32, #tpu.memory_space<vmem>> -> memref<1x64xf32, #tpu.memory_space<vmem>>
    %dma_start3A_327 = arith.constant 0 : i32
    %dma_start3A_328 = tpu.memref_slice %arg3[%squeeze3A_318, %dma_start3A_327] : memref<1000000x64xf32, #tpu.memory_space<hbm>> -> memref<1x64xf32, #tpu.memory_space<hbm>>
    tpu.enqueue_dma source(%dma_start3A_328 : memref<1x64xf32, #tpu.memory_space<hbm>>) target(%dma_start3A_326 : memref<1x64xf32, #tpu.memory_space<vmem>>) target_semaphore(%arg7 : memref<!tpu.dma_semaphore, #tpu.memory_space<semaphore_mem>>)
    %slice3A_329 = vector.extract_strided_slice %get3A_196 {offsets = [11], sizes = [1], strides = [1]} : vector<16xi32> to vector<1xi32>
    %squeeze3A_330 = vector.extract %slice3A_329[0] : i32 from vector<1xi32>
    %dma_start3A_331 = arith.constant 27 : i32
    %dma_start3A_332 = arith.constant 0 : i32
    %dma_start3A_333 = tpu.memref_slice %arg6[%dma_start3A_331, %dma_start3A_332] : memref<512x64xf32, #tpu.memory_space<vmem>> -> memref<1x64xf32, #tpu.memory_space<vmem>>
    %dma_start3A_334 = arith.constant 0 : i32
    %dma_start3A_335 = tpu.memref_slice %arg3[%squeeze3A_330, %dma_start3A_334] : memref<1000000x64xf32, #tpu.memory_space<hbm>> -> memref<1x64xf32, #tpu.memory_space<hbm>>
    %dma_start3A_336 = arith.constant 27 : i32
    %dma_start3A_337 = arith.constant 0 : i32
    %dma_start3A_338 = tpu.memref_slice %arg6[%dma_start3A_336, %dma_start3A_337] : memref<512x64xf32, #tpu.memory_space<vmem>> -> memref<1x64xf32, #tpu.memory_space<vmem>>
    %dma_start3A_339 = arith.constant 0 : i32
    %dma_start3A_340 = tpu.memref_slice %arg3[%squeeze3A_330, %dma_start3A_339] : memref<1000000x64xf32, #tpu.memory_space<hbm>> -> memref<1x64xf32, #tpu.memory_space<hbm>>
    tpu.enqueue_dma source(%dma_start3A_340 : memref<1x64xf32, #tpu.memory_space<hbm>>) target(%dma_start3A_338 : memref<1x64xf32, #tpu.memory_space<vmem>>) target_semaphore(%arg7 : memref<!tpu.dma_semaphore, #tpu.memory_space<semaphore_mem>>)
    %slice3A_341 = vector.extract_strided_slice %get3A_196 {offsets = [12], sizes = [1], strides = [1]} : vector<16xi32> to vector<1xi32>
    %squeeze3A_342 = vector.extract %slice3A_341[0] : i32 from vector<1xi32>
    %dma_start3A_343 = arith.constant 28 : i32
    %dma_start3A_344 = arith.constant 0 : i32
    %dma_start3A_345 = tpu.memref_slice %arg6[%dma_start3A_343, %dma_start3A_344] : memref<512x64xf32, #tpu.memory_space<vmem>> -> memref<1x64xf32, #tpu.memory_space<vmem>>
    %dma_start3A_346 = arith.constant 0 : i32
    %dma_start3A_347 = tpu.memref_slice %arg3[%squeeze3A_342, %dma_start3A_346] : memref<1000000x64xf32, #tpu.memory_space<hbm>> -> memref<1x64xf32, #tpu.memory_space<hbm>>
    %dma_start3A_348 = arith.constant 28 : i32
    %dma_start3A_349 = arith.constant 0 : i32
    %dma_start3A_350 = tpu.memref_slice %arg6[%dma_start3A_348, %dma_start3A_349] : memref<512x64xf32, #tpu.memory_space<vmem>> -> memref<1x64xf32, #tpu.memory_space<vmem>>
    %dma_start3A_351 = arith.constant 0 : i32
    %dma_start3A_352 = tpu.memref_slice %arg3[%squeeze3A_342, %dma_start3A_351] : memref<1000000x64xf32, #tpu.memory_space<hbm>> -> memref<1x64xf32, #tpu.memory_space<hbm>>
    tpu.enqueue_dma source(%dma_start3A_352 : memref<1x64xf32, #tpu.memory_space<hbm>>) target(%dma_start3A_350 : memref<1x64xf32, #tpu.memory_space<vmem>>) target_semaphore(%arg7 : memref<!tpu.dma_semaphore, #tpu.memory_space<semaphore_mem>>)
    %slice3A_353 = vector.extract_strided_slice %get3A_196 {offsets = [13], sizes = [1], strides = [1]} : vector<16xi32> to vector<1xi32>
    %squeeze3A_354 = vector.extract %slice3A_353[0] : i32 from vector<1xi32>
    %dma_start3A_355 = arith.constant 29 : i32
    %dma_start3A_356 = arith.constant 0 : i32
    %dma_start3A_357 = tpu.memref_slice %arg6[%dma_start3A_355, %dma_start3A_356] : memref<512x64xf32, #tpu.memory_space<vmem>> -> memref<1x64xf32, #tpu.memory_space<vmem>>
    %dma_start3A_358 = arith.constant 0 : i32
    %dma_start3A_359 = tpu.memref_slice %arg3[%squeeze3A_354, %dma_start3A_358] : memref<1000000x64xf32, #tpu.memory_space<hbm>> -> memref<1x64xf32, #tpu.memory_space<hbm>>
    %dma_start3A_360 = arith.constant 29 : i32
    %dma_start3A_361 = arith.constant 0 : i32
    %dma_start3A_362 = tpu.memref_slice %arg6[%dma_start3A_360, %dma_start3A_361] : memref<512x64xf32, #tpu.memory_space<vmem>> -> memref<1x64xf32, #tpu.memory_space<vmem>>
    %dma_start3A_363 = arith.constant 0 : i32
    %dma_start3A_364 = tpu.memref_slice %arg3[%squeeze3A_354, %dma_start3A_363] : memref<1000000x64xf32, #tpu.memory_space<hbm>> -> memref<1x64xf32, #tpu.memory_space<hbm>>
    tpu.enqueue_dma source(%dma_start3A_364 : memref<1x64xf32, #tpu.memory_space<hbm>>) target(%dma_start3A_362 : memref<1x64xf32, #tpu.memory_space<vmem>>) target_semaphore(%arg7 : memref<!tpu.dma_semaphore, #tpu.memory_space<semaphore_mem>>)
    %slice3A_365 = vector.extract_strided_slice %get3A_196 {offsets = [14], sizes = [1], strides = [1]} : vector<16xi32> to vector<1xi32>
    %squeeze3A_366 = vector.extract %slice3A_365[0] : i32 from vector<1xi32>
    %dma_start3A_367 = arith.constant 30 : i32
    %dma_start3A_368 = arith.constant 0 : i32
    %dma_start3A_369 = tpu.memref_slice %arg6[%dma_start3A_367, %dma_start3A_368] : memref<512x64xf32, #tpu.memory_space<vmem>> -> memref<1x64xf32, #tpu.memory_space<vmem>>
    %dma_start3A_370 = arith.constant 0 : i32
    %dma_start3A_371 = tpu.memref_slice %arg3[%squeeze3A_366, %dma_start3A_370] : memref<1000000x64xf32, #tpu.memory_space<hbm>> -> memref<1x64xf32, #tpu.memory_space<hbm>>
    %dma_start3A_372 = arith.constant 30 : i32
    %dma_start3A_373 = arith.constant 0 : i32
    %dma_start3A_374 = tpu.memref_slice %arg6[%dma_start3A_372, %dma_start3A_373] : memref<512x64xf32, #tpu.memory_space<vmem>> -> memref<1x64xf32, #tpu.memory_space<vmem>>
    %dma_start3A_375 = arith.constant 0 : i32
    %dma_start3A_376 = tpu.memref_slice %arg3[%squeeze3A_366, %dma_start3A_375] : memref<1000000x64xf32, #tpu.memory_space<hbm>> -> memref<1x64xf32, #tpu.memory_space<hbm>>
    tpu.enqueue_dma source(%dma_start3A_376 : memref<1x64xf32, #tpu.memory_space<hbm>>) target(%dma_start3A_374 : memref<1x64xf32, #tpu.memory_space<vmem>>) target_semaphore(%arg7 : memref<!tpu.dma_semaphore, #tpu.memory_space<semaphore_mem>>)
    %slice3A_377 = vector.extract_strided_slice %get3A_196 {offsets = [15], sizes = [1], strides = [1]} : vector<16xi32> to vector<1xi32>
    %squeeze3A_378 = vector.extract %slice3A_377[0] : i32 from vector<1xi32>
    %dma_start3A_379 = arith.constant 31 : i32
    %dma_start3A_380 = arith.constant 0 : i32
    %dma_start3A_381 = tpu.memref_slice %arg6[%dma_start3A_379, %dma_start3A_380] : memref<512x64xf32, #tpu.memory_space<vmem>> -> memref<1x64xf32, #tpu.memory_space<vmem>>
    %dma_start3A_382 = arith.constant 0 : i32
    %dma_start3A_383 = tpu.memref_slice %arg3[%squeeze3A_378, %dma_start3A_382] : memref<1000000x64xf32, #tpu.memory_space<hbm>> -> memref<1x64xf32, #tpu.memory_space<hbm>>
    %dma_start3A_384 = arith.constant 31 : i32
    %dma_start3A_385 = arith.constant 0 : i32
    %dma_start3A_386 = tpu.memref_slice %arg6[%dma_start3A_384, %dma_start3A_385] : memref<512x64xf32, #tpu.memory_space<vmem>> -> memref<1x64xf32, #tpu.memory_space<vmem>>
    %dma_start3A_387 = arith.constant 0 : i32
    %dma_start3A_388 = tpu.memref_slice %arg3[%squeeze3A_378, %dma_start3A_387] : memref<1000000x64xf32, #tpu.memory_space<hbm>> -> memref<1x64xf32, #tpu.memory_space<hbm>>
    tpu.enqueue_dma source(%dma_start3A_388 : memref<1x64xf32, #tpu.memory_space<hbm>>) target(%dma_start3A_386 : memref<1x64xf32, #tpu.memory_space<vmem>>) target_semaphore(%arg7 : memref<!tpu.dma_semaphore, #tpu.memory_space<semaphore_mem>>)
    %scan3A = arith.constant 0 : i32
    %scan3A_389 = arith.constant 0 : i32
    %scan3A_390 = arith.constant 32 : i32
    %scan3A_391 = arith.addi %scan3A_389, %scan3A_390 : i32
    %scan3A_392 = arith.constant 1 : i32
    %scan3A_393 = scf.for %scan3A_395 = %scan3A_389 to %scan3A_391 step %scan3A_392 iter_args(%scan3A_396 = %scan3A) -> (i32)  : i32 {
      %add3A_397 = arith.constant 2 : i32
      %add3A_398 = arith.addi %scan3A_395, %add3A_397 : i32
      %lt3A = arith.constant 32 : i32
      %lt3A_399 = arith.cmpi slt, %add3A_398, %lt3A : i32
      %convert_element_type3A = arith.extui %lt3A_399 : i1 to i32
      %cond3A = arith.constant 0 : i32
      %cond3A_400 = arith.cmpi ne, %convert_element_type3A, %cond3A : i32
      scf.if %cond3A_400 {
        %add3A_593 = arith.constant 2 : i32
        %add3A_594 = arith.addi %scan3A_395, %add3A_593 : i32
        %mul3A_595 = arith.constant 16 : i32
        %mul3A_596 = arith.muli %add3A_594, %mul3A_595 : i32
        %get3A_597 = arith.index_cast %mul3A_596 : i32 to index
        %get3A_598 = tpu.vector_load %arg5[%get3A_597] {strides = array<i32>} : memref<512xi32, #tpu.memory_space<vmem>>, vector<16xi32>,
        %get3A_599 = vector.shape_cast %get3A_598 : vector<16xi32> to vector<16xi32>
        %slice3A_600 = vector.extract_strided_slice %get3A_599 {offsets = [0], sizes = [1], strides = [1]} : vector<16xi32> to vector<1xi32>
        %squeeze3A_601 = vector.extract %slice3A_600[0] : i32 from vector<1xi32>
        %mul3A_602 = arith.constant 16 : i32
        %mul3A_603 = arith.muli %add3A_594, %mul3A_602 : i32
        %add3A_604 = arith.constant 0 : i32
        %add3A_605 = arith.addi %mul3A_603, %add3A_604 : i32
        %dma_start3A_606 = arith.constant 0 : i32
        %dma_start3A_607 = tpu.memref_slice %arg6[%add3A_605, %dma_start3A_606] : memref<512x64xf32, #tpu.memory_space<vmem>> -> memref<1x64xf32, #tpu.memory_space<vmem>>
        %dma_start3A_608 = arith.constant 0 : i32
        %dma_start3A_609 = tpu.memref_slice %arg3[%squeeze3A_601, %dma_start3A_608] : memref<1000000x64xf32, #tpu.memory_space<hbm>> -> memref<1x64xf32, #tpu.memory_space<hbm>>
        %dma_start3A_610 = arith.constant 0 : i32
        %dma_start3A_611 = tpu.memref_slice %arg6[%add3A_605, %dma_start3A_610] : memref<512x64xf32, #tpu.memory_space<vmem>> -> memref<1x64xf32, #tpu.memory_space<vmem>>
        %dma_start3A_612 = arith.constant 0 : i32
        %dma_start3A_613 = tpu.memref_slice %arg3[%squeeze3A_601, %dma_start3A_612] : memref<1000000x64xf32, #tpu.memory_space<hbm>> -> memref<1x64xf32, #tpu.memory_space<hbm>>
        tpu.enqueue_dma source(%dma_start3A_613 : memref<1x64xf32, #tpu.memory_space<hbm>>) target(%dma_start3A_611 : memref<1x64xf32, #tpu.memory_space<vmem>>) target_semaphore(%arg7 : memref<!tpu.dma_semaphore, #tpu.memory_space<semaphore_mem>>)
        %slice3A_614 = vector.extract_strided_slice %get3A_599 {offsets = [1], sizes = [1], strides = [1]} : vector<16xi32> to vector<1xi32>
        %squeeze3A_615 = vector.extract %slice3A_614[0] : i32 from vector<1xi32>
        %mul3A_616 = arith.constant 16 : i32
        %mul3A_617 = arith.muli %add3A_594, %mul3A_616 : i32
        %add3A_618 = arith.constant 1 : i32
        %add3A_619 = arith.addi %mul3A_617, %add3A_618 : i32
        %dma_start3A_620 = arith.constant 0 : i32
        %dma_start3A_621 = tpu.memref_slice %arg6[%add3A_619, %dma_start3A_620] : memref<512x64xf32, #tpu.memory_space<vmem>> -> memref<1x64xf32, #tpu.memory_space<vmem>>
        %dma_start3A_622 = arith.constant 0 : i32
        %dma_start3A_623 = tpu.memref_slice %arg3[%squeeze3A_615, %dma_start3A_622] : memref<1000000x64xf32, #tpu.memory_space<hbm>> -> memref<1x64xf32, #tpu.memory_space<hbm>>
        %dma_start3A_624 = arith.constant 0 : i32
        %dma_start3A_625 = tpu.memref_slice %arg6[%add3A_619, %dma_start3A_624] : memref<512x64xf32, #tpu.memory_space<vmem>> -> memref<1x64xf32, #tpu.memory_space<vmem>>
        %dma_start3A_626 = arith.constant 0 : i32
        %dma_start3A_627 = tpu.memref_slice %arg3[%squeeze3A_615, %dma_start3A_626] : memref<1000000x64xf32, #tpu.memory_space<hbm>> -> memref<1x64xf32, #tpu.memory_space<hbm>>
        tpu.enqueue_dma source(%dma_start3A_627 : memref<1x64xf32, #tpu.memory_space<hbm>>) target(%dma_start3A_625 : memref<1x64xf32, #tpu.memory_space<vmem>>) target_semaphore(%arg7 : memref<!tpu.dma_semaphore, #tpu.memory_space<semaphore_mem>>)
        %slice3A_628 = vector.extract_strided_slice %get3A_599 {offsets = [2], sizes = [1], strides = [1]} : vector<16xi32> to vector<1xi32>
        %squeeze3A_629 = vector.extract %slice3A_628[0] : i32 from vector<1xi32>
        %mul3A_630 = arith.constant 16 : i32
        %mul3A_631 = arith.muli %add3A_594, %mul3A_630 : i32
        %add3A_632 = arith.constant 2 : i32
        %add3A_633 = arith.addi %mul3A_631, %add3A_632 : i32
        %dma_start3A_634 = arith.constant 0 : i32
        %dma_start3A_635 = tpu.memref_slice %arg6[%add3A_633, %dma_start3A_634] : memref<512x64xf32, #tpu.memory_space<vmem>> -> memref<1x64xf32, #tpu.memory_space<vmem>>
        %dma_start3A_636 = arith.constant 0 : i32
        %dma_start3A_637 = tpu.memref_slice %arg3[%squeeze3A_629, %dma_start3A_636] : memref<1000000x64xf32, #tpu.memory_space<hbm>> -> memref<1x64xf32, #tpu.memory_space<hbm>>
        %dma_start3A_638 = arith.constant 0 : i32
        %dma_start3A_639 = tpu.memref_slice %arg6[%add3A_633, %dma_start3A_638] : memref<512x64xf32, #tpu.memory_space<vmem>> -> memref<1x64xf32, #tpu.memory_space<vmem>>
        %dma_start3A_640 = arith.constant 0 : i32
        %dma_start3A_641 = tpu.memref_slice %arg3[%squeeze3A_629, %dma_start3A_640] : memref<1000000x64xf32, #tpu.memory_space<hbm>> -> memref<1x64xf32, #tpu.memory_space<hbm>>
        tpu.enqueue_dma source(%dma_start3A_641 : memref<1x64xf32, #tpu.memory_space<hbm>>) target(%dma_start3A_639 : memref<1x64xf32, #tpu.memory_space<vmem>>) target_semaphore(%arg7 : memref<!tpu.dma_semaphore, #tpu.memory_space<semaphore_mem>>)
        %slice3A_642 = vector.extract_strided_slice %get3A_599 {offsets = [3], sizes = [1], strides = [1]} : vector<16xi32> to vector<1xi32>
        %squeeze3A_643 = vector.extract %slice3A_642[0] : i32 from vector<1xi32>
        %mul3A_644 = arith.constant 16 : i32
        %mul3A_645 = arith.muli %add3A_594, %mul3A_644 : i32
        %add3A_646 = arith.constant 3 : i32
        %add3A_647 = arith.addi %mul3A_645, %add3A_646 : i32
        %dma_start3A_648 = arith.constant 0 : i32
        %dma_start3A_649 = tpu.memref_slice %arg6[%add3A_647, %dma_start3A_648] : memref<512x64xf32, #tpu.memory_space<vmem>> -> memref<1x64xf32, #tpu.memory_space<vmem>>
        %dma_start3A_650 = arith.constant 0 : i32
        %dma_start3A_651 = tpu.memref_slice %arg3[%squeeze3A_643, %dma_start3A_650] : memref<1000000x64xf32, #tpu.memory_space<hbm>> -> memref<1x64xf32, #tpu.memory_space<hbm>>
        %dma_start3A_652 = arith.constant 0 : i32
        %dma_start3A_653 = tpu.memref_slice %arg6[%add3A_647, %dma_start3A_652] : memref<512x64xf32, #tpu.memory_space<vmem>> -> memref<1x64xf32, #tpu.memory_space<vmem>>
        %dma_start3A_654 = arith.constant 0 : i32
        %dma_start3A_655 = tpu.memref_slice %arg3[%squeeze3A_643, %dma_start3A_654] : memref<1000000x64xf32, #tpu.memory_space<hbm>> -> memref<1x64xf32, #tpu.memory_space<hbm>>
        tpu.enqueue_dma source(%dma_start3A_655 : memref<1x64xf32, #tpu.memory_space<hbm>>) target(%dma_start3A_653 : memref<1x64xf32, #tpu.memory_space<vmem>>) target_semaphore(%arg7 : memref<!tpu.dma_semaphore, #tpu.memory_space<semaphore_mem>>)
        %slice3A_656 = vector.extract_strided_slice %get3A_599 {offsets = [4], sizes = [1], strides = [1]} : vector<16xi32> to vector<1xi32>
        %squeeze3A_657 = vector.extract %slice3A_656[0] : i32 from vector<1xi32>
        %mul3A_658 = arith.constant 16 : i32
        %mul3A_659 = arith.muli %add3A_594, %mul3A_658 : i32
        %add3A_660 = arith.constant 4 : i32
        %add3A_661 = arith.addi %mul3A_659, %add3A_660 : i32
        %dma_start3A_662 = arith.constant 0 : i32
        %dma_start3A_663 = tpu.memref_slice %arg6[%add3A_661, %dma_start3A_662] : memref<512x64xf32, #tpu.memory_space<vmem>> -> memref<1x64xf32, #tpu.memory_space<vmem>>
        %dma_start3A_664 = arith.constant 0 : i32
        %dma_start3A_665 = tpu.memref_slice %arg3[%squeeze3A_657, %dma_start3A_664] : memref<1000000x64xf32, #tpu.memory_space<hbm>> -> memref<1x64xf32, #tpu.memory_space<hbm>>
        %dma_start3A_666 = arith.constant 0 : i32
        %dma_start3A_667 = tpu.memref_slice %arg6[%add3A_661, %dma_start3A_666] : memref<512x64xf32, #tpu.memory_space<vmem>> -> memref<1x64xf32, #tpu.memory_space<vmem>>
        %dma_start3A_668 = arith.constant 0 : i32
        %dma_start3A_669 = tpu.memref_slice %arg3[%squeeze3A_657, %dma_start3A_668] : memref<1000000x64xf32, #tpu.memory_space<hbm>> -> memref<1x64xf32, #tpu.memory_space<hbm>>
        tpu.enqueue_dma source(%dma_start3A_669 : memref<1x64xf32, #tpu.memory_space<hbm>>) target(%dma_start3A_667 : memref<1x64xf32, #tpu.memory_space<vmem>>) target_semaphore(%arg7 : memref<!tpu.dma_semaphore, #tpu.memory_space<semaphore_mem>>)
        %slice3A_670 = vector.extract_strided_slice %get3A_599 {offsets = [5], sizes = [1], strides = [1]} : vector<16xi32> to vector<1xi32>
        %squeeze3A_671 = vector.extract %slice3A_670[0] : i32 from vector<1xi32>
        %mul3A_672 = arith.constant 16 : i32
        %mul3A_673 = arith.muli %add3A_594, %mul3A_672 : i32
        %add3A_674 = arith.constant 5 : i32
        %add3A_675 = arith.addi %mul3A_673, %add3A_674 : i32
        %dma_start3A_676 = arith.constant 0 : i32
        %dma_start3A_677 = tpu.memref_slice %arg6[%add3A_675, %dma_start3A_676] : memref<512x64xf32, #tpu.memory_space<vmem>> -> memref<1x64xf32, #tpu.memory_space<vmem>>
        %dma_start3A_678 = arith.constant 0 : i32
        %dma_start3A_679 = tpu.memref_slice %arg3[%squeeze3A_671, %dma_start3A_678] : memref<1000000x64xf32, #tpu.memory_space<hbm>> -> memref<1x64xf32, #tpu.memory_space<hbm>>
        %dma_start3A_680 = arith.constant 0 : i32
        %dma_start3A_681 = tpu.memref_slice %arg6[%add3A_675, %dma_start3A_680] : memref<512x64xf32, #tpu.memory_space<vmem>> -> memref<1x64xf32, #tpu.memory_space<vmem>>
        %dma_start3A_682 = arith.constant 0 : i32
        %dma_start3A_683 = tpu.memref_slice %arg3[%squeeze3A_671, %dma_start3A_682] : memref<1000000x64xf32, #tpu.memory_space<hbm>> -> memref<1x64xf32, #tpu.memory_space<hbm>>
        tpu.enqueue_dma source(%dma_start3A_683 : memref<1x64xf32, #tpu.memory_space<hbm>>) target(%dma_start3A_681 : memref<1x64xf32, #tpu.memory_space<vmem>>) target_semaphore(%arg7 : memref<!tpu.dma_semaphore, #tpu.memory_space<semaphore_mem>>)
        %slice3A_684 = vector.extract_strided_slice %get3A_599 {offsets = [6], sizes = [1], strides = [1]} : vector<16xi32> to vector<1xi32>
        %squeeze3A_685 = vector.extract %slice3A_684[0] : i32 from vector<1xi32>
        %mul3A_686 = arith.constant 16 : i32
        %mul3A_687 = arith.muli %add3A_594, %mul3A_686 : i32
        %add3A_688 = arith.constant 6 : i32
        %add3A_689 = arith.addi %mul3A_687, %add3A_688 : i32
        %dma_start3A_690 = arith.constant 0 : i32
        %dma_start3A_691 = tpu.memref_slice %arg6[%add3A_689, %dma_start3A_690] : memref<512x64xf32, #tpu.memory_space<vmem>> -> memref<1x64xf32, #tpu.memory_space<vmem>>
        %dma_start3A_692 = arith.constant 0 : i32
        %dma_start3A_693 = tpu.memref_slice %arg3[%squeeze3A_685, %dma_start3A_692] : memref<1000000x64xf32, #tpu.memory_space<hbm>> -> memref<1x64xf32, #tpu.memory_space<hbm>>
        %dma_start3A_694 = arith.constant 0 : i32
        %dma_start3A_695 = tpu.memref_slice %arg6[%add3A_689, %dma_start3A_694] : memref<512x64xf32, #tpu.memory_space<vmem>> -> memref<1x64xf32, #tpu.memory_space<vmem>>
        %dma_start3A_696 = arith.constant 0 : i32
        %dma_start3A_697 = tpu.memref_slice %arg3[%squeeze3A_685, %dma_start3A_696] : memref<1000000x64xf32, #tpu.memory_space<hbm>> -> memref<1x64xf32, #tpu.memory_space<hbm>>
        tpu.enqueue_dma source(%dma_start3A_697 : memref<1x64xf32, #tpu.memory_space<hbm>>) target(%dma_start3A_695 : memref<1x64xf32, #tpu.memory_space<vmem>>) target_semaphore(%arg7 : memref<!tpu.dma_semaphore, #tpu.memory_space<semaphore_mem>>)
        %slice3A_698 = vector.extract_strided_slice %get3A_599 {offsets = [7], sizes = [1], strides = [1]} : vector<16xi32> to vector<1xi32>
        %squeeze3A_699 = vector.extract %slice3A_698[0] : i32 from vector<1xi32>
        %mul3A_700 = arith.constant 16 : i32
        %mul3A_701 = arith.muli %add3A_594, %mul3A_700 : i32
        %add3A_702 = arith.constant 7 : i32
        %add3A_703 = arith.addi %mul3A_701, %add3A_702 : i32
        %dma_start3A_704 = arith.constant 0 : i32
        %dma_start3A_705 = tpu.memref_slice %arg6[%add3A_703, %dma_start3A_704] : memref<512x64xf32, #tpu.memory_space<vmem>> -> memref<1x64xf32, #tpu.memory_space<vmem>>
        %dma_start3A_706 = arith.constant 0 : i32
        %dma_start3A_707 = tpu.memref_slice %arg3[%squeeze3A_699, %dma_start3A_706] : memref<1000000x64xf32, #tpu.memory_space<hbm>> -> memref<1x64xf32, #tpu.memory_space<hbm>>
        %dma_start3A_708 = arith.constant 0 : i32
        %dma_start3A_709 = tpu.memref_slice %arg6[%add3A_703, %dma_start3A_708] : memref<512x64xf32, #tpu.memory_space<vmem>> -> memref<1x64xf32, #tpu.memory_space<vmem>>
        %dma_start3A_710 = arith.constant 0 : i32
        %dma_start3A_711 = tpu.memref_slice %arg3[%squeeze3A_699, %dma_start3A_710] : memref<1000000x64xf32, #tpu.memory_space<hbm>> -> memref<1x64xf32, #tpu.memory_space<hbm>>
        tpu.enqueue_dma source(%dma_start3A_711 : memref<1x64xf32, #tpu.memory_space<hbm>>) target(%dma_start3A_709 : memref<1x64xf32, #tpu.memory_space<vmem>>) target_semaphore(%arg7 : memref<!tpu.dma_semaphore, #tpu.memory_space<semaphore_mem>>)
        %slice3A_712 = vector.extract_strided_slice %get3A_599 {offsets = [8], sizes = [1], strides = [1]} : vector<16xi32> to vector<1xi32>
        %squeeze3A_713 = vector.extract %slice3A_712[0] : i32 from vector<1xi32>
        %mul3A_714 = arith.constant 16 : i32
        %mul3A_715 = arith.muli %add3A_594, %mul3A_714 : i32
        %add3A_716 = arith.constant 8 : i32
        %add3A_717 = arith.addi %mul3A_715, %add3A_716 : i32
        %dma_start3A_718 = arith.constant 0 : i32
        %dma_start3A_719 = tpu.memref_slice %arg6[%add3A_717, %dma_start3A_718] : memref<512x64xf32, #tpu.memory_space<vmem>> -> memref<1x64xf32, #tpu.memory_space<vmem>>
        %dma_start3A_720 = arith.constant 0 : i32
        %dma_start3A_721 = tpu.memref_slice %arg3[%squeeze3A_713, %dma_start3A_720] : memref<1000000x64xf32, #tpu.memory_space<hbm>> -> memref<1x64xf32, #tpu.memory_space<hbm>>
        %dma_start3A_722 = arith.constant 0 : i32
        %dma_start3A_723 = tpu.memref_slice %arg6[%add3A_717, %dma_start3A_722] : memref<512x64xf32, #tpu.memory_space<vmem>> -> memref<1x64xf32, #tpu.memory_space<vmem>>
        %dma_start3A_724 = arith.constant 0 : i32
        %dma_start3A_725 = tpu.memref_slice %arg3[%squeeze3A_713, %dma_start3A_724] : memref<1000000x64xf32, #tpu.memory_space<hbm>> -> memref<1x64xf32, #tpu.memory_space<hbm>>
        tpu.enqueue_dma source(%dma_start3A_725 : memref<1x64xf32, #tpu.memory_space<hbm>>) target(%dma_start3A_723 : memref<1x64xf32, #tpu.memory_space<vmem>>) target_semaphore(%arg7 : memref<!tpu.dma_semaphore, #tpu.memory_space<semaphore_mem>>)
        %slice3A_726 = vector.extract_strided_slice %get3A_599 {offsets = [9], sizes = [1], strides = [1]} : vector<16xi32> to vector<1xi32>
        %squeeze3A_727 = vector.extract %slice3A_726[0] : i32 from vector<1xi32>
        %mul3A_728 = arith.constant 16 : i32
        %mul3A_729 = arith.muli %add3A_594, %mul3A_728 : i32
        %add3A_730 = arith.constant 9 : i32
        %add3A_731 = arith.addi %mul3A_729, %add3A_730 : i32
        %dma_start3A_732 = arith.constant 0 : i32
        %dma_start3A_733 = tpu.memref_slice %arg6[%add3A_731, %dma_start3A_732] : memref<512x64xf32, #tpu.memory_space<vmem>> -> memref<1x64xf32, #tpu.memory_space<vmem>>
        %dma_start3A_734 = arith.constant 0 : i32
        %dma_start3A_735 = tpu.memref_slice %arg3[%squeeze3A_727, %dma_start3A_734] : memref<1000000x64xf32, #tpu.memory_space<hbm>> -> memref<1x64xf32, #tpu.memory_space<hbm>>
        %dma_start3A_736 = arith.constant 0 : i32
        %dma_start3A_737 = tpu.memref_slice %arg6[%add3A_731, %dma_start3A_736] : memref<512x64xf32, #tpu.memory_space<vmem>> -> memref<1x64xf32, #tpu.memory_space<vmem>>
        %dma_start3A_738 = arith.constant 0 : i32
        %dma_start3A_739 = tpu.memref_slice %arg3[%squeeze3A_727, %dma_start3A_738] : memref<1000000x64xf32, #tpu.memory_space<hbm>> -> memref<1x64xf32, #tpu.memory_space<hbm>>
        tpu.enqueue_dma source(%dma_start3A_739 : memref<1x64xf32, #tpu.memory_space<hbm>>) target(%dma_start3A_737 : memref<1x64xf32, #tpu.memory_space<vmem>>) target_semaphore(%arg7 : memref<!tpu.dma_semaphore, #tpu.memory_space<semaphore_mem>>)
        %slice3A_740 = vector.extract_strided_slice %get3A_599 {offsets = [10], sizes = [1], strides = [1]} : vector<16xi32> to vector<1xi32>
        %squeeze3A_741 = vector.extract %slice3A_740[0] : i32 from vector<1xi32>
        %mul3A_742 = arith.constant 16 : i32
        %mul3A_743 = arith.muli %add3A_594, %mul3A_742 : i32
        %add3A_744 = arith.constant 10 : i32
        %add3A_745 = arith.addi %mul3A_743, %add3A_744 : i32
        %dma_start3A_746 = arith.constant 0 : i32
        %dma_start3A_747 = tpu.memref_slice %arg6[%add3A_745, %dma_start3A_746] : memref<512x64xf32, #tpu.memory_space<vmem>> -> memref<1x64xf32, #tpu.memory_space<vmem>>
        %dma_start3A_748 = arith.constant 0 : i32
        %dma_start3A_749 = tpu.memref_slice %arg3[%squeeze3A_741, %dma_start3A_748] : memref<1000000x64xf32, #tpu.memory_space<hbm>> -> memref<1x64xf32, #tpu.memory_space<hbm>>
        %dma_start3A_750 = arith.constant 0 : i32
        %dma_start3A_751 = tpu.memref_slice %arg6[%add3A_745, %dma_start3A_750] : memref<512x64xf32, #tpu.memory_space<vmem>> -> memref<1x64xf32, #tpu.memory_space<vmem>>
        %dma_start3A_752 = arith.constant 0 : i32
        %dma_start3A_753 = tpu.memref_slice %arg3[%squeeze3A_741, %dma_start3A_752] : memref<1000000x64xf32, #tpu.memory_space<hbm>> -> memref<1x64xf32, #tpu.memory_space<hbm>>
        tpu.enqueue_dma source(%dma_start3A_753 : memref<1x64xf32, #tpu.memory_space<hbm>>) target(%dma_start3A_751 : memref<1x64xf32, #tpu.memory_space<vmem>>) target_semaphore(%arg7 : memref<!tpu.dma_semaphore, #tpu.memory_space<semaphore_mem>>)
        %slice3A_754 = vector.extract_strided_slice %get3A_599 {offsets = [11], sizes = [1], strides = [1]} : vector<16xi32> to vector<1xi32>
        %squeeze3A_755 = vector.extract %slice3A_754[0] : i32 from vector<1xi32>
        %mul3A_756 = arith.constant 16 : i32
        %mul3A_757 = arith.muli %add3A_594, %mul3A_756 : i32
        %add3A_758 = arith.constant 11 : i32
        %add3A_759 = arith.addi %mul3A_757, %add3A_758 : i32
        %dma_start3A_760 = arith.constant 0 : i32
        %dma_start3A_761 = tpu.memref_slice %arg6[%add3A_759, %dma_start3A_760] : memref<512x64xf32, #tpu.memory_space<vmem>> -> memref<1x64xf32, #tpu.memory_space<vmem>>
        %dma_start3A_762 = arith.constant 0 : i32
        %dma_start3A_763 = tpu.memref_slice %arg3[%squeeze3A_755, %dma_start3A_762] : memref<1000000x64xf32, #tpu.memory_space<hbm>> -> memref<1x64xf32, #tpu.memory_space<hbm>>
        %dma_start3A_764 = arith.constant 0 : i32
        %dma_start3A_765 = tpu.memref_slice %arg6[%add3A_759, %dma_start3A_764] : memref<512x64xf32, #tpu.memory_space<vmem>> -> memref<1x64xf32, #tpu.memory_space<vmem>>
        %dma_start3A_766 = arith.constant 0 : i32
        %dma_start3A_767 = tpu.memref_slice %arg3[%squeeze3A_755, %dma_start3A_766] : memref<1000000x64xf32, #tpu.memory_space<hbm>> -> memref<1x64xf32, #tpu.memory_space<hbm>>
        tpu.enqueue_dma source(%dma_start3A_767 : memref<1x64xf32, #tpu.memory_space<hbm>>) target(%dma_start3A_765 : memref<1x64xf32, #tpu.memory_space<vmem>>) target_semaphore(%arg7 : memref<!tpu.dma_semaphore, #tpu.memory_space<semaphore_mem>>)
        %slice3A_768 = vector.extract_strided_slice %get3A_599 {offsets = [12], sizes = [1], strides = [1]} : vector<16xi32> to vector<1xi32>
        %squeeze3A_769 = vector.extract %slice3A_768[0] : i32 from vector<1xi32>
        %mul3A_770 = arith.constant 16 : i32
        %mul3A_771 = arith.muli %add3A_594, %mul3A_770 : i32
        %add3A_772 = arith.constant 12 : i32
        %add3A_773 = arith.addi %mul3A_771, %add3A_772 : i32
        %dma_start3A_774 = arith.constant 0 : i32
        %dma_start3A_775 = tpu.memref_slice %arg6[%add3A_773, %dma_start3A_774] : memref<512x64xf32, #tpu.memory_space<vmem>> -> memref<1x64xf32, #tpu.memory_space<vmem>>
        %dma_start3A_776 = arith.constant 0 : i32
        %dma_start3A_777 = tpu.memref_slice %arg3[%squeeze3A_769, %dma_start3A_776] : memref<1000000x64xf32, #tpu.memory_space<hbm>> -> memref<1x64xf32, #tpu.memory_space<hbm>>
        %dma_start3A_778 = arith.constant 0 : i32
        %dma_start3A_779 = tpu.memref_slice %arg6[%add3A_773, %dma_start3A_778] : memref<512x64xf32, #tpu.memory_space<vmem>> -> memref<1x64xf32, #tpu.memory_space<vmem>>
        %dma_start3A_780 = arith.constant 0 : i32
        %dma_start3A_781 = tpu.memref_slice %arg3[%squeeze3A_769, %dma_start3A_780] : memref<1000000x64xf32, #tpu.memory_space<hbm>> -> memref<1x64xf32, #tpu.memory_space<hbm>>
        tpu.enqueue_dma source(%dma_start3A_781 : memref<1x64xf32, #tpu.memory_space<hbm>>) target(%dma_start3A_779 : memref<1x64xf32, #tpu.memory_space<vmem>>) target_semaphore(%arg7 : memref<!tpu.dma_semaphore, #tpu.memory_space<semaphore_mem>>)
        %slice3A_782 = vector.extract_strided_slice %get3A_599 {offsets = [13], sizes = [1], strides = [1]} : vector<16xi32> to vector<1xi32>
        %squeeze3A_783 = vector.extract %slice3A_782[0] : i32 from vector<1xi32>
        %mul3A_784 = arith.constant 16 : i32
        %mul3A_785 = arith.muli %add3A_594, %mul3A_784 : i32
        %add3A_786 = arith.constant 13 : i32
        %add3A_787 = arith.addi %mul3A_785, %add3A_786 : i32
        %dma_start3A_788 = arith.constant 0 : i32
        %dma_start3A_789 = tpu.memref_slice %arg6[%add3A_787, %dma_start3A_788] : memref<512x64xf32, #tpu.memory_space<vmem>> -> memref<1x64xf32, #tpu.memory_space<vmem>>
        %dma_start3A_790 = arith.constant 0 : i32
        %dma_start3A_791 = tpu.memref_slice %arg3[%squeeze3A_783, %dma_start3A_790] : memref<1000000x64xf32, #tpu.memory_space<hbm>> -> memref<1x64xf32, #tpu.memory_space<hbm>>
        %dma_start3A_792 = arith.constant 0 : i32
        %dma_start3A_793 = tpu.memref_slice %arg6[%add3A_787, %dma_start3A_792] : memref<512x64xf32, #tpu.memory_space<vmem>> -> memref<1x64xf32, #tpu.memory_space<vmem>>
        %dma_start3A_794 = arith.constant 0 : i32
        %dma_start3A_795 = tpu.memref_slice %arg3[%squeeze3A_783, %dma_start3A_794] : memref<1000000x64xf32, #tpu.memory_space<hbm>> -> memref<1x64xf32, #tpu.memory_space<hbm>>
        tpu.enqueue_dma source(%dma_start3A_795 : memref<1x64xf32, #tpu.memory_space<hbm>>) target(%dma_start3A_793 : memref<1x64xf32, #tpu.memory_space<vmem>>) target_semaphore(%arg7 : memref<!tpu.dma_semaphore, #tpu.memory_space<semaphore_mem>>)
        %slice3A_796 = vector.extract_strided_slice %get3A_599 {offsets = [14], sizes = [1], strides = [1]} : vector<16xi32> to vector<1xi32>
        %squeeze3A_797 = vector.extract %slice3A_796[0] : i32 from vector<1xi32>
        %mul3A_798 = arith.constant 16 : i32
        %mul3A_799 = arith.muli %add3A_594, %mul3A_798 : i32
        %add3A_800 = arith.constant 14 : i32
        %add3A_801 = arith.addi %mul3A_799, %add3A_800 : i32
        %dma_start3A_802 = arith.constant 0 : i32
        %dma_start3A_803 = tpu.memref_slice %arg6[%add3A_801, %dma_start3A_802] : memref<512x64xf32, #tpu.memory_space<vmem>> -> memref<1x64xf32, #tpu.memory_space<vmem>>
        %dma_start3A_804 = arith.constant 0 : i32
        %dma_start3A_805 = tpu.memref_slice %arg3[%squeeze3A_797, %dma_start3A_804] : memref<1000000x64xf32, #tpu.memory_space<hbm>> -> memref<1x64xf32, #tpu.memory_space<hbm>>
        %dma_start3A_806 = arith.constant 0 : i32
        %dma_start3A_807 = tpu.memref_slice %arg6[%add3A_801, %dma_start3A_806] : memref<512x64xf32, #tpu.memory_space<vmem>> -> memref<1x64xf32, #tpu.memory_space<vmem>>
        %dma_start3A_808 = arith.constant 0 : i32
        %dma_start3A_809 = tpu.memref_slice %arg3[%squeeze3A_797, %dma_start3A_808] : memref<1000000x64xf32, #tpu.memory_space<hbm>> -> memref<1x64xf32, #tpu.memory_space<hbm>>
        tpu.enqueue_dma source(%dma_start3A_809 : memref<1x64xf32, #tpu.memory_space<hbm>>) target(%dma_start3A_807 : memref<1x64xf32, #tpu.memory_space<vmem>>) target_semaphore(%arg7 : memref<!tpu.dma_semaphore, #tpu.memory_space<semaphore_mem>>)
        %slice3A_810 = vector.extract_strided_slice %get3A_599 {offsets = [15], sizes = [1], strides = [1]} : vector<16xi32> to vector<1xi32>
        %squeeze3A_811 = vector.extract %slice3A_810[0] : i32 from vector<1xi32>
        %mul3A_812 = arith.constant 16 : i32
        %mul3A_813 = arith.muli %add3A_594, %mul3A_812 : i32
        %add3A_814 = arith.constant 15 : i32
        %add3A_815 = arith.addi %mul3A_813, %add3A_814 : i32
        %dma_start3A_816 = arith.constant 0 : i32
        %dma_start3A_817 = tpu.memref_slice %arg6[%add3A_815, %dma_start3A_816] : memref<512x64xf32, #tpu.memory_space<vmem>> -> memref<1x64xf32, #tpu.memory_space<vmem>>
        %dma_start3A_818 = arith.constant 0 : i32
        %dma_start3A_819 = tpu.memref_slice %arg3[%squeeze3A_811, %dma_start3A_818] : memref<1000000x64xf32, #tpu.memory_space<hbm>> -> memref<1x64xf32, #tpu.memory_space<hbm>>
        %dma_start3A_820 = arith.constant 0 : i32
        %dma_start3A_821 = tpu.memref_slice %arg6[%add3A_815, %dma_start3A_820] : memref<512x64xf32, #tpu.memory_space<vmem>> -> memref<1x64xf32, #tpu.memory_space<vmem>>
        %dma_start3A_822 = arith.constant 0 : i32
        %dma_start3A_823 = tpu.memref_slice %arg3[%squeeze3A_811, %dma_start3A_822] : memref<1000000x64xf32, #tpu.memory_space<hbm>> -> memref<1x64xf32, #tpu.memory_space<hbm>>
        tpu.enqueue_dma source(%dma_start3A_823 : memref<1x64xf32, #tpu.memory_space<hbm>>) target(%dma_start3A_821 : memref<1x64xf32, #tpu.memory_space<vmem>>) target_semaphore(%arg7 : memref<!tpu.dma_semaphore, #tpu.memory_space<semaphore_mem>>)
      } else {
      }
      %dma_wait3A = arith.constant 0 : i32
      %dma_wait3A_401 = arith.constant 0 : i32
      %dma_wait3A_402 = tpu.memref_slice %arg6[%dma_wait3A, %dma_wait3A_401] : memref<512x64xf32, #tpu.memory_space<vmem>> -> memref<1x64xf32, #tpu.memory_space<vmem>>
      %dma_wait3A_403 = arith.constant 0 : i32
      %dma_wait3A_404 = arith.constant 0 : i32
      %dma_wait3A_405 = tpu.memref_slice %arg3[%dma_wait3A_403, %dma_wait3A_404] : memref<1000000x64xf32, #tpu.memory_space<hbm>> -> memref<1x64xf32, #tpu.memory_space<hbm>>
      %dma_wait3A_406 = arith.constant 0 : i32
      %dma_wait3A_407 = arith.constant 0 : i32
      %dma_wait3A_408 = tpu.memref_slice %arg6[%dma_wait3A_406, %dma_wait3A_407] : memref<512x64xf32, #tpu.memory_space<vmem>> -> memref<1x64xf32, #tpu.memory_space<vmem>>
      %dma_wait3A_409 = arith.constant 0 : i32
      %dma_wait3A_410 = arith.constant 0 : i32
      %dma_wait3A_411 = tpu.memref_slice %arg3[%dma_wait3A_409, %dma_wait3A_410] : memref<1000000x64xf32, #tpu.memory_space<hbm>> -> memref<1x64xf32, #tpu.memory_space<hbm>>
      tpu.wait_dma2 semaphore(%arg7 : memref<!tpu.dma_semaphore, #tpu.memory_space<semaphore_mem>>) src(%dma_wait3A_411 : memref<1x64xf32, #tpu.memory_space<hbm>>) dst(%dma_wait3A_408 : memref<1x64xf32, #tpu.memory_space<vmem>>)
      %dma_wait3A_412 = arith.constant 0 : i32
      %dma_wait3A_413 = arith.constant 0 : i32
      %dma_wait3A_414 = tpu.memref_slice %arg6[%dma_wait3A_412, %dma_wait3A_413] : memref<512x64xf32, #tpu.memory_space<vmem>> -> memref<1x64xf32, #tpu.memory_space<vmem>>
      %dma_wait3A_415 = arith.constant 0 : i32
      %dma_wait3A_416 = arith.constant 0 : i32
      %dma_wait3A_417 = tpu.memref_slice %arg3[%dma_wait3A_415, %dma_wait3A_416] : memref<1000000x64xf32, #tpu.memory_space<hbm>> -> memref<1x64xf32, #tpu.memory_space<hbm>>
      %dma_wait3A_418 = arith.constant 0 : i32
      %dma_wait3A_419 = arith.constant 0 : i32
      %dma_wait3A_420 = tpu.memref_slice %arg6[%dma_wait3A_418, %dma_wait3A_419] : memref<512x64xf32, #tpu.memory_space<vmem>> -> memref<1x64xf32, #tpu.memory_space<vmem>>
      %dma_wait3A_421 = arith.constant 0 : i32
      %dma_wait3A_422 = arith.constant 0 : i32
      %dma_wait3A_423 = tpu.memref_slice %arg3[%dma_wait3A_421, %dma_wait3A_422] : memref<1000000x64xf32, #tpu.memory_space<hbm>> -> memref<1x64xf32, #tpu.memory_space<hbm>>
      tpu.wait_dma2 semaphore(%arg7 : memref<!tpu.dma_semaphore, #tpu.memory_space<semaphore_mem>>) src(%dma_wait3A_423 : memref<1x64xf32, #tpu.memory_space<hbm>>) dst(%dma_wait3A_420 : memref<1x64xf32, #tpu.memory_space<vmem>>)
      %dma_wait3A_424 = arith.constant 0 : i32
      %dma_wait3A_425 = arith.constant 0 : i32
      %dma_wait3A_426 = tpu.memref_slice %arg6[%dma_wait3A_424, %dma_wait3A_425] : memref<512x64xf32, #tpu.memory_space<vmem>> -> memref<1x64xf32, #tpu.memory_space<vmem>>
      %dma_wait3A_427 = arith.constant 0 : i32
      %dma_wait3A_428 = arith.constant 0 : i32
      %dma_wait3A_429 = tpu.memref_slice %arg3[%dma_wait3A_427, %dma_wait3A_428] : memref<1000000x64xf32, #tpu.memory_space<hbm>> -> memref<1x64xf32, #tpu.memory_space<hbm>>
      %dma_wait3A_430 = arith.constant 0 : i32
      %dma_wait3A_431 = arith.constant 0 : i32
      %dma_wait3A_432 = tpu.memref_slice %arg6[%dma_wait3A_430, %dma_wait3A_431] : memref<512x64xf32, #tpu.memory_space<vmem>> -> memref<1x64xf32, #tpu.memory_space<vmem>>
      %dma_wait3A_433 = arith.constant 0 : i32
      %dma_wait3A_434 = arith.constant 0 : i32
      %dma_wait3A_435 = tpu.memref_slice %arg3[%dma_wait3A_433, %dma_wait3A_434] : memref<1000000x64xf32, #tpu.memory_space<hbm>> -> memref<1x64xf32, #tpu.memory_space<hbm>>
      tpu.wait_dma2 semaphore(%arg7 : memref<!tpu.dma_semaphore, #tpu.memory_space<semaphore_mem>>) src(%dma_wait3A_435 : memref<1x64xf32, #tpu.memory_space<hbm>>) dst(%dma_wait3A_432 : memref<1x64xf32, #tpu.memory_space<vmem>>)
      %dma_wait3A_436 = arith.constant 0 : i32
      %dma_wait3A_437 = arith.constant 0 : i32
      %dma_wait3A_438 = tpu.memref_slice %arg6[%dma_wait3A_436, %dma_wait3A_437] : memref<512x64xf32, #tpu.memory_space<vmem>> -> memref<1x64xf32, #tpu.memory_space<vmem>>
      %dma_wait3A_439 = arith.constant 0 : i32
      %dma_wait3A_440 = arith.constant 0 : i32
      %dma_wait3A_441 = tpu.memref_slice %arg3[%dma_wait3A_439, %dma_wait3A_440] : memref<1000000x64xf32, #tpu.memory_space<hbm>> -> memref<1x64xf32, #tpu.memory_space<hbm>>
      %dma_wait3A_442 = arith.constant 0 : i32
      %dma_wait3A_443 = arith.constant 0 : i32
      %dma_wait3A_444 = tpu.memref_slice %arg6[%dma_wait3A_442, %dma_wait3A_443] : memref<512x64xf32, #tpu.memory_space<vmem>> -> memref<1x64xf32, #tpu.memory_space<vmem>>
      %dma_wait3A_445 = arith.constant 0 : i32
      %dma_wait3A_446 = arith.constant 0 : i32
      %dma_wait3A_447 = tpu.memref_slice %arg3[%dma_wait3A_445, %dma_wait3A_446] : memref<1000000x64xf32, #tpu.memory_space<hbm>> -> memref<1x64xf32, #tpu.memory_space<hbm>>
      tpu.wait_dma2 semaphore(%arg7 : memref<!tpu.dma_semaphore, #tpu.memory_space<semaphore_mem>>) src(%dma_wait3A_447 : memref<1x64xf32, #tpu.memory_space<hbm>>) dst(%dma_wait3A_444 : memref<1x64xf32, #tpu.memory_space<vmem>>)
      %dma_wait3A_448 = arith.constant 0 : i32
      %dma_wait3A_449 = arith.constant 0 : i32
      %dma_wait3A_450 = tpu.memref_slice %arg6[%dma_wait3A_448, %dma_wait3A_449] : memref<512x64xf32, #tpu.memory_space<vmem>> -> memref<1x64xf32, #tpu.memory_space<vmem>>
      %dma_wait3A_451 = arith.constant 0 : i32
      %dma_wait3A_452 = arith.constant 0 : i32
      %dma_wait3A_453 = tpu.memref_slice %arg3[%dma_wait3A_451, %dma_wait3A_452] : memref<1000000x64xf32, #tpu.memory_space<hbm>> -> memref<1x64xf32, #tpu.memory_space<hbm>>
      %dma_wait3A_454 = arith.constant 0 : i32
      %dma_wait3A_455 = arith.constant 0 : i32
      %dma_wait3A_456 = tpu.memref_slice %arg6[%dma_wait3A_454, %dma_wait3A_455] : memref<512x64xf32, #tpu.memory_space<vmem>> -> memref<1x64xf32, #tpu.memory_space<vmem>>
      %dma_wait3A_457 = arith.constant 0 : i32
      %dma_wait3A_458 = arith.constant 0 : i32
      %dma_wait3A_459 = tpu.memref_slice %arg3[%dma_wait3A_457, %dma_wait3A_458] : memref<1000000x64xf32, #tpu.memory_space<hbm>> -> memref<1x64xf32, #tpu.memory_space<hbm>>
      tpu.wait_dma2 semaphore(%arg7 : memref<!tpu.dma_semaphore, #tpu.memory_space<semaphore_mem>>) src(%dma_wait3A_459 : memref<1x64xf32, #tpu.memory_space<hbm>>) dst(%dma_wait3A_456 : memref<1x64xf32, #tpu.memory_space<vmem>>)
      %dma_wait3A_460 = arith.constant 0 : i32
      %dma_wait3A_461 = arith.constant 0 : i32
      %dma_wait3A_462 = tpu.memref_slice %arg6[%dma_wait3A_460, %dma_wait3A_461] : memref<512x64xf32, #tpu.memory_space<vmem>> -> memref<1x64xf32, #tpu.memory_space<vmem>>
      %dma_wait3A_463 = arith.constant 0 : i32
      %dma_wait3A_464 = arith.constant 0 : i32
      %dma_wait3A_465 = tpu.memref_slice %arg3[%dma_wait3A_463, %dma_wait3A_464] : memref<1000000x64xf32, #tpu.memory_space<hbm>> -> memref<1x64xf32, #tpu.memory_space<hbm>>
      %dma_wait3A_466 = arith.constant 0 : i32
      %dma_wait3A_467 = arith.constant 0 : i32
      %dma_wait3A_468 = tpu.memref_slice %arg6[%dma_wait3A_466, %dma_wait3A_467] : memref<512x64xf32, #tpu.memory_space<vmem>> -> memref<1x64xf32, #tpu.memory_space<vmem>>
      %dma_wait3A_469 = arith.constant 0 : i32
      %dma_wait3A_470 = arith.constant 0 : i32
      %dma_wait3A_471 = tpu.memref_slice %arg3[%dma_wait3A_469, %dma_wait3A_470] : memref<1000000x64xf32, #tpu.memory_space<hbm>> -> memref<1x64xf32, #tpu.memory_space<hbm>>
      tpu.wait_dma2 semaphore(%arg7 : memref<!tpu.dma_semaphore, #tpu.memory_space<semaphore_mem>>) src(%dma_wait3A_471 : memref<1x64xf32, #tpu.memory_space<hbm>>) dst(%dma_wait3A_468 : memref<1x64xf32, #tpu.memory_space<vmem>>)
      %dma_wait3A_472 = arith.constant 0 : i32
      %dma_wait3A_473 = arith.constant 0 : i32
      %dma_wait3A_474 = tpu.memref_slice %arg6[%dma_wait3A_472, %dma_wait3A_473] : memref<512x64xf32, #tpu.memory_space<vmem>> -> memref<1x64xf32, #tpu.memory_space<vmem>>
      %dma_wait3A_475 = arith.constant 0 : i32
      %dma_wait3A_476 = arith.constant 0 : i32
      %dma_wait3A_477 = tpu.memref_slice %arg3[%dma_wait3A_475, %dma_wait3A_476] : memref<1000000x64xf32, #tpu.memory_space<hbm>> -> memref<1x64xf32, #tpu.memory_space<hbm>>
      %dma_wait3A_478 = arith.constant 0 : i32
      %dma_wait3A_479 = arith.constant 0 : i32
      %dma_wait3A_480 = tpu.memref_slice %arg6[%dma_wait3A_478, %dma_wait3A_479] : memref<512x64xf32, #tpu.memory_space<vmem>> -> memref<1x64xf32, #tpu.memory_space<vmem>>
      %dma_wait3A_481 = arith.constant 0 : i32
      %dma_wait3A_482 = arith.constant 0 : i32
      %dma_wait3A_483 = tpu.memref_slice %arg3[%dma_wait3A_481, %dma_wait3A_482] : memref<1000000x64xf32, #tpu.memory_space<hbm>> -> memref<1x64xf32, #tpu.memory_space<hbm>>
      tpu.wait_dma2 semaphore(%arg7 : memref<!tpu.dma_semaphore, #tpu.memory_space<semaphore_mem>>) src(%dma_wait3A_483 : memref<1x64xf32, #tpu.memory_space<hbm>>) dst(%dma_wait3A_480 : memref<1x64xf32, #tpu.memory_space<vmem>>)
      %dma_wait3A_484 = arith.constant 0 : i32
      %dma_wait3A_485 = arith.constant 0 : i32
      %dma_wait3A_486 = tpu.memref_slice %arg6[%dma_wait3A_484, %dma_wait3A_485] : memref<512x64xf32, #tpu.memory_space<vmem>> -> memref<1x64xf32, #tpu.memory_space<vmem>>
      %dma_wait3A_487 = arith.constant 0 : i32
      %dma_wait3A_488 = arith.constant 0 : i32
      %dma_wait3A_489 = tpu.memref_slice %arg3[%dma_wait3A_487, %dma_wait3A_488] : memref<1000000x64xf32, #tpu.memory_space<hbm>> -> memref<1x64xf32, #tpu.memory_space<hbm>>
      %dma_wait3A_490 = arith.constant 0 : i32
      %dma_wait3A_491 = arith.constant 0 : i32
      %dma_wait3A_492 = tpu.memref_slice %arg6[%dma_wait3A_490, %dma_wait3A_491] : memref<512x64xf32, #tpu.memory_space<vmem>> -> memref<1x64xf32, #tpu.memory_space<vmem>>
      %dma_wait3A_493 = arith.constant 0 : i32
      %dma_wait3A_494 = arith.constant 0 : i32
      %dma_wait3A_495 = tpu.memref_slice %arg3[%dma_wait3A_493, %dma_wait3A_494] : memref<1000000x64xf32, #tpu.memory_space<hbm>> -> memref<1x64xf32, #tpu.memory_space<hbm>>
      tpu.wait_dma2 semaphore(%arg7 : memref<!tpu.dma_semaphore, #tpu.memory_space<semaphore_mem>>) src(%dma_wait3A_495 : memref<1x64xf32, #tpu.memory_space<hbm>>) dst(%dma_wait3A_492 : memref<1x64xf32, #tpu.memory_space<vmem>>)
      %dma_wait3A_496 = arith.constant 0 : i32
      %dma_wait3A_497 = arith.constant 0 : i32
      %dma_wait3A_498 = tpu.memref_slice %arg6[%dma_wait3A_496, %dma_wait3A_497] : memref<512x64xf32, #tpu.memory_space<vmem>> -> memref<1x64xf32, #tpu.memory_space<vmem>>
      %dma_wait3A_499 = arith.constant 0 : i32
      %dma_wait3A_500 = arith.constant 0 : i32
      %dma_wait3A_501 = tpu.memref_slice %arg3[%dma_wait3A_499, %dma_wait3A_500] : memref<1000000x64xf32, #tpu.memory_space<hbm>> -> memref<1x64xf32, #tpu.memory_space<hbm>>
      %dma_wait3A_502 = arith.constant 0 : i32
      %dma_wait3A_503 = arith.constant 0 : i32
      %dma_wait3A_504 = tpu.memref_slice %arg6[%dma_wait3A_502, %dma_wait3A_503] : memref<512x64xf32, #tpu.memory_space<vmem>> -> memref<1x64xf32, #tpu.memory_space<vmem>>
      %dma_wait3A_505 = arith.constant 0 : i32
      %dma_wait3A_506 = arith.constant 0 : i32
      %dma_wait3A_507 = tpu.memref_slice %arg3[%dma_wait3A_505, %dma_wait3A_506] : memref<1000000x64xf32, #tpu.memory_space<hbm>> -> memref<1x64xf32, #tpu.memory_space<hbm>>
      tpu.wait_dma2 semaphore(%arg7 : memref<!tpu.dma_semaphore, #tpu.memory_space<semaphore_mem>>) src(%dma_wait3A_507 : memref<1x64xf32, #tpu.memory_space<hbm>>) dst(%dma_wait3A_504 : memref<1x64xf32, #tpu.memory_space<vmem>>)
      %dma_wait3A_508 = arith.constant 0 : i32
      %dma_wait3A_509 = arith.constant 0 : i32
      %dma_wait3A_510 = tpu.memref_slice %arg6[%dma_wait3A_508, %dma_wait3A_509] : memref<512x64xf32, #tpu.memory_space<vmem>> -> memref<1x64xf32, #tpu.memory_space<vmem>>
      %dma_wait3A_511 = arith.constant 0 : i32
      %dma_wait3A_512 = arith.constant 0 : i32
      %dma_wait3A_513 = tpu.memref_slice %arg3[%dma_wait3A_511, %dma_wait3A_512] : memref<1000000x64xf32, #tpu.memory_space<hbm>> -> memref<1x64xf32, #tpu.memory_space<hbm>>
      %dma_wait3A_514 = arith.constant 0 : i32
      %dma_wait3A_515 = arith.constant 0 : i32
      %dma_wait3A_516 = tpu.memref_slice %arg6[%dma_wait3A_514, %dma_wait3A_515] : memref<512x64xf32, #tpu.memory_space<vmem>> -> memref<1x64xf32, #tpu.memory_space<vmem>>
      %dma_wait3A_517 = arith.constant 0 : i32
      %dma_wait3A_518 = arith.constant 0 : i32
      %dma_wait3A_519 = tpu.memref_slice %arg3[%dma_wait3A_517, %dma_wait3A_518] : memref<1000000x64xf32, #tpu.memory_space<hbm>> -> memref<1x64xf32, #tpu.memory_space<hbm>>
      tpu.wait_dma2 semaphore(%arg7 : memref<!tpu.dma_semaphore, #tpu.memory_space<semaphore_mem>>) src(%dma_wait3A_519 : memref<1x64xf32, #tpu.memory_space<hbm>>) dst(%dma_wait3A_516 : memref<1x64xf32, #tpu.memory_space<vmem>>)
      %dma_wait3A_520 = arith.constant 0 : i32
      %dma_wait3A_521 = arith.constant 0 : i32
      %dma_wait3A_522 = tpu.memref_slice %arg6[%dma_wait3A_520, %dma_wait3A_521] : memref<512x64xf32, #tpu.memory_space<vmem>> -> memref<1x64xf32, #tpu.memory_space<vmem>>
      %dma_wait3A_523 = arith.constant 0 : i32
      %dma_wait3A_524 = arith.constant 0 : i32
      %dma_wait3A_525 = tpu.memref_slice %arg3[%dma_wait3A_523, %dma_wait3A_524] : memref<1000000x64xf32, #tpu.memory_space<hbm>> -> memref<1x64xf32, #tpu.memory_space<hbm>>
      %dma_wait3A_526 = arith.constant 0 : i32
      %dma_wait3A_527 = arith.constant 0 : i32
      %dma_wait3A_528 = tpu.memref_slice %arg6[%dma_wait3A_526, %dma_wait3A_527] : memref<512x64xf32, #tpu.memory_space<vmem>> -> memref<1x64xf32, #tpu.memory_space<vmem>>
      %dma_wait3A_529 = arith.constant 0 : i32
      %dma_wait3A_530 = arith.constant 0 : i32
      %dma_wait3A_531 = tpu.memref_slice %arg3[%dma_wait3A_529, %dma_wait3A_530] : memref<1000000x64xf32, #tpu.memory_space<hbm>> -> memref<1x64xf32, #tpu.memory_space<hbm>>
      tpu.wait_dma2 semaphore(%arg7 : memref<!tpu.dma_semaphore, #tpu.memory_space<semaphore_mem>>) src(%dma_wait3A_531 : memref<1x64xf32, #tpu.memory_space<hbm>>) dst(%dma_wait3A_528 : memref<1x64xf32, #tpu.memory_space<vmem>>)
      %dma_wait3A_532 = arith.constant 0 : i32
      %dma_wait3A_533 = arith.constant 0 : i32
      %dma_wait3A_534 = tpu.memref_slice %arg6[%dma_wait3A_532, %dma_wait3A_533] : memref<512x64xf32, #tpu.memory_space<vmem>> -> memref<1x64xf32, #tpu.memory_space<vmem>>
      %dma_wait3A_535 = arith.constant 0 : i32
      %dma_wait3A_536 = arith.constant 0 : i32
      %dma_wait3A_537 = tpu.memref_slice %arg3[%dma_wait3A_535, %dma_wait3A_536] : memref<1000000x64xf32, #tpu.memory_space<hbm>> -> memref<1x64xf32, #tpu.memory_space<hbm>>
      %dma_wait3A_538 = arith.constant 0 : i32
      %dma_wait3A_539 = arith.constant 0 : i32
      %dma_wait3A_540 = tpu.memref_slice %arg6[%dma_wait3A_538, %dma_wait3A_539] : memref<512x64xf32, #tpu.memory_space<vmem>> -> memref<1x64xf32, #tpu.memory_space<vmem>>
      %dma_wait3A_541 = arith.constant 0 : i32
      %dma_wait3A_542 = arith.constant 0 : i32
      %dma_wait3A_543 = tpu.memref_slice %arg3[%dma_wait3A_541, %dma_wait3A_542] : memref<1000000x64xf32, #tpu.memory_space<hbm>> -> memref<1x64xf32, #tpu.memory_space<hbm>>
      tpu.wait_dma2 semaphore(%arg7 : memref<!tpu.dma_semaphore, #tpu.memory_space<semaphore_mem>>) src(%dma_wait3A_543 : memref<1x64xf32, #tpu.memory_space<hbm>>) dst(%dma_wait3A_540 : memref<1x64xf32, #tpu.memory_space<vmem>>)
      %dma_wait3A_544 = arith.constant 0 : i32
      %dma_wait3A_545 = arith.constant 0 : i32
      %dma_wait3A_546 = tpu.memref_slice %arg6[%dma_wait3A_544, %dma_wait3A_545] : memref<512x64xf32, #tpu.memory_space<vmem>> -> memref<1x64xf32, #tpu.memory_space<vmem>>
      %dma_wait3A_547 = arith.constant 0 : i32
      %dma_wait3A_548 = arith.constant 0 : i32
      %dma_wait3A_549 = tpu.memref_slice %arg3[%dma_wait3A_547, %dma_wait3A_548] : memref<1000000x64xf32, #tpu.memory_space<hbm>> -> memref<1x64xf32, #tpu.memory_space<hbm>>
      %dma_wait3A_550 = arith.constant 0 : i32
      %dma_wait3A_551 = arith.constant 0 : i32
      %dma_wait3A_552 = tpu.memref_slice %arg6[%dma_wait3A_550, %dma_wait3A_551] : memref<512x64xf32, #tpu.memory_space<vmem>> -> memref<1x64xf32, #tpu.memory_space<vmem>>
      %dma_wait3A_553 = arith.constant 0 : i32
      %dma_wait3A_554 = arith.constant 0 : i32
      %dma_wait3A_555 = tpu.memref_slice %arg3[%dma_wait3A_553, %dma_wait3A_554] : memref<1000000x64xf32, #tpu.memory_space<hbm>> -> memref<1x64xf32, #tpu.memory_space<hbm>>
      tpu.wait_dma2 semaphore(%arg7 : memref<!tpu.dma_semaphore, #tpu.memory_space<semaphore_mem>>) src(%dma_wait3A_555 : memref<1x64xf32, #tpu.memory_space<hbm>>) dst(%dma_wait3A_552 : memref<1x64xf32, #tpu.memory_space<vmem>>)
      %dma_wait3A_556 = arith.constant 0 : i32
      %dma_wait3A_557 = arith.constant 0 : i32
      %dma_wait3A_558 = tpu.memref_slice %arg6[%dma_wait3A_556, %dma_wait3A_557] : memref<512x64xf32, #tpu.memory_space<vmem>> -> memref<1x64xf32, #tpu.memory_space<vmem>>
      %dma_wait3A_559 = arith.constant 0 : i32
      %dma_wait3A_560 = arith.constant 0 : i32
      %dma_wait3A_561 = tpu.memref_slice %arg3[%dma_wait3A_559, %dma_wait3A_560] : memref<1000000x64xf32, #tpu.memory_space<hbm>> -> memref<1x64xf32, #tpu.memory_space<hbm>>
      %dma_wait3A_562 = arith.constant 0 : i32
      %dma_wait3A_563 = arith.constant 0 : i32
      %dma_wait3A_564 = tpu.memref_slice %arg6[%dma_wait3A_562, %dma_wait3A_563] : memref<512x64xf32, #tpu.memory_space<vmem>> -> memref<1x64xf32, #tpu.memory_space<vmem>>
      %dma_wait3A_565 = arith.constant 0 : i32
      %dma_wait3A_566 = arith.constant 0 : i32
      %dma_wait3A_567 = tpu.memref_slice %arg3[%dma_wait3A_565, %dma_wait3A_566] : memref<1000000x64xf32, #tpu.memory_space<hbm>> -> memref<1x64xf32, #tpu.memory_space<hbm>>
      tpu.wait_dma2 semaphore(%arg7 : memref<!tpu.dma_semaphore, #tpu.memory_space<semaphore_mem>>) src(%dma_wait3A_567 : memref<1x64xf32, #tpu.memory_space<hbm>>) dst(%dma_wait3A_564 : memref<1x64xf32, #tpu.memory_space<vmem>>)
      %dma_wait3A_568 = arith.constant 0 : i32
      %dma_wait3A_569 = arith.constant 0 : i32
      %dma_wait3A_570 = tpu.memref_slice %arg6[%dma_wait3A_568, %dma_wait3A_569] : memref<512x64xf32, #tpu.memory_space<vmem>> -> memref<1x64xf32, #tpu.memory_space<vmem>>
      %dma_wait3A_571 = arith.constant 0 : i32
      %dma_wait3A_572 = arith.constant 0 : i32
      %dma_wait3A_573 = tpu.memref_slice %arg3[%dma_wait3A_571, %dma_wait3A_572] : memref<1000000x64xf32, #tpu.memory_space<hbm>> -> memref<1x64xf32, #tpu.memory_space<hbm>>
      %dma_wait3A_574 = arith.constant 0 : i32
      %dma_wait3A_575 = arith.constant 0 : i32
      %dma_wait3A_576 = tpu.memref_slice %arg6[%dma_wait3A_574, %dma_wait3A_575] : memref<512x64xf32, #tpu.memory_space<vmem>> -> memref<1x64xf32, #tpu.memory_space<vmem>>
      %dma_wait3A_577 = arith.constant 0 : i32
      %dma_wait3A_578 = arith.constant 0 : i32
      %dma_wait3A_579 = tpu.memref_slice %arg3[%dma_wait3A_577, %dma_wait3A_578] : memref<1000000x64xf32, #tpu.memory_space<hbm>> -> memref<1x64xf32, #tpu.memory_space<hbm>>
      tpu.wait_dma2 semaphore(%arg7 : memref<!tpu.dma_semaphore, #tpu.memory_space<semaphore_mem>>) src(%dma_wait3A_579 : memref<1x64xf32, #tpu.memory_space<hbm>>) dst(%dma_wait3A_576 : memref<1x64xf32, #tpu.memory_space<vmem>>)
      %dma_wait3A_580 = arith.constant 0 : i32
      %dma_wait3A_581 = arith.constant 0 : i32
      %dma_wait3A_582 = tpu.memref_slice %arg6[%dma_wait3A_580, %dma_wait3A_581] : memref<512x64xf32, #tpu.memory_space<vmem>> -> memref<1x64xf32, #tpu.memory_space<vmem>>
      %dma_wait3A_583 = arith.constant 0 : i32
      %dma_wait3A_584 = arith.constant 0 : i32
      %dma_wait3A_585 = tpu.memref_slice %arg3[%dma_wait3A_583, %dma_wait3A_584] : memref<1000000x64xf32, #tpu.memory_space<hbm>> -> memref<1x64xf32, #tpu.memory_space<hbm>>
      %dma_wait3A_586 = arith.constant 0 : i32
      %dma_wait3A_587 = arith.constant 0 : i32
      %dma_wait3A_588 = tpu.memref_slice %arg6[%dma_wait3A_586, %dma_wait3A_587] : memref<512x64xf32, #tpu.memory_space<vmem>> -> memref<1x64xf32, #tpu.memory_space<vmem>>
      %dma_wait3A_589 = arith.constant 0 : i32
      %dma_wait3A_590 = arith.constant 0 : i32
      %dma_wait3A_591 = tpu.memref_slice %arg3[%dma_wait3A_589, %dma_wait3A_590] : memref<1000000x64xf32, #tpu.memory_space<hbm>> -> memref<1x64xf32, #tpu.memory_space<hbm>>
      tpu.wait_dma2 semaphore(%arg7 : memref<!tpu.dma_semaphore, #tpu.memory_space<semaphore_mem>>) src(%dma_wait3A_591 : memref<1x64xf32, #tpu.memory_space<hbm>>) dst(%dma_wait3A_588 : memref<1x64xf32, #tpu.memory_space<vmem>>)
      %scan3A_592 = arith.constant 0 : i32
      scf.yield %scan3A_592 : i32
    }
    %scan3A_394 = arith.constant 32 : i32
    "tpu.region"() ({
      %run_scoped3A = tpu.sem_alloc : memref<!tpu.dma_semaphore, #tpu.memory_space<semaphore_mem>>
      %dma_start3A_395 = arith.constant 0 : i32
      %dma_start3A_396 = tpu.memref_slice %arg4[%mul3A_2, %dma_start3A_395] : memref<16384x64xf32, #tpu.memory_space<hbm>> -> memref<512x64xf32, #tpu.memory_space<hbm>>
      %dma_start3A_397 = arith.constant 0 : i32
      %dma_start3A_398 = tpu.memref_slice %arg4[%mul3A_2, %dma_start3A_397] : memref<16384x64xf32, #tpu.memory_space<hbm>> -> memref<512x64xf32, #tpu.memory_space<hbm>>
      tpu.enqueue_dma source(%arg6 : memref<512x64xf32, #tpu.memory_space<vmem>>) target(%dma_start3A_398 : memref<512x64xf32, #tpu.memory_space<hbm>>) target_semaphore(%run_scoped3A : memref<!tpu.dma_semaphore, #tpu.memory_space<semaphore_mem>>)
      %dma_wait3A = arith.constant 0 : i32
      %dma_wait3A_399 = tpu.memref_slice %arg4[%mul3A_2, %dma_wait3A] : memref<16384x64xf32, #tpu.memory_space<hbm>> -> memref<512x64xf32, #tpu.memory_space<hbm>>
      %dma_wait3A_400 = arith.constant 0 : i32
      %dma_wait3A_401 = tpu.memref_slice %arg4[%mul3A_2, %dma_wait3A_400] : memref<16384x64xf32, #tpu.memory_space<hbm>> -> memref<512x64xf32, #tpu.memory_space<hbm>>
      tpu.wait_dma2 semaphore(%run_scoped3A : memref<!tpu.dma_semaphore, #tpu.memory_space<semaphore_mem>>) src(%arg6 : memref<512x64xf32, #tpu.memory_space<vmem>>) dst(%dma_wait3A_401 : memref<512x64xf32, #tpu.memory_space<hbm>>)
      tpu.yield
    }) : () -> ()
    return
  }
}

module attributes {stable_mosaic.version = 14 : i64} {
  func.func @_mlp_body(%arg0: i32, %arg1: memref<2048x64xf32, #tpu.memory_space<vmem>>, %arg2: memref<2048x64xf32, #tpu.memory_space<vmem>>, %arg3: memref<64x128xf32, #tpu.memory_space<vmem>>, %arg4: memref<64x128xf32, #tpu.memory_space<vmem>>, %arg5: memref<1x128xf32, #tpu.memory_space<vmem>>, %arg6: memref<128x64xf32, #tpu.memory_space<vmem>>, %arg7: memref<1x64xf32, #tpu.memory_space<vmem>>, %arg8: memref<64x1xf32, #tpu.memory_space<vmem>>, %arg9: memref<1x1xf32, #tpu.memory_space<vmem>>, %arg10: memref<2048x1xf32, #tpu.memory_space<vmem>>) attributes {dimension_semantics = [#tpu.dimension_semantics<arbitrary>], iteration_bounds = array<i64: 8>, scalar_prefetch = 0 : i64, scratch_operands = 0 : i64, tpu.core_type = #tpu.core_type<tc>, window_params = [{transform_indices = @transform_0, window_bounds = array<i64: 2048, 64>}, {transform_indices = @transform_1, window_bounds = array<i64: 2048, 64>}, {pipeline_mode = #tpu.pipeline_mode<synchronous>, transform_indices = @transform_2, window_bounds = array<i64: 64, 128>}, {pipeline_mode = #tpu.pipeline_mode<synchronous>, transform_indices = @transform_3, window_bounds = array<i64: 64, 128>}, {pipeline_mode = #tpu.pipeline_mode<synchronous>, transform_indices = @transform_4, window_bounds = array<i64: 1, 128>}, {pipeline_mode = #tpu.pipeline_mode<synchronous>, transform_indices = @transform_5, window_bounds = array<i64: 128, 64>}, {pipeline_mode = #tpu.pipeline_mode<synchronous>, transform_indices = @transform_6, window_bounds = array<i64: 1, 64>}, {pipeline_mode = #tpu.pipeline_mode<synchronous>, transform_indices = @transform_7, window_bounds = array<i64: 64, 1>}, {pipeline_mode = #tpu.pipeline_mode<synchronous>, transform_indices = @transform_8, window_bounds = array<i64: 1, 1>}, {transform_indices = @transform_9, window_bounds = array<i64: 2048, 1>}]} {
    %get3A = arith.constant 0 : index
    %get3A_0 = arith.constant 0 : index
    %get3A_1 = vector.load %arg1[%get3A, %get3A_0] : memref<2048x64xf32, #tpu.memory_space<vmem>>, vector<2048x64xf32>
    %get3A_2 = arith.constant 0 : index
    %get3A_3 = arith.constant 0 : index
    %get3A_4 = vector.load %arg3[%get3A_2, %get3A_3] : memref<64x128xf32, #tpu.memory_space<vmem>>, vector<64x128xf32>
    %dot_general3A = arith.constant dense<0.000000e+00> : vector<2048x128xf32>
    %dot_general3A_5 = tpu.matmul %get3A_1, %get3A_4, %dot_general3A {dimension_numbers = #tpu.dot_dimension_numbers<[1], [0], [0], [1], [0, 0, 1, 1], [], []>, transpose_lhs_hint = false} : vector<2048x64xf32>, vector<64x128xf32>, vector<2048x128xf32> -> vector<2048x128xf32>
    %get3A_6 = arith.constant 0 : index
    %get3A_7 = arith.constant 0 : index
    %get3A_8 = vector.load %arg2[%get3A_6, %get3A_7] : memref<2048x64xf32, #tpu.memory_space<vmem>>, vector<2048x64xf32>
    %get3A_9 = arith.constant 0 : index
    %get3A_10 = arith.constant 0 : index
    %get3A_11 = vector.load %arg4[%get3A_9, %get3A_10] : memref<64x128xf32, #tpu.memory_space<vmem>>, vector<64x128xf32>
    %dot_general3A_12 = arith.constant dense<0.000000e+00> : vector<2048x128xf32>
    %dot_general3A_13 = tpu.matmul %get3A_8, %get3A_11, %dot_general3A_12 {dimension_numbers = #tpu.dot_dimension_numbers<[1], [0], [0], [1], [0, 0, 1, 1], [], []>, transpose_lhs_hint = false} : vector<2048x64xf32>, vector<64x128xf32>, vector<2048x128xf32> -> vector<2048x128xf32>
    %add3A = arith.addf %dot_general3A_5, %dot_general3A_13 : vector<2048x128xf32>
    %get3A_14 = arith.constant 0 : index
    %get3A_15 = arith.constant 0 : index
    %get3A_16 = vector.load %arg5[%get3A_14, %get3A_15] : memref<1x128xf32, #tpu.memory_space<vmem>>, vector<1x128xf32>
    %add3A_17 = vector.broadcast %get3A_16 : vector<1x128xf32> to vector<2048x128xf32>
    %add3A_18 = arith.addf %add3A, %add3A_17 : vector<2048x128xf32>
    %max3A = arith.constant 0.000000e+00 : f32
    %max3A_19 = vector.broadcast %max3A : f32 to vector<2048x128xf32>
    %max3A_20 = arith.maximumf %add3A_18, %max3A_19 : vector<2048x128xf32>
    %get3A_21 = arith.constant 0 : index
    %get3A_22 = arith.constant 0 : index
    %get3A_23 = vector.load %arg6[%get3A_21, %get3A_22] : memref<128x64xf32, #tpu.memory_space<vmem>>, vector<128x64xf32>
    %dot_general3A_24 = arith.constant dense<0.000000e+00> : vector<2048x64xf32>
    %dot_general3A_25 = tpu.matmul %max3A_20, %get3A_23, %dot_general3A_24 {dimension_numbers = #tpu.dot_dimension_numbers<[1], [0], [0], [1], [0, 0, 1, 1], [], []>, transpose_lhs_hint = false} : vector<2048x128xf32>, vector<128x64xf32>, vector<2048x64xf32> -> vector<2048x64xf32>
    %get3A_26 = arith.constant 0 : index
    %get3A_27 = arith.constant 0 : index
    %get3A_28 = vector.load %arg7[%get3A_26, %get3A_27] : memref<1x64xf32, #tpu.memory_space<vmem>>, vector<1x64xf32>
    %add3A_29 = vector.broadcast %get3A_28 : vector<1x64xf32> to vector<2048x64xf32>
    %add3A_30 = arith.addf %dot_general3A_25, %add3A_29 : vector<2048x64xf32>
    %max3A_31 = arith.constant 0.000000e+00 : f32
    %max3A_32 = vector.broadcast %max3A_31 : f32 to vector<2048x64xf32>
    %max3A_33 = arith.maximumf %add3A_30, %max3A_32 : vector<2048x64xf32>
    %get3A_34 = arith.constant 0 : index
    %get3A_35 = arith.constant 0 : index
    %get3A_36 = vector.load %arg8[%get3A_34, %get3A_35] : memref<64x1xf32, #tpu.memory_space<vmem>>, vector<64x1xf32>
    %dot_general3A_37 = arith.constant dense<0.000000e+00> : vector<2048x1xf32>
    %dot_general3A_38 = tpu.matmul %max3A_33, %get3A_36, %dot_general3A_37 {dimension_numbers = #tpu.dot_dimension_numbers<[1], [0], [0], [1], [0, 0, 1, 1], [], []>, transpose_lhs_hint = false} : vector<2048x64xf32>, vector<64x1xf32>, vector<2048x1xf32> -> vector<2048x1xf32>
    %get3A_39 = arith.constant 0 : index
    %get3A_40 = arith.constant 0 : index
    %get3A_41 = vector.load %arg9[%get3A_39, %get3A_40] : memref<1x1xf32, #tpu.memory_space<vmem>>, vector<1x1xf32>
    %add3A_42 = vector.broadcast %get3A_41 : vector<1x1xf32> to vector<2048x1xf32>
    %add3A_43 = arith.addf %dot_general3A_38, %add3A_42 : vector<2048x1xf32>
    %swap3A = arith.constant 0 : index
    %swap3A_44 = arith.constant 0 : index
    %swap3A_45 = vector.load %arg10[%swap3A, %swap3A_44] : memref<2048x1xf32, #tpu.memory_space<vmem>>, vector<2048x1xf32>
    tpu.vector_store %arg10[%swap3A, %swap3A_44], %add3A_43 {strides = array<i32>} : memref<2048x1xf32, #tpu.memory_space<vmem>>, vector<2048x1xf32>,
    return
  }
  func.func @transform_0(%arg0: i32) -> (i32, i32) {
    %c0_i32 = arith.constant 0 : i32
    %c0_i32_0 = arith.constant 0 : i32
    return %arg0, %c0_i32 : i32, i32
  }
  func.func @transform_1(%arg0: i32) -> (i32, i32) {
    %c0_i32 = arith.constant 0 : i32
    %c0_i32_0 = arith.constant 0 : i32
    return %arg0, %c0_i32 : i32, i32
  }
  func.func @transform_2(%arg0: i32) -> (i32, i32) {
    %c0_i32 = arith.constant 0 : i32
    %c0_i32_0 = arith.constant 0 : i32
    %c0_i32_1 = arith.constant 0 : i32
    return %c0_i32, %c0_i32_0 : i32, i32
  }
  func.func @transform_3(%arg0: i32) -> (i32, i32) {
    %c0_i32 = arith.constant 0 : i32
    %c0_i32_0 = arith.constant 0 : i32
    %c0_i32_1 = arith.constant 0 : i32
    return %c0_i32, %c0_i32_0 : i32, i32
  }
  func.func @transform_4(%arg0: i32) -> (i32, i32) {
    %c0_i32 = arith.constant 0 : i32
    %c0_i32_0 = arith.constant 0 : i32
    %c0_i32_1 = arith.constant 0 : i32
    return %c0_i32, %c0_i32_0 : i32, i32
  }
  func.func @transform_5(%arg0: i32) -> (i32, i32) {
    %c0_i32 = arith.constant 0 : i32
    %c0_i32_0 = arith.constant 0 : i32
    %c0_i32_1 = arith.constant 0 : i32
    return %c0_i32, %c0_i32_0 : i32, i32
  }
  func.func @transform_6(%arg0: i32) -> (i32, i32) {
    %c0_i32 = arith.constant 0 : i32
    %c0_i32_0 = arith.constant 0 : i32
    %c0_i32_1 = arith.constant 0 : i32
    return %c0_i32, %c0_i32_0 : i32, i32
  }
  func.func @transform_7(%arg0: i32) -> (i32, i32) {
    %c0_i32 = arith.constant 0 : i32
    %c0_i32_0 = arith.constant 0 : i32
    %c0_i32_1 = arith.constant 0 : i32
    return %c0_i32, %c0_i32_0 : i32, i32
  }
  func.func @transform_8(%arg0: i32) -> (i32, i32) {
    %c0_i32 = arith.constant 0 : i32
    %c0_i32_0 = arith.constant 0 : i32
    %c0_i32_1 = arith.constant 0 : i32
    return %c0_i32, %c0_i32_0 : i32, i32
  }
  func.func @transform_9(%arg0: i32) -> (i32, i32) {
    %c0_i32 = arith.constant 0 : i32
    %c0_i32_0 = arith.constant 0 : i32
    return %arg0, %c0_i32 : i32, i32
  }
}

</mosaic_0001>

<sc_bundles>
// kernel: gather_item.3.cloned.1.call-start
scs
__scs_entry_jumppad:
0x0: {  	(pc) =	sbr.rel $0x88, $3  }
0x1: {  	(tag) =	ssettag $0x0;
	lr =	simm.s32 $0x1  }
0x2: {  	[smem:$0x3F97] =	sst lr;
	_ =	strace $0xD0000000  }
0x3: {  	_ = 	snop  }
0x4: {  	_ = 	snop  }
0x5: {  	_ = 	snop  }
0x6: {  	_ = 	snop  }
0x7: {  	_ = 	snop  }
__scs_overlays_trampoline_lowered:
0x8: {  	[smem:$0x3FA6] =	sst s0  }
0x9: {  	[smem:$0x3FA7] =	sst s1  }
0xa: {  	[smem:$0x3FA8] =	sst s2  }
0xb: {  	[smem:$0x3FA9] =	sst s3  }
0xc: {  	[smem:$0x3FAA] =	sst s4  }
0xd: {  	[smem:$0x3FAB] =	sst s5  }
0xe: {  	[smem:$0x3FAC] =	sst s6  }
0xf: {  	[smem:$0x3FAD] =	sst s7  }
0x10: {  	[smem:$0x3FAE] =	sst s8  }
0x11: {  	[smem:$0x3FAF] =	sst s9;
	s0 =	simm.s32 @!p0 $0x0  }
0x12: {  	s1 =	sld [smem:$0x3F95];
	s0 =	simm.s32 @p0 $0x1  }
0x13: {  	[smem:$0x3FB0] =	sst s0;
	s0 =	simm.s32 @!p1 $0x0  }
0x14: {  	s2 =	sld [smem:$0x3F94];
	s0 =	simm.s32 @p1 $0x1  }
0x15: {  	[smem:$0x3FB1] =	sst s0;
	s0 =	simm.s32 @!p2 $0x0  }
0x16: {  	s3 =	sld [smem:$0x3FDB];
	s0 =	simm.s32 @p2 $0x1  }
0x17: {  	s4 =	simm.s32 $0x1BF5;
	[smem:$0x3FB3] =	sst s0  }
0x18: {  	s0 =	sld [smem:$0x3F96];
	_ =	swait.ge [sflag:s4], $0x0  }
0x19: {  	s7 =	sld [smem:$0x3F97]  }
0x1a: {  	s8 =	sadd.s32 $0xFFFFE003, lr  }
0x1b: {  	s9 =	sadd.s32 $0xFFFFFEF7, lr;
	s5 =	simm.s32 $0xFFFFFFFF;
	p2 =	slt.u32 s8, $0xFFFFF086  }
0x1c: {  	p1 =	slt.u32 s9, $0xF7A;
	s5 =	simm.s32 @!p2 $0x0  }
0x1d: {  	s5 =	simm.s32 @p1 $0x1;
	p0 =	seq.s32 s7, s2  }
0x1e: {  	s7 =	smul.u32 @!p0 $0xF7A, s2;
	p2 =	seq.s32 @!p0 s5, $0x0  }
0x1f: {  	s9 =	smul.u32 $0xF7A, s1;
	s8 =	simm.s32 @!p0 $0x1BF5;
	p2 =	por !p2, p0  }
0x20: {  	[sflag:s8] =	ssyncset.s32 @!p0 $0xFFFFF086;
	s6 =	sadd.s32 @!p0 s3, s7;
	s7 =	simm.s32 @!p0 $0x108  }
0x21: {  	s3 =	sadd.s32 s3, s9;
	s6 =	sadd.s32 @!p0 $0x88, s6;
	s7 =	simm.s32 @p2 $0x1082  }
0x22: {  	[simem:s7], [sflag:s8] =	dma.local @!p0 [hbm:s6], $0xF7A  }
0x23: {  	s9 =	sor.u32 $0xD0000000, s2;
	s6 =	simm.s32 $0x108;
	_ =	swait.ge @!p0 [sflag:s8], $0x0  }
0x24: {  	s3 =	sadd.s32 $0x88, s3;
	s6 =	simm.s32 @!p1 $0x1082;
	[sflag:s4] =	ssyncset.s32 $0xFFFFF086  }
0x25: {  	[simem:s6], [sflag:s4] =	dma.local [hbm:s3], $0xF7A  }
0x26: {  	[smem:$0x3F97] =	sst s1;
	(tag) =	ssettag s2;
	_ =	strace s9  }
0x27: {  	s1 =	sld [smem:$0x3FA7]  }
0x28: {  	s2 =	sld [smem:$0x3FA8]  }
0x29: {  	s4 =	sld [smem:$0x3FAA]  }
0x2a: {  	p0 =	seq.s32 s5, $0x0;
	s5 =	sld [smem:$0x3FAB]  }
0x2b: {  	s6 =	sld [smem:$0x3FAC]  }
0x2c: {  	s7 =	sld [smem:$0x3FAD]  }
0x2d: {  	s3 =	simm.s32 $0x108;
	s8 =	sld [smem:$0x3FAE]  }
0x2e: {  	s3 =	simm.s32 @!p0 $0x1082;
	s9 =	sld [smem:$0x3FAF]  }
0x2f: {  	lr =	sadd.s32 s0, s3;
	s0 =	sld [smem:$0x3FA6]  }
0x30: {  	s3 =	sld [smem:$0x3FA9]  }
0x31: {  	[smem:$0x3FB2] =	sst s10  }
0x32: {  	s10 =	sld [smem:$0x3FB0];
	_ =	sdelay $0x3  }
0x33: {  	p0 =	seq.s32 s10, $0x1;
	s10 =	sld [smem:$0x3FB2];
	_ =	sdelay $0x3  }
0x34: {  	[smem:$0x3FB2] =	sst s10  }
0x35: {  	s10 =	sld [smem:$0x3FB1];
	_ =	sdelay $0x3  }
0x36: {  	p1 =	seq.s32 s10, $0x1;
	s10 =	sld [smem:$0x3FB2];
	_ =	sdelay $0x3  }
0x37: {  	[smem:$0x3FB2] =	sst s10  }
0x38: {  	s10 =	sld [smem:$0x3FB3]  }
0x39: {  	_ = 	snop;
	(pc) =	sbr.ind lr, $3  }
0x3a: {  	_ = 	snop  }
0x3b: {  	_ = 	snop  }
0x3c: {  	p2 =	seq.s32 s10, $0x1;
	s10 =	sld [smem:$0x3FB2]  }
0x3d: {  	_ =	shalt  }
0x3e: {  	_ =	shalt  }
0x3f: {  	_ =	shalt  }
0x40: {  	_ =	shalt  }
0x41: {  	_ =	shalt  }
0x42: {  	_ =	shalt  }
0x43: {  	_ =	shalt  }
0x44: {  	_ =	shalt  }
0x45: {  	_ =	shalt  }
0x46: {  	_ =	shalt  }
0x47: {  	_ =	shalt  }
0x48: {  	_ =	shalt  }
0x49: {  	_ =	shalt  }
0x4a: {  	_ =	shalt  }
0x4b: {  	_ =	shalt  }
0x4c: {  	_ =	shalt  }
0x4d: {  	_ =	shalt  }
0x4e: {  	_ =	shalt  }
0x4f: {  	_ =	shalt  }
0x50: {  	_ =	shalt  }
0x51: {  	_ =	shalt  }
0x52: {  	_ =	shalt  }
0x53: {  	_ =	shalt  }
0x54: {  	_ =	shalt  }
0x55: {  	_ =	shalt  }
0x56: {  	_ =	shalt  }
0x57: {  	_ =	shalt  }
0x58: {  	_ =	shalt  }
0x59: {  	_ =	shalt  }
0x5a: {  	_ =	shalt  }
0x5b: {  	_ =	shalt  }
0x5c: {  	_ =	shalt  }
0x5d: {  	_ =	shalt  }
0x5e: {  	_ =	shalt  }
0x5f: {  	_ =	shalt  }
0x60: {  	_ =	shalt  }
0x61: {  	_ =	shalt  }
0x62: {  	_ =	shalt  }
0x63: {  	_ =	shalt  }
0x64: {  	_ =	shalt  }
0x65: {  	_ =	shalt  }
0x66: {  	_ =	shalt  }
0x67: {  	_ =	shalt  }
0x68: {  	_ =	shalt  }
0x69: {  	_ =	shalt  }
0x6a: {  	_ =	shalt  }
0x6b: {  	_ =	shalt  }
0x6c: {  	_ =	shalt  }
0x6d: {  	_ =	shalt  }
0x6e: {  	_ =	shalt  }
0x6f: {  	_ =	shalt  }
0x70: {  	_ =	shalt  }
0x71: {  	_ =	shalt  }
0x72: {  	_ =	shalt  }
0x73: {  	_ =	shalt  }
0x74: {  	_ =	shalt  }
0x75: {  	_ =	shalt  }
0x76: {  	_ =	shalt  }
0x77: {  	_ =	shalt  }
0x78: {  	_ =	shalt  }
0x79: {  	_ =	shalt  }
0x7a: {  	_ =	shalt  }
0x7b: {  	_ =	shalt  }
0x7c: {  	_ =	shalt  }
0x7d: {  	_ =	shalt  }
0x7e: {  	_ =	shalt  }
0x7f: {  	_ =	shalt  }
0x80: {  	_ =	shalt  }
0x81: {  	_ =	shalt  }
0x82: {  	_ =	shalt  }
0x83: {  	_ =	shalt  }
0x84: {  	_ =	shalt  }
0x85: {  	_ =	shalt  }
0x86: {  	_ =	shalt  }
0x87: {  	_ =	shalt  }
.Lfunc_end0:
.L_simem_size_0:
called_computation.1_lowered:
.L_overlay_start_0:
0x88: {  	s2 =	sld [smem:$0x3FD9]  }
0x89: {  	s3 =	sld [smem:$0x3FFE];
	_ =	sdelay $0x1  }
0x8a: {  	s1 =	srdreg.scid  }
0x8b: {  	s0 =	sand.u32 $0x1, s1  }
0x8c: {  	s17 =	sshll.u32 s0, $0xA;
	s2 =	sadd.s32 s3, s2  }
0x8d: {  	s2 =	sadd.s32 s2, s17  }
0x8e: {  	[smem:$0x3FBE] =	sst s2  }
0x8f: {  	_ = 	snop  }
0x90: {  	s18 =	sld [smem:$0x3FC8];
	(tm) =	ssettm $0x1  }
0x91: {  	s19 =	sld [smem:$0x3FFB];
	_ =	sdelay $0x3  }
0x92: {  	_ =	strace s19  }
0x93: {  	s2 =	sld [smem:$0x3FFC];
	_ =	sdelay $0x3  }
0x94: {  	_ =	strace s2  }
0x95: {  	s2 =	sld [smem:$0x3FFD];
	_ =	sdelay $0x3  }
0x96: {  	_ =	strace s2  }
0x97: {  	_ =	strace $0x8FFFFFFF  }
0x98: {  	s20 =	sld [smem:$0x3FDB];
	_ =	sdelay $0x1  }
0x99: {  	s4 =	simm.s32 $_scs_section_size  }
0x9a: {  	s5 =	simm.s32 $_size__tile_overlayer_lowered;
	s6 =	simm.s32 $_tile_overlayer_lowered  }
0x9b: {  	s7 =	simm.s32 $0x1BFF;
	s21 =	sshll.u32 s6, $0x1;
	s4 =	sadd.s32 s4, s20  }
0x9c: {  	s22 =	simm.s32 $0x0;
	s5 =	sshll.u32 s5, $0x1;
	s6 =	sadd.s32 s21, s4  }
0x9d: {  	[timem:s22], [sflag:s7] =	dma.local [hbm:s6], s5  }
0x9e: {  	_ =	swait.ge [sflag:s7], s5  }
0x9f: {  	s5 =	ssub.s32 $0x0, s5;
	[sflag:s7] =	ssyncset.done $0x0  }
0xa0: {  	[sflag:s7] =	ssyncadd.s32 s5;
	_ =	sdelay $0x1  }
0xa1: {  	s23 =	simm.s32 $0x1B8B  }
0xa2: {  	_ =	swait.ge [sflag:s23], $0x1  }
0xa3: {  	[sflag:s23] =	ssyncset.done $0x0  }
0xa4: {  	[sflag:s23] =	ssyncadd.s32 $0xFFFFFFFF  }
0xa5: {  	s5 =	sld [smem:$0x0]  }
0xa6: {  	s6 =	sand.u32 $0xFFFFFFFE, s1  }
0xa7: {  	p0 =	sne.s32 s1, s6  }
0xa8: {  	s6 =	sshll.u32 @p0 s6, $0xE  }
0xa9: {  	s6 =	sadd.s32 @p0 $0x11B8D, s6;
	s7 =	sshll.u32 @p0 s5, $0x11  }
0xaa: {  	s6 =	sor.u32 @p0 s7, s6  }
0xab: {  	[sflag:s6] =	ssyncadd.remote.s32 @p0 $0x1;
	_ =	sdelay $0x1  }
0xac: {  	s6 =	simm.s32 @p0 $0x1B8D  }
0xad: {  	_ =	swait.eq @p0 [sflag:s6], $0x1  }
0xae: {  	[sflag:s6] =	ssyncadd.s32 @p0 $0xFFFFFFFF  }
0xaf: {  	s7 =	sshll.u32 @!p0 s1, $0xE  }
0xb0: {  	s7 =	sor.u32 @!p0 $0x4000, s7;
	s6 =	simm.s32 @!p0 $0x1B8D  }
0xb1: {  	s5 =	sshll.u32 @!p0 s5, $0x11;
	s7 =	sadd.s32 @!p0 $0x11B8D, s7;
	_ =	swait.eq @!p0 [sflag:s6], $0x1  }
0xb2: {  	s5 =	sor.u32 @!p0 s5, s7;
	[sflag:s6] =	ssyncadd.s32 @!p0 $0xFFFFFFFF  }
0xb3: {  	s25 =	simm.s32 $0x1B8E;
	s24 =	sld [smem:$0x3FFE];
	[sflag:s5] =	ssyncadd.remote.s32 @!p0 $0x1  }
0xb4: {  	s26 =	simm.s32 $execute0_lowered;
	[smem:$0x3FD2] =	sst s25  }
0xb5: {  	s6 =	sshll.u32 s26, $0x1;
	_ =	strace $0x80000049;
	[dreg:$0x1] =	wrdreg $0xFFFFFFFF  }
0xb6: {  	s28 =	simm.s32 $_size_execute0_lowered;
	s4 =	sadd.s32 s4, s6;
	[dreg:$0x0] =	wrdreg $0x0  }
0xb7: {  	s6 =	sshll.u32 s28, $0x1;
	[dreg:$0x2] =	wrdreg s4  }
0xb8: {  	[dreg:$0x3] =	wrdreg s6  }
0xb9: {  	[dreg:$0x4] =	wrdreg $0xC0  }
0xba: {  	_ =	task [dreg:s22], $0x5FFFF  }
0xbb: {  	[dreg:$0x1] =	wrdreg $0xFFFFFFFF  }
0xbc: {  	[dreg:$0x0] =	wrdreg $0x60  }
0xbd: {  	[dreg:$0x2] =	wrdreg s18  }
0xbe: {  	[dreg:$0x3] =	wrdreg s24  }
0xbf: {  	[dreg:$0x4] =	wrdreg $0xA  }
0xc0: {  	_ =	task.clear_ibuf [dreg:s22], $0x5FFFF;
	_ =	strace $0x90000049  }
0xc1: {  	s29 =	simm.s32 $0xA;
	_ =	strace $0x8000004B  }
0xc2: {  	_ =	swait.ge [sflag:s29], $0x1  }
0xc3: {  	[sflag:s29] =	ssyncadd.s32 $0xFFFFFFFF  }
0xc4: {  	_ =	strace $0x9000004B  }
0xc5: {  	_ =	sfence  }
0xc6: {  	s30 =	sld [smem:$0x0];
	_ =	sdelay $0x2  }
0xc7: {  	s31 =	sshll.u32 s1, $0xD;
	s1 =	sshrl.u32 s1, $0x2  }
0xc8: {  	s4 =	sand.u32 $0x4000, s31;
	s1 =	sadd.s32 s1, s30  }
0xc9: {  	s0 =	sor.u32 s4, s0;
	s1 =	sshll.u32 s1, $0x11  }
0xca: {  	s0 =	sor.u32 s1, s0  }
0xcb: {  	s0 =	sadd.s32 $0x8F2B, s0  }
0xcc: {  	[sflag:s0] =	ssyncadd.remote.s32 $0x1  }
0xcd: {  	_ =	sfence.sel $0xFFFF  }
0xce: {  	[dreg:$0x0] =	wrdreg $0xFFFFFFFF;
	(pc) =	sbr.abs _section_cstart, $3  }
0xcf: {  	[dreg:$0x1] =	wrdreg $0xFFFFFFFF  }
0xd0: {  	_ =	task.clear_ibuf [dreg:s22], $0x2FFFF;
	_ =	strace $0x9FFFFFFF  }
0xd1: {  	(tm) =	ssettm $0x7FFFFFFF  }
tec
execute0_lowered:
.L_overlay_start_1:
0x0: {  	(tag) =	ssettag $0x1  }
0x1: {  	s0 =	rddreg [dreg:$0x0]  }
0x2: {  	s1 =	rddreg [dreg:$0x1];
	s3 =	srdreg.scid  }
0x3: {  	s2 =	simm.s32 $0x0;
	s5 =	stileid.u32;
	s7 =	simm.s32 $0x2  }
0x4: {  	s8 =	simm.s32 $0x200;
	s28 =	simm.s32 $0xB80;
	s29 =	simm.s32 $0xC00  }
0x5: {  	s30 =	simm.s32 $0xC80;
	s31 =	simm.s32 $0xD00;
	s9 =	simm.s32 $0xE80  }
0x6: {  	s10 =	simm.s32 $0xF00;
	s11 =	simm.s32 $0xF80;
	s12 =	simm.s32 $0x1000  }
0x7: {  	s13 =	simm.s32 $0x1080;
	s14 =	simm.s32 $0x1100;
	s15 =	simm.s32 $0x1180  }
0x8: {  	s16 =	simm.s32 $0x1;
	s17 =	simm.s32 $0x0;
	s4 =	sand.u32 $0x1, s3  }
0x9: {  	[smem:$0x7FF] =	sst s2;
	s24 =	sshll.u32 s5, $0xA;
	s3 =	sadd.s32 $0xF83600, s1  }
0xa: {  	s25 =	sshll.u32 s4, $0x9;
	_ =	strace $0x8000004A;
	s4 =	ssub.s32 $0x2, s4  }
.Ltmp0:
0xb: {  	s5 =	sor.u32 s25, s24;
	s26 =	sshrl.u32 s4, $0x1;
	(pc) =	sbr.rel .LBB2_1-.Ltmp0, $4  }
0xc: {  	s24 =	simm.s32 $0xA00;
	s25 =	simm.s32 $0xA80;
	s6 =	sshll.u32 s5, $0x4  }
0xd: {  	s5 =	sshrl.u32 s5, $0x3;
	s1 =	sadd.s32 s6, s1;
	s6 =	ssub.s32 s4, s26  }
0xe: {  	s4 =	sadd.s32 s0, s5;
	s26 =	simm.s32 $0xB00;
	s0 =	simm.s32 $0xD80  }
0xf: {  	s5 =	sadd.s32 $0x1EC5A00, s1;
	s6 =	smax.u32 s6, $0x1;
	s1 =	simm.s32 $0xE00  }
.LBB2_5:
0x10: {  	s17 =	sadd.s32 $0x1, s17  }
0x11: {  	p0 =	sne.s32 s17, s6  }
.Ltmp1:
0x12: {  	_ = 	snop;
	(pc) =	sbr.rel @!p0 .LBB2_6-.Ltmp1, $4  }
0x13: {  	[hbm4b:s5+s2] =	stream.linear.scatter [tilespmem:s8], [sflag:$0x2], $0x10000, $0x38;
	[tilespmem:$0x10200] =	vst v63  }
0x14: {  	_ =	swait.ge [sflag:s7], $0x10000  }
0x15: {  	[sflag:s7] =	ssyncset.done $0x0  }
0x16: {  	[sflag:s7] =	ssyncadd.s32 $0xFFFF0000  }
.LBB2_1:
0x17: {  	[tilespmem:s2], [sflag:$0x2] =	stream.linear.gather [hbm4b:s4+s2], $0x200, $0x38;
	[tilespmem:$0x10200] =	vst v63  }
0x18: {  	_ =	swait.ge [sflag:s7], $0x200  }
0x19: {  	[sflag:s7] =	ssyncset.done $0x0  }
0x1a: {  	[sflag:s7] =	ssyncadd.s32 $0xFFFFFE00  }
0x1b: {  	v0 =	vld [tilespmem:$0x0];
	_ =	sdelay $0x4  }
0x1c: {  	v0 =	vshll.u32 v0, $0x4  }
0x1d: {  	(v2sf) =	vpush v0, $0x0;
	_ =	sdelay $0x1  }
0x1e: {  	(v2sf) =	vpush v0, $0x1;
	_ =	sdelay $0x1  }
0x1f: {  	(v2sf) =	vpush v0, $0x2;
	_ =	sdelay $0x8  }
0x20: {  	(v2sf) =	vpush v0, $0x3;
	_ =	sdelay $0x1  }
0x21: {  	s18 =	spop (v2sf);
	(v2sf) =	vpush v0, $0x4;
	_ =	sdelay $0x1  }
0x22: {  	s21 =	spop (v2sf);
	(v2sf) =	vpush v0, $0x5;
	_ =	sdelay $0x1  }
0x23: {  	s22 =	spop (v2sf);
	(v2sf) =	vpush v0, $0x6;
	_ =	sdelay $0x1  }
0x24: {  	s18 =	sand.u32 $0x1FFFFFF0, s18  }
0x25: {  	s18 =	sadd.s32 s3, s18;
	(v2sf) =	vpush v0, $0x7  }
0x26: {  	[tilespmem:s8], [sflag:$0x1] =	stream.linear.gather [hbm4b:s18+s2], $0x80, $0x38;
	[tilespmem:$0x10200] =	vst v63  }
0x27: {  	s18 =	sand.u32 $0x1FFFFFF0, s21  }
0x28: {  	s19 =	simm.s32 $0x280;
	s18 =	sadd.s32 s3, s18  }
0x29: {  	[tilespmem:s19], [sflag:$0x1] =	stream.linear.gather [hbm4b:s18+s2], $0x80, $0x38;
	[tilespmem:$0x10200] =	vst v63  }
0x2a: {  	s18 =	sand.u32 $0x1FFFFFF0, s22  }
0x2b: {  	s23 =	simm.s32 $0x300;
	s20 =	spop (v2sf);
	s18 =	sadd.s32 s3, s18  }
0x2c: {  	[tilespmem:s23], [sflag:$0x1] =	stream.linear.gather [hbm4b:s18+s2], $0x80, $0x38;
	[tilespmem:$0x10200] =	vst v63  }
0x2d: {  	s22 =	spop (v2sf);
	(v2sf) =	vpush v0, $0x8  }
0x2e: {  	s18 =	sand.u32 $0x1FFFFFF0, s20  }
0x2f: {  	s21 =	simm.s32 $0x380;
	s18 =	sadd.s32 s3, s18;
	s20 =	spop (v2sf);
	(v2sf) =	vpush v0, $0x9  }
0x30: {  	[tilespmem:s21], [sflag:$0x1] =	stream.linear.gather [hbm4b:s18+s2], $0x80, $0x38;
	[tilespmem:$0x10200] =	vst v63  }
0x31: {  	s18 =	sand.u32 $0x1FFFFFF0, s22;
	s22 =	spop (v2sf);
	(v2sf) =	vpush v0, $0xA  }
0x32: {  	s23 =	simm.s32 $0x400;
	s18 =	sadd.s32 s3, s18  }
0x33: {  	[tilespmem:s23], [sflag:$0x1] =	stream.linear.gather [hbm4b:s18+s2], $0x80, $0x38;
	[tilespmem:$0x10200] =	vst v63  }
0x34: {  	s18 =	sand.u32 $0x1FFFFFF0, s20;
	s20 =	spop (v2sf);
	(v2sf) =	vpush v0, $0xB;
	_ =	sdelay $0x1  }
0x35: {  	s21 =	simm.s32 $0x480;
	s18 =	sadd.s32 s3, s18  }
0x36: {  	[tilespmem:s21], [sflag:$0x1] =	stream.linear.gather [hbm4b:s18+s2], $0x80, $0x38;
	[tilespmem:$0x10200] =	vst v63  }
0x37: {  	s18 =	sand.u32 $0x1FFFFFF0, s22  }
0x38: {  	s23 =	simm.s32 $0x500;
	s18 =	sadd.s32 s3, s18  }
0x39: {  	[tilespmem:s23], [sflag:$0x1] =	stream.linear.gather [hbm4b:s18+s2], $0x80, $0x38;
	[tilespmem:$0x10200] =	vst v63  }
0x3a: {  	s18 =	sand.u32 $0x1FFFFFF0, s20  }
0x3b: {  	s21 =	simm.s32 $0x580;
	s18 =	sadd.s32 s3, s18;
	s22 =	spop (v2sf);
	(v2sf) =	vpush v0, $0xC  }
0x3c: {  	[tilespmem:s21], [sflag:$0x1] =	stream.linear.gather [hbm4b:s18+s2], $0x80, $0x38;
	[tilespmem:$0x10200] =	vst v63  }
0x3d: {  	s20 =	spop (v2sf);
	(v2sf) =	vpush v0, $0xD  }
0x3e: {  	s18 =	sand.u32 $0x1FFFFFF0, s22  }
0x3f: {  	s23 =	simm.s32 $0x600;
	s18 =	sadd.s32 s3, s18;
	s22 =	spop (v2sf)  }
0x40: {  	(v2sf) =	vpush v0, $0xE;
	[tilespmem:s23], [sflag:$0x1] =	stream.linear.gather [hbm4b:s18+s2], $0x80, $0x38;
	[tilespmem:$0x10200] =	vst v63  }
0x41: {  	s18 =	sand.u32 $0x1FFFFFF0, s20  }
0x42: {  	s21 =	simm.s32 $0x680;
	s20 =	spop (v2sf);
	s18 =	sadd.s32 s3, s18  }
0x43: {  	(v2sf) =	vpush v0, $0xF;
	[tilespmem:s21], [sflag:$0x1] =	stream.linear.gather [hbm4b:s18+s2], $0x80, $0x38;
	[tilespmem:$0x10200] =	vst v63  }
0x44: {  	s18 =	sand.u32 $0x1FFFFFF0, s22  }
0x45: {  	s23 =	simm.s32 $0x700;
	s18 =	sadd.s32 s3, s18  }
0x46: {  	[tilespmem:s23], [sflag:$0x1] =	stream.linear.gather [hbm4b:s18+s2], $0x80, $0x38;
	[tilespmem:$0x10200] =	vst v63  }
0x47: {  	s18 =	sand.u32 $0x1FFFFFF0, s20  }
0x48: {  	s21 =	simm.s32 $0x780;
	s18 =	sadd.s32 s3, s18  }
0x49: {  	[tilespmem:s21], [sflag:$0x1] =	stream.linear.gather [hbm4b:s18+s2], $0x80, $0x38;
	[tilespmem:$0x10200] =	vst v63  }
0x4a: {  	s22 =	spop (v2sf)  }
0x4b: {  	s18 =	sand.u32 $0x1FFFFFF0, s22  }
0x4c: {  	s23 =	simm.s32 $0x800;
	s20 =	spop (v2sf);
	s18 =	sadd.s32 s3, s18  }
0x4d: {  	[tilespmem:s23], [sflag:$0x1] =	stream.linear.gather [hbm4b:s18+s2], $0x80, $0x38;
	[tilespmem:$0x10200] =	vst v63  }
0x4e: {  	s18 =	sand.u32 $0x1FFFFFF0, s20  }
0x4f: {  	s21 =	simm.s32 $0x880;
	s22 =	spop (v2sf);
	s18 =	sadd.s32 s3, s18  }
0x50: {  	[tilespmem:s21], [sflag:$0x1] =	stream.linear.gather [hbm4b:s18+s2], $0x80, $0x38;
	[tilespmem:$0x10200] =	vst v63  }
0x51: {  	s18 =	sand.u32 $0x1FFFFFF0, s22  }
0x52: {  	s23 =	simm.s32 $0x900;
	s20 =	spop (v2sf);
	s18 =	sadd.s32 s3, s18  }
0x53: {  	[tilespmem:s23], [sflag:$0x1] =	stream.linear.gather [hbm4b:s18+s2], $0x80, $0x38;
	[tilespmem:$0x10200] =	vst v63  }
0x54: {  	s18 =	sand.u32 $0x1FFFFFF0, s20  }
0x55: {  	s21 =	simm.s32 $0x980;
	s18 =	sadd.s32 s3, s18  }
0x56: {  	[tilespmem:s21], [sflag:$0x1] =	stream.linear.gather [hbm4b:s18+s2], $0x80, $0x38;
	[tilespmem:$0x10200] =	vst v63  }
0x57: {  	v63 =	vld [tilespmem:$0x10];
	_ =	sdelay $0x4  }
0x58: {  	v0 =	vshll.u32 v63, $0x4  }
0x59: {  	(v2sf) =	vpush v0, $0x0;
	_ =	sdelay $0x4  }
0x5a: {  	(v2sf) =	vpush v0, $0x1  }
0x5b: {  	(v2sf) =	vpush v0, $0x2  }
0x5c: {  	(v2sf) =	vpush v0, $0x3;
	_ =	sdelay $0x1  }
0x5d: {  	(v2sf) =	vpush v0, $0x4;
	_ =	sdelay $0x5  }
0x5e: {  	s22 =	spop (v2sf);
	(v2sf) =	vpush v0, $0x5;
	_ =	sdelay $0x4  }
0x5f: {  	s23 =	spop (v2sf)  }
0x60: {  	s18 =	sand.u32 $0x1FFFFFF0, s22;
	s19 =	spop (v2sf);
	(v2sf) =	vpush v0, $0x6  }
0x61: {  	s18 =	sadd.s32 s3, s18;
	s20 =	spop (v2sf);
	(v2sf) =	vpush v0, $0x7  }
0x62: {  	[tilespmem:s24], [sflag:$0x1] =	stream.linear.gather [hbm4b:s18+s2], $0x80, $0x38;
	[tilespmem:$0x10200] =	vst v63  }
0x63: {  	s18 =	sand.u32 $0x1FFFFFF0, s23;
	s21 =	spop (v2sf);
	(v2sf) =	vpush v0, $0x8  }
0x64: {  	s18 =	sadd.s32 s3, s18  }
0x65: {  	[tilespmem:s25], [sflag:$0x1] =	stream.linear.gather [hbm4b:s18+s2], $0x80, $0x38;
	[tilespmem:$0x10200] =	vst v63  }
0x66: {  	s18 =	sand.u32 $0x1FFFFFF0, s19  }
0x67: {  	s18 =	sadd.s32 s3, s18  }
0x68: {  	[tilespmem:s26], [sflag:$0x1] =	stream.linear.gather [hbm4b:s18+s2], $0x80, $0x38;
	[tilespmem:$0x10200] =	vst v63  }
0x69: {  	s18 =	sand.u32 $0x1FFFFFF0, s20;
	s22 =	spop (v2sf);
	(v2sf) =	vpush v0, $0x9  }
0x6a: {  	s18 =	sadd.s32 s3, s18  }
0x6b: {  	[tilespmem:s28], [sflag:$0x1] =	stream.linear.gather [hbm4b:s18+s2], $0x80, $0x38;
	[tilespmem:$0x10200] =	vst v63  }
0x6c: {  	s18 =	sand.u32 $0x1FFFFFF0, s21  }
0x6d: {  	s18 =	sadd.s32 s3, s18;
	(v2sf) =	vpush v0, $0xA  }
0x6e: {  	[tilespmem:s29], [sflag:$0x1] =	stream.linear.gather [hbm4b:s18+s2], $0x80, $0x38;
	[tilespmem:$0x10200] =	vst v63  }
0x6f: {  	s18 =	sand.u32 $0x1FFFFFF0, s22;
	s23 =	spop (v2sf);
	(v2sf) =	vpush v0, $0xB  }
0x70: {  	s18 =	sadd.s32 s3, s18;
	s19 =	spop (v2sf);
	(v2sf) =	vpush v0, $0xC  }
0x71: {  	[tilespmem:s30], [sflag:$0x1] =	stream.linear.gather [hbm4b:s18+s2], $0x80, $0x38;
	[tilespmem:$0x10200] =	vst v63  }
0x72: {  	s18 =	sand.u32 $0x1FFFFFF0, s23;
	s20 =	spop (v2sf);
	(v2sf) =	vpush v0, $0xD  }
0x73: {  	s18 =	sadd.s32 s3, s18  }
0x74: {  	[tilespmem:s31], [sflag:$0x1] =	stream.linear.gather [hbm4b:s18+s2], $0x80, $0x38;
	[tilespmem:$0x10200] =	vst v63  }
0x75: {  	s18 =	sand.u32 $0x1FFFFFF0, s19  }
0x76: {  	s18 =	sadd.s32 s3, s18  }
0x77: {  	[tilespmem:s0], [sflag:$0x1] =	stream.linear.gather [hbm4b:s18+s2], $0x80, $0x38;
	[tilespmem:$0x10200] =	vst v63  }
0x78: {  	s18 =	sand.u32 $0x1FFFFFF0, s20;
	s21 =	spop (v2sf);
	(v2sf) =	vpush v0, $0xE  }
0x79: {  	s18 =	sadd.s32 s3, s18  }
0x7a: {  	[tilespmem:s1], [sflag:$0x1] =	stream.linear.gather [hbm4b:s18+s2], $0x80, $0x38;
	[tilespmem:$0x10200] =	vst v63  }
0x7b: {  	s18 =	sand.u32 $0x1FFFFFF0, s21  }
0x7c: {  	s22 =	spop (v2sf);
	(v2sf) =	vpush v0, $0xF;
	s18 =	sadd.s32 s3, s18  }
0x7d: {  	[tilespmem:s9], [sflag:$0x1] =	stream.linear.gather [hbm4b:s18+s2], $0x80, $0x38;
	[tilespmem:$0x10200] =	vst v63  }
0x7e: {  	s23 =	spop (v2sf);
	s18 =	sand.u32 $0x1FFFFFF0, s22  }
0x7f: {  	s20 =	sand.u32 $0x1FFFFFF0, s23;
	s21 =	spop (v2sf);
	s18 =	sadd.s32 s3, s18  }
0x80: {  	[tilespmem:s10], [sflag:$0x1] =	stream.linear.gather [hbm4b:s18+s2], $0x80, $0x38;
	[tilespmem:$0x10200] =	vst v63  }
0x81: {  	s22 =	sand.u32 $0x1FFFFFF0, s21;
	s23 =	spop (v2sf);
	s18 =	sadd.s32 s3, s20  }
0x82: {  	[tilespmem:s11], [sflag:$0x1] =	stream.linear.gather [hbm4b:s18+s2], $0x80, $0x38;
	[tilespmem:$0x10200] =	vst v63  }
0x83: {  	s20 =	sand.u32 $0x1FFFFFF0, s23;
	s18 =	sadd.s32 s3, s22  }
0x84: {  	[tilespmem:s12], [sflag:$0x1] =	stream.linear.gather [hbm4b:s18+s2], $0x80, $0x38;
	[tilespmem:$0x10200] =	vst v63  }
0x85: {  	s18 =	sadd.s32 s3, s20  }
0x86: {  	[tilespmem:s13], [sflag:$0x1] =	stream.linear.gather [hbm4b:s18+s2], $0x80, $0x38;
	[tilespmem:$0x10200] =	vst v63  }
0x87: {  	s21 =	spop (v2sf)  }
0x88: {  	s22 =	sand.u32 $0x1FFFFFF0, s21  }
0x89: {  	s18 =	sadd.s32 s3, s22  }
0x8a: {  	[tilespmem:s14], [sflag:$0x1] =	stream.linear.gather [hbm4b:s18+s2], $0x80, $0x38;
	[tilespmem:$0x10200] =	vst v63  }
.Ltmp2:
0x8b: {  	s23 =	spop (v2sf);
	(pc) =	sbr.rel .LBB2_2-.Ltmp2, $4  }
0x8c: {  	s18 =	sand.u32 $0x1FFFFFF0, s23  }
0x8d: {  	s18 =	sadd.s32 s3, s18  }
0x8e: {  	[tilespmem:s15], [sflag:$0x1] =	stream.linear.gather [hbm4b:s18+s2], $0x80, $0x38;
	[tilespmem:$0x10200] =	vst v63  }
0x8f: {  	s19 =	simm.s32 $0x0;
	s20 =	simm.s32 $0x0;
	s18 =	simm.s32 $0x20  }
.LBB2_4:
0x90: {  	_ =	swait.ge [sflag:s16], $0x80  }
0x91: {  	[sflag:s16] =	ssyncset.done $0x0  }
0x92: {  	[sflag:s16] =	ssyncadd.s32 $0xFFFFFF80  }
0x93: {  	_ =	swait.ge [sflag:s16], $0x80  }
0x94: {  	[sflag:s16] =	ssyncset.done $0x0  }
0x95: {  	[sflag:s16] =	ssyncadd.s32 $0xFFFFFF80  }
0x96: {  	_ =	swait.ge [sflag:s16], $0x80  }
0x97: {  	[sflag:s16] =	ssyncset.done $0x0  }
0x98: {  	[sflag:s16] =	ssyncadd.s32 $0xFFFFFF80  }
0x99: {  	_ =	swait.ge [sflag:s16], $0x80  }
0x9a: {  	[sflag:s16] =	ssyncset.done $0x0  }
0x9b: {  	[sflag:s16] =	ssyncadd.s32 $0xFFFFFF80  }
0x9c: {  	_ =	swait.ge [sflag:s16], $0x80  }
0x9d: {  	[sflag:s16] =	ssyncset.done $0x0  }
0x9e: {  	[sflag:s16] =	ssyncadd.s32 $0xFFFFFF80  }
0x9f: {  	_ =	swait.ge [sflag:s16], $0x80  }
0xa0: {  	[sflag:s16] =	ssyncset.done $0x0  }
0xa1: {  	[sflag:s16] =	ssyncadd.s32 $0xFFFFFF80  }
0xa2: {  	_ =	swait.ge [sflag:s16], $0x80  }
0xa3: {  	[sflag:s16] =	ssyncset.done $0x0  }
0xa4: {  	[sflag:s16] =	ssyncadd.s32 $0xFFFFFF80  }
0xa5: {  	_ =	swait.ge [sflag:s16], $0x80  }
0xa6: {  	[sflag:s16] =	ssyncset.done $0x0  }
0xa7: {  	[sflag:s16] =	ssyncadd.s32 $0xFFFFFF80  }
0xa8: {  	_ =	swait.ge [sflag:s16], $0x80  }
0xa9: {  	[sflag:s16] =	ssyncset.done $0x0  }
0xaa: {  	[sflag:s16] =	ssyncadd.s32 $0xFFFFFF80  }
0xab: {  	_ =	swait.ge [sflag:s16], $0x80  }
0xac: {  	[sflag:s16] =	ssyncset.done $0x0  }
0xad: {  	[sflag:s16] =	ssyncadd.s32 $0xFFFFFF80  }
0xae: {  	_ =	swait.ge [sflag:s16], $0x80  }
0xaf: {  	[sflag:s16] =	ssyncset.done $0x0  }
0xb0: {  	[sflag:s16] =	ssyncadd.s32 $0xFFFFFF80  }
0xb1: {  	_ =	swait.ge [sflag:s16], $0x80  }
0xb2: {  	[sflag:s16] =	ssyncset.done $0x0  }
0xb3: {  	[sflag:s16] =	ssyncadd.s32 $0xFFFFFF80  }
0xb4: {  	_ =	swait.ge [sflag:s16], $0x80  }
0xb5: {  	[sflag:s16] =	ssyncset.done $0x0  }
0xb6: {  	[sflag:s16] =	ssyncadd.s32 $0xFFFFFF80  }
0xb7: {  	_ =	swait.ge [sflag:s16], $0x80  }
0xb8: {  	[sflag:s16] =	ssyncset.done $0x0  }
0xb9: {  	s19 =	sadd.s32 $0x2000, s19;
	[sflag:s16] =	ssyncadd.s32 $0xFFFFFF80  }
0xba: {  	p0 =	sne.s32 s19, $0x40000;
	_ =	swait.ge [sflag:s16], $0x80  }
.Ltmp3:
0xbb: {  	[sflag:s16] =	ssyncset.done $0x0;
	(pc) =	sbr.rel @!p0 .LBB2_5-.Ltmp3, $4  }
0xbc: {  	[sflag:s16] =	ssyncadd.s32 $0xFFFFFF80  }
0xbd: {  	_ =	swait.ge [sflag:s16], $0x80  }
0xbe: {  	[sflag:s16] =	ssyncset.done $0x0  }
0xbf: {  	s20 =	sadd.s32 $0x1, s20;
	s18 =	sadd.s32 $0x10, s18;
	[sflag:s16] =	ssyncadd.s32 $0xFFFFFF80  }
.LBB2_2:
0xc0: {  	p0 =	sgt.u32 s20, $0x1D  }
.Ltmp4:
0xc1: {  	_ = 	snop;
	(pc) =	sbr.rel @p0 .LBB2_4-.Ltmp4, $1  }
0xc2: {  	_ =	sdelay $0x3  }
0xc3: {  	v0 =	vld [tilespmem:s18+$0x0];
	_ =	sdelay $0x4  }
0xc4: {  	v0 =	vshll.u32 v0, $0x4  }
0xc5: {  	(v2sf) =	vpush v0, $0x0;
	_ =	sdelay $0x3  }
0xc6: {  	(v2sf) =	vpush v0, $0x1;
	_ =	sdelay $0x3  }
0xc7: {  	(v2sf) =	vpush v0, $0x2;
	_ =	sdelay $0x3  }
0xc8: {  	(v2sf) =	vpush v0, $0x3;
	_ =	sdelay $0x2  }
0xc9: {  	s22 =	spop (v2sf)  }
0xca: {  	s21 =	sshra.s32 s19, $0x2;
	(v2sf) =	vpush v0, $0x4;
	s22 =	sand.u32 $0x1FFFFFF0, s22  }
0xcb: {  	s23 =	sadd.s32 $0x1200, s21;
	s22 =	sadd.s32 s3, s22  }
0xcc: {  	[tilespmem:s23], [sflag:$0x1] =	stream.linear.gather [hbm4b:s22+s2], $0x80, $0x38;
	[tilespmem:$0x10200] =	vst v63  }
0xcd: {  	s23 =	spop (v2sf)  }
0xce: {  	(v2sf) =	vpush v0, $0x5;
	s22 =	sand.u32 $0x1FFFFFF0, s23  }
0xcf: {  	s23 =	sadd.s32 $0x1280, s21;
	s22 =	sadd.s32 s3, s22  }
0xd0: {  	[tilespmem:s23], [sflag:$0x1] =	stream.linear.gather [hbm4b:s22+s2], $0x80, $0x38;
	[tilespmem:$0x10200] =	vst v63  }
0xd1: {  	s23 =	spop (v2sf)  }
0xd2: {  	(v2sf) =	vpush v0, $0x6;
	s22 =	sand.u32 $0x1FFFFFF0, s23  }
0xd3: {  	s23 =	sadd.s32 $0x1300, s21;
	s22 =	sadd.s32 s3, s22  }
0xd4: {  	[tilespmem:s23], [sflag:$0x1] =	stream.linear.gather [hbm4b:s22+s2], $0x80, $0x38;
	[tilespmem:$0x10200] =	vst v63  }
0xd5: {  	s23 =	spop (v2sf)  }
0xd6: {  	(v2sf) =	vpush v0, $0x7;
	s22 =	sand.u32 $0x1FFFFFF0, s23  }
0xd7: {  	s23 =	sadd.s32 $0x1380, s21;
	s22 =	sadd.s32 s3, s22  }
0xd8: {  	[tilespmem:s23], [sflag:$0x1] =	stream.linear.gather [hbm4b:s22+s2], $0x80, $0x38;
	[tilespmem:$0x10200] =	vst v63  }
0xd9: {  	s23 =	spop (v2sf)  }
0xda: {  	(v2sf) =	vpush v0, $0x8;
	s22 =	sand.u32 $0x1FFFFFF0, s23  }
0xdb: {  	s23 =	sadd.s32 $0x1400, s21;
	s22 =	sadd.s32 s3, s22  }
0xdc: {  	[tilespmem:s23], [sflag:$0x1] =	stream.linear.gather [hbm4b:s22+s2], $0x80, $0x38;
	[tilespmem:$0x10200] =	vst v63  }
0xdd: {  	s23 =	spop (v2sf)  }
0xde: {  	(v2sf) =	vpush v0, $0x9;
	s22 =	sand.u32 $0x1FFFFFF0, s23  }
0xdf: {  	s23 =	sadd.s32 $0x1480, s21;
	s22 =	sadd.s32 s3, s22  }
0xe0: {  	[tilespmem:s23], [sflag:$0x1] =	stream.linear.gather [hbm4b:s22+s2], $0x80, $0x38;
	[tilespmem:$0x10200] =	vst v63  }
0xe1: {  	s23 =	spop (v2sf)  }
0xe2: {  	(v2sf) =	vpush v0, $0xA;
	s22 =	sand.u32 $0x1FFFFFF0, s23  }
0xe3: {  	s23 =	sadd.s32 $0x1500, s21;
	s22 =	sadd.s32 s3, s22  }
0xe4: {  	[tilespmem:s23], [sflag:$0x1] =	stream.linear.gather [hbm4b:s22+s2], $0x80, $0x38;
	[tilespmem:$0x10200] =	vst v63  }
0xe5: {  	s23 =	spop (v2sf)  }
0xe6: {  	(v2sf) =	vpush v0, $0xB;
	s22 =	sand.u32 $0x1FFFFFF0, s23  }
0xe7: {  	s23 =	sadd.s32 $0x1580, s21;
	s22 =	sadd.s32 s3, s22  }
0xe8: {  	[tilespmem:s23], [sflag:$0x1] =	stream.linear.gather [hbm4b:s22+s2], $0x80, $0x38;
	[tilespmem:$0x10200] =	vst v63  }
0xe9: {  	s23 =	spop (v2sf)  }
0xea: {  	(v2sf) =	vpush v0, $0xC;
	s22 =	sand.u32 $0x1FFFFFF0, s23  }
0xeb: {  	s23 =	sadd.s32 $0x1600, s21;
	s22 =	sadd.s32 s3, s22  }
0xec: {  	[tilespmem:s23], [sflag:$0x1] =	stream.linear.gather [hbm4b:s22+s2], $0x80, $0x38;
	[tilespmem:$0x10200] =	vst v63  }
0xed: {  	s23 =	spop (v2sf)  }
0xee: {  	(v2sf) =	vpush v0, $0xD;
	s22 =	sand.u32 $0x1FFFFFF0, s23  }
0xef: {  	s23 =	sadd.s32 $0x1680, s21;
	s22 =	sadd.s32 s3, s22  }
0xf0: {  	[tilespmem:s23], [sflag:$0x1] =	stream.linear.gather [hbm4b:s22+s2], $0x80, $0x38;
	[tilespmem:$0x10200] =	vst v63  }
0xf1: {  	s23 =	spop (v2sf)  }
0xf2: {  	(v2sf) =	vpush v0, $0xE;
	s22 =	sand.u32 $0x1FFFFFF0, s23  }
0xf3: {  	s23 =	sadd.s32 $0x1700, s21;
	s22 =	sadd.s32 s3, s22  }
0xf4: {  	[tilespmem:s23], [sflag:$0x1] =	stream.linear.gather [hbm4b:s22+s2], $0x80, $0x38;
	[tilespmem:$0x10200] =	vst v63  }
0xf5: {  	s23 =	spop (v2sf)  }
0xf6: {  	s22 =	sand.u32 $0x1FFFFFF0, s23  }
0xf7: {  	(v2sf) =	vpush v0, $0xF;
	s23 =	sadd.s32 $0x1780, s21;
	s22 =	sadd.s32 s3, s22  }
0xf8: {  	[tilespmem:s23], [sflag:$0x1] =	stream.linear.gather [hbm4b:s22+s2], $0x80, $0x38;
	[tilespmem:$0x10200] =	vst v63  }
0xf9: {  	s23 =	spop (v2sf)  }
0xfa: {  	s22 =	sand.u32 $0x1FFFFFF0, s23  }
0xfb: {  	s23 =	sadd.s32 $0x1800, s21;
	s22 =	sadd.s32 s3, s22  }
0xfc: {  	[tilespmem:s23], [sflag:$0x1] =	stream.linear.gather [hbm4b:s22+s2], $0x80, $0x38;
	[tilespmem:$0x10200] =	vst v63  }
0xfd: {  	s23 =	spop (v2sf)  }
0xfe: {  	s22 =	sand.u32 $0x1FFFFFF0, s23  }
0xff: {  	s23 =	sadd.s32 $0x1880, s21;
	s22 =	sadd.s32 s3, s22  }
0x100: {  	[tilespmem:s23], [sflag:$0x1] =	stream.linear.gather [hbm4b:s22+s2], $0x80, $0x38;
	[tilespmem:$0x10200] =	vst v63  }
0x101: {  	s23 =	spop (v2sf)  }
0x102: {  	s22 =	sand.u32 $0x1FFFFFF0, s23  }
0x103: {  	s23 =	sadd.s32 $0x1900, s21;
	s22 =	sadd.s32 s3, s22  }
0x104: {  	[tilespmem:s23], [sflag:$0x1] =	stream.linear.gather [hbm4b:s22+s2], $0x80, $0x38;
	[tilespmem:$0x10200] =	vst v63  }
.Ltmp5:
0x105: {  	_ = 	snop;
	(pc) =	sbr.rel .LBB2_4-.Ltmp5, $4  }
0x106: {  	s23 =	spop (v2sf)  }
0x107: {  	s22 =	sand.u32 $0x1FFFFFF0, s23  }
0x108: {  	s21 =	sadd.s32 $0x1980, s21;
	s22 =	sadd.s32 s3, s22  }
0x109: {  	[tilespmem:s21], [sflag:$0x1] =	stream.linear.gather [hbm4b:s22+s2], $0x80, $0x38;
	[tilespmem:$0x10200] =	vst v63  }
.LBB2_6:
0x10a: {  	_ =	sfence.sel $0x180000  }
0x10b: {  	[bflag:$0x0] =	sbarrier.arrive $0xFFFF  }
0x10c: {  	_ =	strace $0x9000004A  }
0x10d: {  	s0 =	stileid.u32;
	[bflag:$0x2] =	sbarrier.arrive $0xFFFF  }
0x10e: {  	p0 =	sne.s32 s0, $0x0;
	s0 =	rddreg [dreg:$0x2]  }
0x10f: {  	s0 =	sadd.s32 @!p0 $0x100000, s0  }
0x110: {  	[sflag:s0] =	ssyncadd.tile.s32 @!p0 $0x1;
	_ =	shalt  }
.Lfunc_end2:
_tile_overlayer_lowered:
.L_overlay_start_2:
0x111: {  	(tag) =	ssettag $0x2  }
0x112: {  	s0 =	rddreg [dreg:$0x0];
	s2 =	stileid.u32  }
0x113: {  	s1 =	rddreg [dreg:$0x1];
	p0 =	sne.s32 s2, $0x0  }
0x114: {  	s3 =	rddreg [dreg:$0x2];
	[bflag:$0x3] =	sbarrier.arrive $0xFFFF;
	s2 =	simm.s32 @!p0 $0x1C02  }
0x115: {  	[timem:s3], [sflag:s2] =	dma.local @!p0 [hbm:s0], s1  }
0x116: {  	s0 =	simm.s32 @!p0 $0x2  }
0x117: {  	_ =	swait.ge @!p0 [sflag:s0], s1  }
0x118: {  	s1 =	ssub.s32 @!p0 $0x0, s1;
	[sflag:s0] =	ssyncset.done @!p0 $0x0  }
0x119: {  	[sflag:s0] =	ssyncadd.s32 @!p0 s1  }
0x11a: {  	[bflag:$0x3] =	sbarrier.arrive $0xFFFF  }
0x11b: {  	_ =	shalt  }

// kernel: gather_user.3.cloned.1.call-start
scs
__scs_entry_jumppad:
0x0: {  	(pc) =	sbr.rel $0x88, $3  }
0x1: {  	(tag) =	ssettag $0x0;
	lr =	simm.s32 $0x1  }
0x2: {  	[smem:$0x3F97] =	sst lr;
	_ =	strace $0xD0000000  }
0x3: {  	_ = 	snop  }
0x4: {  	_ = 	snop  }
0x5: {  	_ = 	snop  }
0x6: {  	_ = 	snop  }
0x7: {  	_ = 	snop  }
__scs_overlays_trampoline_lowered:
0x8: {  	[smem:$0x3FA6] =	sst s0  }
0x9: {  	[smem:$0x3FA7] =	sst s1  }
0xa: {  	[smem:$0x3FA8] =	sst s2  }
0xb: {  	[smem:$0x3FA9] =	sst s3  }
0xc: {  	[smem:$0x3FAA] =	sst s4  }
0xd: {  	[smem:$0x3FAB] =	sst s5  }
0xe: {  	[smem:$0x3FAC] =	sst s6  }
0xf: {  	[smem:$0x3FAD] =	sst s7  }
0x10: {  	[smem:$0x3FAE] =	sst s8  }
0x11: {  	[smem:$0x3FAF] =	sst s9;
	s0 =	simm.s32 @!p0 $0x0  }
0x12: {  	s1 =	sld [smem:$0x3F95];
	s0 =	simm.s32 @p0 $0x1  }
0x13: {  	[smem:$0x3FB0] =	sst s0;
	s0 =	simm.s32 @!p1 $0x0  }
0x14: {  	s2 =	sld [smem:$0x3F94];
	s0 =	simm.s32 @p1 $0x1  }
0x15: {  	[smem:$0x3FB1] =	sst s0;
	s0 =	simm.s32 @!p2 $0x0  }
0x16: {  	s3 =	sld [smem:$0x3FDB];
	s0 =	simm.s32 @p2 $0x1  }
0x17: {  	s4 =	simm.s32 $0x1BF5;
	[smem:$0x3FB3] =	sst s0  }
0x18: {  	s0 =	sld [smem:$0x3F96];
	_ =	swait.ge [sflag:s4], $0x0  }
0x19: {  	s7 =	sld [smem:$0x3F97]  }
0x1a: {  	s8 =	sadd.s32 $0xFFFFE003, lr  }
0x1b: {  	s9 =	sadd.s32 $0xFFFFFEF7, lr;
	s5 =	simm.s32 $0xFFFFFFFF;
	p2 =	slt.u32 s8, $0xFFFFF086  }
0x1c: {  	p1 =	slt.u32 s9, $0xF7A;
	s5 =	simm.s32 @!p2 $0x0  }
0x1d: {  	s5 =	simm.s32 @p1 $0x1;
	p0 =	seq.s32 s7, s2  }
0x1e: {  	s7 =	smul.u32 @!p0 $0xF7A, s2;
	p2 =	seq.s32 @!p0 s5, $0x0  }
0x1f: {  	s9 =	smul.u32 $0xF7A, s1;
	s8 =	simm.s32 @!p0 $0x1BF5;
	p2 =	por !p2, p0  }
0x20: {  	[sflag:s8] =	ssyncset.s32 @!p0 $0xFFFFF086;
	s6 =	sadd.s32 @!p0 s3, s7;
	s7 =	simm.s32 @!p0 $0x108  }
0x21: {  	s3 =	sadd.s32 s3, s9;
	s6 =	sadd.s32 @!p0 $0x88, s6;
	s7 =	simm.s32 @p2 $0x1082  }
0x22: {  	[simem:s7], [sflag:s8] =	dma.local @!p0 [hbm:s6], $0xF7A  }
0x23: {  	s9 =	sor.u32 $0xD0000000, s2;
	s6 =	simm.s32 $0x108;
	_ =	swait.ge @!p0 [sflag:s8], $0x0  }
0x24: {  	s3 =	sadd.s32 $0x88, s3;
	s6 =	simm.s32 @!p1 $0x1082;
	[sflag:s4] =	ssyncset.s32 $0xFFFFF086  }
0x25: {  	[simem:s6], [sflag:s4] =	dma.local [hbm:s3], $0xF7A  }
0x26: {  	[smem:$0x3F97] =	sst s1;
	(tag) =	ssettag s2;
	_ =	strace s9  }
0x27: {  	s1 =	sld [smem:$0x3FA7]  }
0x28: {  	s2 =	sld [smem:$0x3FA8]  }
0x29: {  	s4 =	sld [smem:$0x3FAA]  }
0x2a: {  	p0 =	seq.s32 s5, $0x0;
	s5 =	sld [smem:$0x3FAB]  }
0x2b: {  	s6 =	sld [smem:$0x3FAC]  }
0x2c: {  	s7 =	sld [smem:$0x3FAD]  }
0x2d: {  	s3 =	simm.s32 $0x108;
	s8 =	sld [smem:$0x3FAE]  }
0x2e: {  	s3 =	simm.s32 @!p0 $0x1082;
	s9 =	sld [smem:$0x3FAF]  }
0x2f: {  	lr =	sadd.s32 s0, s3;
	s0 =	sld [smem:$0x3FA6]  }
0x30: {  	s3 =	sld [smem:$0x3FA9]  }
0x31: {  	[smem:$0x3FB2] =	sst s10  }
0x32: {  	s10 =	sld [smem:$0x3FB0];
	_ =	sdelay $0x3  }
0x33: {  	p0 =	seq.s32 s10, $0x1;
	s10 =	sld [smem:$0x3FB2];
	_ =	sdelay $0x3  }
0x34: {  	[smem:$0x3FB2] =	sst s10  }
0x35: {  	s10 =	sld [smem:$0x3FB1];
	_ =	sdelay $0x3  }
0x36: {  	p1 =	seq.s32 s10, $0x1;
	s10 =	sld [smem:$0x3FB2];
	_ =	sdelay $0x3  }
0x37: {  	[smem:$0x3FB2] =	sst s10  }
0x38: {  	s10 =	sld [smem:$0x3FB3]  }
0x39: {  	_ = 	snop;
	(pc) =	sbr.ind lr, $3  }
0x3a: {  	_ = 	snop  }
0x3b: {  	_ = 	snop  }
0x3c: {  	p2 =	seq.s32 s10, $0x1;
	s10 =	sld [smem:$0x3FB2]  }
0x3d: {  	_ =	shalt  }
0x3e: {  	_ =	shalt  }
0x3f: {  	_ =	shalt  }
0x40: {  	_ =	shalt  }
0x41: {  	_ =	shalt  }
0x42: {  	_ =	shalt  }
0x43: {  	_ =	shalt  }
0x44: {  	_ =	shalt  }
0x45: {  	_ =	shalt  }
0x46: {  	_ =	shalt  }
0x47: {  	_ =	shalt  }
0x48: {  	_ =	shalt  }
0x49: {  	_ =	shalt  }
0x4a: {  	_ =	shalt  }
0x4b: {  	_ =	shalt  }
0x4c: {  	_ =	shalt  }
0x4d: {  	_ =	shalt  }
0x4e: {  	_ =	shalt  }
0x4f: {  	_ =	shalt  }
0x50: {  	_ =	shalt  }
0x51: {  	_ =	shalt  }
0x52: {  	_ =	shalt  }
0x53: {  	_ =	shalt  }
0x54: {  	_ =	shalt  }
0x55: {  	_ =	shalt  }
0x56: {  	_ =	shalt  }
0x57: {  	_ =	shalt  }
0x58: {  	_ =	shalt  }
0x59: {  	_ =	shalt  }
0x5a: {  	_ =	shalt  }
0x5b: {  	_ =	shalt  }
0x5c: {  	_ =	shalt  }
0x5d: {  	_ =	shalt  }
0x5e: {  	_ =	shalt  }
0x5f: {  	_ =	shalt  }
0x60: {  	_ =	shalt  }
0x61: {  	_ =	shalt  }
0x62: {  	_ =	shalt  }
0x63: {  	_ =	shalt  }
0x64: {  	_ =	shalt  }
0x65: {  	_ =	shalt  }
0x66: {  	_ =	shalt  }
0x67: {  	_ =	shalt  }
0x68: {  	_ =	shalt  }
0x69: {  	_ =	shalt  }
0x6a: {  	_ =	shalt  }
0x6b: {  	_ =	shalt  }
0x6c: {  	_ =	shalt  }
0x6d: {  	_ =	shalt  }
0x6e: {  	_ =	shalt  }
0x6f: {  	_ =	shalt  }
0x70: {  	_ =	shalt  }
0x71: {  	_ =	shalt  }
0x72: {  	_ =	shalt  }
0x73: {  	_ =	shalt  }
0x74: {  	_ =	shalt  }
0x75: {  	_ =	shalt  }
0x76: {  	_ =	shalt  }
0x77: {  	_ =	shalt  }
0x78: {  	_ =	shalt  }
0x79: {  	_ =	shalt  }
0x7a: {  	_ =	shalt  }
0x7b: {  	_ =	shalt  }
0x7c: {  	_ =	shalt  }
0x7d: {  	_ =	shalt  }
0x7e: {  	_ =	shalt  }
0x7f: {  	_ =	shalt  }
0x80: {  	_ =	shalt  }
0x81: {  	_ =	shalt  }
0x82: {  	_ =	shalt  }
0x83: {  	_ =	shalt  }
0x84: {  	_ =	shalt  }
0x85: {  	_ =	shalt  }
0x86: {  	_ =	shalt  }
0x87: {  	_ =	shalt  }
.Lfunc_end0:
.L_simem_size_0:
called_computation_lowered:
.L_overlay_start_0:
0x88: {  	s2 =	sld [smem:$0x3FD9]  }
0x89: {  	s3 =	sld [smem:$0x3FFE];
	_ =	sdelay $0x1  }
0x8a: {  	s1 =	srdreg.scid  }
0x8b: {  	s0 =	sand.u32 $0x1, s1  }
0x8c: {  	s17 =	sshll.u32 s0, $0xA;
	s2 =	sadd.s32 s3, s2  }
0x8d: {  	s2 =	sadd.s32 s2, s17  }
0x8e: {  	[smem:$0x3FBE] =	sst s2  }
0x8f: {  	_ = 	snop  }
0x90: {  	s2 =	sld [smem:$0x3FC9];
	(tm) =	ssettm $0x1  }
0x91: {  	s18 =	sld [smem:$0x3FFB];
	_ =	sdelay $0x3  }
0x92: {  	_ =	strace s18  }
0x93: {  	s3 =	sld [smem:$0x3FFC];
	_ =	sdelay $0x3  }
0x94: {  	_ =	strace s3  }
0x95: {  	s3 =	sld [smem:$0x3FFD];
	_ =	sdelay $0x3  }
0x96: {  	_ =	strace s3  }
0x97: {  	_ =	strace $0x8FFFFFFF  }
0x98: {  	s19 =	sld [smem:$0x3FDB];
	_ =	sdelay $0x1  }
0x99: {  	s4 =	simm.s32 $_scs_section_size  }
0x9a: {  	s5 =	simm.s32 $_size__tile_overlayer_lowered;
	s6 =	simm.s32 $_tile_overlayer_lowered  }
0x9b: {  	s22 =	simm.s32 $0x1BFF;
	s21 =	sshll.u32 s6, $0x1;
	s3 =	sadd.s32 s4, s19  }
0x9c: {  	s7 =	simm.s32 $0x0;
	s20 =	sshll.u32 s5, $0x1;
	s5 =	sadd.s32 s21, s3  }
0x9d: {  	[timem:s7], [sflag:s22] =	dma.local [hbm:s5], s20  }
0x9e: {  	_ =	swait.ge [sflag:s22], s20  }
0x9f: {  	s4 =	ssub.s32 $0x0, s20;
	[sflag:s22] =	ssyncset.done $0x0  }
0xa0: {  	[sflag:s22] =	ssyncadd.s32 s4;
	_ =	sdelay $0x1  }
0xa1: {  	s23 =	simm.s32 $0x1B8B  }
0xa2: {  	_ =	swait.ge [sflag:s23], $0x1  }
0xa3: {  	[sflag:s23] =	ssyncset.done $0x0  }
0xa4: {  	s25 =	simm.s32 $0x1B8E;
	s24 =	sld [smem:$0x3FFE];
	[sflag:s23] =	ssyncadd.s32 $0xFFFFFFFF  }
0xa5: {  	s26 =	simm.s32 $execute0_lowered;
	[smem:$0x3FD2] =	sst s25  }
0xa6: {  	s5 =	sshll.u32 s26, $0x1;
	_ =	strace $0x80000046;
	[dreg:$0x1] =	wrdreg $0xFFFFFFFF  }
0xa7: {  	s28 =	simm.s32 $_size_execute0_lowered;
	s3 =	sadd.s32 s3, s5;
	[dreg:$0x0] =	wrdreg $0x0  }
0xa8: {  	s5 =	sshll.u32 s28, $0x1;
	[dreg:$0x2] =	wrdreg s3  }
0xa9: {  	[dreg:$0x3] =	wrdreg s5  }
0xaa: {  	[dreg:$0x4] =	wrdreg $0xC0  }
0xab: {  	_ =	task [dreg:s7], $0x5FFFF  }
0xac: {  	[dreg:$0x1] =	wrdreg $0xFFFFFFFF  }
0xad: {  	[dreg:$0x0] =	wrdreg $0x60  }
0xae: {  	[dreg:$0x2] =	wrdreg s2  }
0xaf: {  	[dreg:$0x3] =	wrdreg s24  }
0xb0: {  	[dreg:$0x4] =	wrdreg $0x9  }
0xb1: {  	_ =	task.clear_ibuf [dreg:s7], $0x5FFFF;
	_ =	strace $0x90000046  }
0xb2: {  	s29 =	simm.s32 $0x9;
	_ =	strace $0x80000048  }
0xb3: {  	_ =	swait.ge [sflag:s29], $0x1  }
0xb4: {  	[sflag:s29] =	ssyncadd.s32 $0xFFFFFFFF  }
0xb5: {  	_ =	strace $0x90000048  }
0xb6: {  	_ =	sfence  }
0xb7: {  	s30 =	sld [smem:$0x0];
	_ =	sdelay $0x2  }
0xb8: {  	s31 =	sshll.u32 s1, $0xD;
	s1 =	sshrl.u32 s1, $0x2  }
0xb9: {  	s3 =	sand.u32 $0x4000, s31;
	s1 =	sadd.s32 s1, s30  }
0xba: {  	s0 =	sor.u32 s3, s0;
	s1 =	sshll.u32 s1, $0x11  }
0xbb: {  	s0 =	sor.u32 s1, s0  }
0xbc: {  	s0 =	sadd.s32 $0x8F2B, s0  }
0xbd: {  	[sflag:s0] =	ssyncadd.remote.s32 $0x1  }
0xbe: {  	_ =	sfence.sel $0xFFFF  }
0xbf: {  	[dreg:$0x0] =	wrdreg $0xFFFFFFFF;
	(pc) =	sbr.abs _section_cstart, $3  }
0xc0: {  	[dreg:$0x1] =	wrdreg $0xFFFFFFFF  }
0xc1: {  	_ =	task.clear_ibuf [dreg:s7], $0x2FFFF;
	_ =	strace $0x9FFFFFFF  }
0xc2: {  	(tm) =	ssettm $0x7FFFFFFF  }
0xc3: {  	_ =	shalt  }
tec
execute0_lowered:
.L_overlay_start_1:
0x0: {  	(tag) =	ssettag $0x1  }
0x1: {  	s0 =	rddreg [dreg:$0x0]  }
0x2: {  	s1 =	rddreg [dreg:$0x1];
	s3 =	srdreg.scid  }
0x3: {  	s2 =	simm.s32 $0x0;
	s5 =	stileid.u32;
	s7 =	simm.s32 $0x2  }
0x4: {  	s8 =	simm.s32 $0x200;
	s28 =	simm.s32 $0xB80;
	s29 =	simm.s32 $0xC00  }
0x5: {  	s30 =	simm.s32 $0xC80;
	s31 =	simm.s32 $0xD00;
	s9 =	simm.s32 $0xE80  }
0x6: {  	s10 =	simm.s32 $0xF00;
	s11 =	simm.s32 $0xF80;
	s12 =	simm.s32 $0x1000  }
0x7: {  	s13 =	simm.s32 $0x1080;
	s14 =	simm.s32 $0x1100;
	s15 =	simm.s32 $0x1180  }
0x8: {  	s16 =	simm.s32 $0x1;
	s17 =	simm.s32 $0x0;
	s4 =	sand.u32 $0x1, s3  }
0x9: {  	[smem:$0x7FF] =	sst s2;
	s24 =	sshll.u32 s5, $0xA;
	s3 =	sadd.s32 $0x1200, s1  }
0xa: {  	s25 =	sshll.u32 s4, $0x9;
	_ =	strace $0x80000047;
	s4 =	ssub.s32 $0x2, s4  }
.Ltmp0:
0xb: {  	s5 =	sor.u32 s25, s24;
	s26 =	sshrl.u32 s4, $0x1;
	(pc) =	sbr.rel .LBB2_1-.Ltmp0, $4  }
0xc: {  	s24 =	simm.s32 $0xA00;
	s25 =	simm.s32 $0xA80;
	s6 =	sshll.u32 s5, $0x4  }
0xd: {  	s5 =	sshrl.u32 s5, $0x3;
	s1 =	sadd.s32 s6, s1;
	s6 =	ssub.s32 s4, s26  }
0xe: {  	s4 =	sadd.s32 s0, s5;
	s26 =	simm.s32 $0xB00;
	s0 =	simm.s32 $0xD80  }
0xf: {  	s5 =	sadd.s32 $0xF43600, s1;
	s6 =	smax.u32 s6, $0x1;
	s1 =	simm.s32 $0xE00  }
.LBB2_5:
0x10: {  	s17 =	sadd.s32 $0x1, s17  }
0x11: {  	p0 =	sne.s32 s17, s6  }
.Ltmp1:
0x12: {  	_ = 	snop;
	(pc) =	sbr.rel @!p0 .LBB2_6-.Ltmp1, $4  }
0x13: {  	[hbm4b:s5+s2] =	stream.linear.scatter [tilespmem:s8], [sflag:$0x2], $0x10000, $0x38;
	[tilespmem:$0x10200] =	vst v63  }
0x14: {  	_ =	swait.ge [sflag:s7], $0x10000  }
0x15: {  	[sflag:s7] =	ssyncset.done $0x0  }
0x16: {  	[sflag:s7] =	ssyncadd.s32 $0xFFFF0000  }
.LBB2_1:
0x17: {  	[tilespmem:s2], [sflag:$0x2] =	stream.linear.gather [hbm4b:s4+s2], $0x200, $0x38;
	[tilespmem:$0x10200] =	vst v63  }
0x18: {  	_ =	swait.ge [sflag:s7], $0x200  }
0x19: {  	[sflag:s7] =	ssyncset.done $0x0  }
0x1a: {  	[sflag:s7] =	ssyncadd.s32 $0xFFFFFE00  }
0x1b: {  	v0 =	vld [tilespmem:$0x0];
	_ =	sdelay $0x4  }
0x1c: {  	v0 =	vshll.u32 v0, $0x4  }
0x1d: {  	(v2sf) =	vpush v0, $0x0;
	_ =	sdelay $0x1  }
0x1e: {  	(v2sf) =	vpush v0, $0x1;
	_ =	sdelay $0x1  }
0x1f: {  	(v2sf) =	vpush v0, $0x2;
	_ =	sdelay $0x8  }
0x20: {  	(v2sf) =	vpush v0, $0x3;
	_ =	sdelay $0x1  }
0x21: {  	s18 =	spop (v2sf);
	(v2sf) =	vpush v0, $0x4;
	_ =	sdelay $0x1  }
0x22: {  	s21 =	spop (v2sf);
	(v2sf) =	vpush v0, $0x5;
	_ =	sdelay $0x1  }
0x23: {  	s22 =	spop (v2sf);
	(v2sf) =	vpush v0, $0x6;
	_ =	sdelay $0x1  }
0x24: {  	s18 =	sand.u32 $0x1FFFFFF0, s18  }
0x25: {  	s18 =	sadd.s32 s3, s18;
	(v2sf) =	vpush v0, $0x7  }
0x26: {  	[tilespmem:s8], [sflag:$0x1] =	stream.linear.gather [hbm4b:s18+s2], $0x80, $0x38;
	[tilespmem:$0x10200] =	vst v63  }
0x27: {  	s18 =	sand.u32 $0x1FFFFFF0, s21  }
0x28: {  	s19 =	simm.s32 $0x280;
	s18 =	sadd.s32 s3, s18  }
0x29: {  	[tilespmem:s19], [sflag:$0x1] =	stream.linear.gather [hbm4b:s18+s2], $0x80, $0x38;
	[tilespmem:$0x10200] =	vst v63  }
0x2a: {  	s18 =	sand.u32 $0x1FFFFFF0, s22  }
0x2b: {  	s23 =	simm.s32 $0x300;
	s20 =	spop (v2sf);
	s18 =	sadd.s32 s3, s18  }
0x2c: {  	[tilespmem:s23], [sflag:$0x1] =	stream.linear.gather [hbm4b:s18+s2], $0x80, $0x38;
	[tilespmem:$0x10200] =	vst v63  }
0x2d: {  	s22 =	spop (v2sf);
	(v2sf) =	vpush v0, $0x8  }
0x2e: {  	s18 =	sand.u32 $0x1FFFFFF0, s20  }
0x2f: {  	s21 =	simm.s32 $0x380;
	s18 =	sadd.s32 s3, s18;
	s20 =	spop (v2sf);
	(v2sf) =	vpush v0, $0x9  }
0x30: {  	[tilespmem:s21], [sflag:$0x1] =	stream.linear.gather [hbm4b:s18+s2], $0x80, $0x38;
	[tilespmem:$0x10200] =	vst v63  }
0x31: {  	s18 =	sand.u32 $0x1FFFFFF0, s22;
	s22 =	spop (v2sf);
	(v2sf) =	vpush v0, $0xA  }
0x32: {  	s23 =	simm.s32 $0x400;
	s18 =	sadd.s32 s3, s18  }
0x33: {  	[tilespmem:s23], [sflag:$0x1] =	stream.linear.gather [hbm4b:s18+s2], $0x80, $0x38;
	[tilespmem:$0x10200] =	vst v63  }
0x34: {  	s18 =	sand.u32 $0x1FFFFFF0, s20;
	s20 =	spop (v2sf);
	(v2sf) =	vpush v0, $0xB;
	_ =	sdelay $0x1  }
0x35: {  	s21 =	simm.s32 $0x480;
	s18 =	sadd.s32 s3, s18  }
0x36: {  	[tilespmem:s21], [sflag:$0x1] =	stream.linear.gather [hbm4b:s18+s2], $0x80, $0x38;
	[tilespmem:$0x10200] =	vst v63  }
0x37: {  	s18 =	sand.u32 $0x1FFFFFF0, s22  }
0x38: {  	s23 =	simm.s32 $0x500;
	s18 =	sadd.s32 s3, s18  }
0x39: {  	[tilespmem:s23], [sflag:$0x1] =	stream.linear.gather [hbm4b:s18+s2], $0x80, $0x38;
	[tilespmem:$0x10200] =	vst v63  }
0x3a: {  	s18 =	sand.u32 $0x1FFFFFF0, s20  }
0x3b: {  	s21 =	simm.s32 $0x580;
	s18 =	sadd.s32 s3, s18;
	s22 =	spop (v2sf);
	(v2sf) =	vpush v0, $0xC  }
0x3c: {  	[tilespmem:s21], [sflag:$0x1] =	stream.linear.gather [hbm4b:s18+s2], $0x80, $0x38;
	[tilespmem:$0x10200] =	vst v63  }
0x3d: {  	s20 =	spop (v2sf);
	(v2sf) =	vpush v0, $0xD  }
0x3e: {  	s18 =	sand.u32 $0x1FFFFFF0, s22  }
0x3f: {  	s23 =	simm.s32 $0x600;
	s18 =	sadd.s32 s3, s18;
	s22 =	spop (v2sf)  }
0x40: {  	(v2sf) =	vpush v0, $0xE;
	[tilespmem:s23], [sflag:$0x1] =	stream.linear.gather [hbm4b:s18+s2], $0x80, $0x38;
	[tilespmem:$0x10200] =	vst v63  }
0x41: {  	s18 =	sand.u32 $0x1FFFFFF0, s20  }
0x42: {  	s21 =	simm.s32 $0x680;
	s20 =	spop (v2sf);
	s18 =	sadd.s32 s3, s18  }
0x43: {  	(v2sf) =	vpush v0, $0xF;
	[tilespmem:s21], [sflag:$0x1] =	stream.linear.gather [hbm4b:s18+s2], $0x80, $0x38;
	[tilespmem:$0x10200] =	vst v63  }
0x44: {  	s18 =	sand.u32 $0x1FFFFFF0, s22  }
0x45: {  	s23 =	simm.s32 $0x700;
	s18 =	sadd.s32 s3, s18  }
0x46: {  	[tilespmem:s23], [sflag:$0x1] =	stream.linear.gather [hbm4b:s18+s2], $0x80, $0x38;
	[tilespmem:$0x10200] =	vst v63  }
0x47: {  	s18 =	sand.u32 $0x1FFFFFF0, s20  }
0x48: {  	s21 =	simm.s32 $0x780;
	s18 =	sadd.s32 s3, s18  }
0x49: {  	[tilespmem:s21], [sflag:$0x1] =	stream.linear.gather [hbm4b:s18+s2], $0x80, $0x38;
	[tilespmem:$0x10200] =	vst v63  }
0x4a: {  	s22 =	spop (v2sf)  }
0x4b: {  	s18 =	sand.u32 $0x1FFFFFF0, s22  }
0x4c: {  	s23 =	simm.s32 $0x800;
	s20 =	spop (v2sf);
	s18 =	sadd.s32 s3, s18  }
0x4d: {  	[tilespmem:s23], [sflag:$0x1] =	stream.linear.gather [hbm4b:s18+s2], $0x80, $0x38;
	[tilespmem:$0x10200] =	vst v63  }
0x4e: {  	s18 =	sand.u32 $0x1FFFFFF0, s20  }
0x4f: {  	s21 =	simm.s32 $0x880;
	s22 =	spop (v2sf);
	s18 =	sadd.s32 s3, s18  }
0x50: {  	[tilespmem:s21], [sflag:$0x1] =	stream.linear.gather [hbm4b:s18+s2], $0x80, $0x38;
	[tilespmem:$0x10200] =	vst v63  }
0x51: {  	s18 =	sand.u32 $0x1FFFFFF0, s22  }
0x52: {  	s23 =	simm.s32 $0x900;
	s20 =	spop (v2sf);
	s18 =	sadd.s32 s3, s18  }
0x53: {  	[tilespmem:s23], [sflag:$0x1] =	stream.linear.gather [hbm4b:s18+s2], $0x80, $0x38;
	[tilespmem:$0x10200] =	vst v63  }
0x54: {  	s18 =	sand.u32 $0x1FFFFFF0, s20  }
0x55: {  	s21 =	simm.s32 $0x980;
	s18 =	sadd.s32 s3, s18  }
0x56: {  	[tilespmem:s21], [sflag:$0x1] =	stream.linear.gather [hbm4b:s18+s2], $0x80, $0x38;
	[tilespmem:$0x10200] =	vst v63  }
0x57: {  	v63 =	vld [tilespmem:$0x10];
	_ =	sdelay $0x4  }
0x58: {  	v0 =	vshll.u32 v63, $0x4  }
0x59: {  	(v2sf) =	vpush v0, $0x0;
	_ =	sdelay $0x4  }
0x5a: {  	(v2sf) =	vpush v0, $0x1  }
0x5b: {  	(v2sf) =	vpush v0, $0x2  }
0x5c: {  	(v2sf) =	vpush v0, $0x3;
	_ =	sdelay $0x1  }
0x5d: {  	(v2sf) =	vpush v0, $0x4;
	_ =	sdelay $0x5  }
0x5e: {  	s22 =	spop (v2sf);
	(v2sf) =	vpush v0, $0x5;
	_ =	sdelay $0x4  }
0x5f: {  	s23 =	spop (v2sf)  }
0x60: {  	s18 =	sand.u32 $0x1FFFFFF0, s22;
	s19 =	spop (v2sf);
	(v2sf) =	vpush v0, $0x6  }
0x61: {  	s18 =	sadd.s32 s3, s18;
	s20 =	spop (v2sf);
	(v2sf) =	vpush v0, $0x7  }
0x62: {  	[tilespmem:s24], [sflag:$0x1] =	stream.linear.gather [hbm4b:s18+s2], $0x80, $0x38;
	[tilespmem:$0x10200] =	vst v63  }
0x63: {  	s18 =	sand.u32 $0x1FFFFFF0, s23;
	s21 =	spop (v2sf);
	(v2sf) =	vpush v0, $0x8  }
0x64: {  	s18 =	sadd.s32 s3, s18  }
0x65: {  	[tilespmem:s25], [sflag:$0x1] =	stream.linear.gather [hbm4b:s18+s2], $0x80, $0x38;
	[tilespmem:$0x10200] =	vst v63  }
0x66: {  	s18 =	sand.u32 $0x1FFFFFF0, s19  }
0x67: {  	s18 =	sadd.s32 s3, s18  }
0x68: {  	[tilespmem:s26], [sflag:$0x1] =	stream.linear.gather [hbm4b:s18+s2], $0x80, $0x38;
	[tilespmem:$0x10200] =	vst v63  }
0x69: {  	s18 =	sand.u32 $0x1FFFFFF0, s20;
	s22 =	spop (v2sf);
	(v2sf) =	vpush v0, $0x9  }
0x6a: {  	s18 =	sadd.s32 s3, s18  }
0x6b: {  	[tilespmem:s28], [sflag:$0x1] =	stream.linear.gather [hbm4b:s18+s2], $0x80, $0x38;
	[tilespmem:$0x10200] =	vst v63  }
0x6c: {  	s18 =	sand.u32 $0x1FFFFFF0, s21  }
0x6d: {  	s18 =	sadd.s32 s3, s18;
	(v2sf) =	vpush v0, $0xA  }
0x6e: {  	[tilespmem:s29], [sflag:$0x1] =	stream.linear.gather [hbm4b:s18+s2], $0x80, $0x38;
	[tilespmem:$0x10200] =	vst v63  }
0x6f: {  	s18 =	sand.u32 $0x1FFFFFF0, s22;
	s23 =	spop (v2sf);
	(v2sf) =	vpush v0, $0xB  }
0x70: {  	s18 =	sadd.s32 s3, s18;
	s19 =	spop (v2sf);
	(v2sf) =	vpush v0, $0xC  }
0x71: {  	[tilespmem:s30], [sflag:$0x1] =	stream.linear.gather [hbm4b:s18+s2], $0x80, $0x38;
	[tilespmem:$0x10200] =	vst v63  }
0x72: {  	s18 =	sand.u32 $0x1FFFFFF0, s23;
	s20 =	spop (v2sf);
	(v2sf) =	vpush v0, $0xD  }
0x73: {  	s18 =	sadd.s32 s3, s18  }
0x74: {  	[tilespmem:s31], [sflag:$0x1] =	stream.linear.gather [hbm4b:s18+s2], $0x80, $0x38;
	[tilespmem:$0x10200] =	vst v63  }
0x75: {  	s18 =	sand.u32 $0x1FFFFFF0, s19  }
0x76: {  	s18 =	sadd.s32 s3, s18  }
0x77: {  	[tilespmem:s0], [sflag:$0x1] =	stream.linear.gather [hbm4b:s18+s2], $0x80, $0x38;
	[tilespmem:$0x10200] =	vst v63  }
0x78: {  	s18 =	sand.u32 $0x1FFFFFF0, s20;
	s21 =	spop (v2sf);
	(v2sf) =	vpush v0, $0xE  }
0x79: {  	s18 =	sadd.s32 s3, s18  }
0x7a: {  	[tilespmem:s1], [sflag:$0x1] =	stream.linear.gather [hbm4b:s18+s2], $0x80, $0x38;
	[tilespmem:$0x10200] =	vst v63  }
0x7b: {  	s18 =	sand.u32 $0x1FFFFFF0, s21  }
0x7c: {  	s22 =	spop (v2sf);
	(v2sf) =	vpush v0, $0xF;
	s18 =	sadd.s32 s3, s18  }
0x7d: {  	[tilespmem:s9], [sflag:$0x1] =	stream.linear.gather [hbm4b:s18+s2], $0x80, $0x38;
	[tilespmem:$0x10200] =	vst v63  }
0x7e: {  	s23 =	spop (v2sf);
	s18 =	sand.u32 $0x1FFFFFF0, s22  }
0x7f: {  	s20 =	sand.u32 $0x1FFFFFF0, s23;
	s21 =	spop (v2sf);
	s18 =	sadd.s32 s3, s18  }
0x80: {  	[tilespmem:s10], [sflag:$0x1] =	stream.linear.gather [hbm4b:s18+s2], $0x80, $0x38;
	[tilespmem:$0x10200] =	vst v63  }
0x81: {  	s22 =	sand.u32 $0x1FFFFFF0, s21;
	s23 =	spop (v2sf);
	s18 =	sadd.s32 s3, s20  }
0x82: {  	[tilespmem:s11], [sflag:$0x1] =	stream.linear.gather [hbm4b:s18+s2], $0x80, $0x38;
	[tilespmem:$0x10200] =	vst v63  }
0x83: {  	s20 =	sand.u32 $0x1FFFFFF0, s23;
	s18 =	sadd.s32 s3, s22  }
0x84: {  	[tilespmem:s12], [sflag:$0x1] =	stream.linear.gather [hbm4b:s18+s2], $0x80, $0x38;
	[tilespmem:$0x10200] =	vst v63  }
0x85: {  	s18 =	sadd.s32 s3, s20  }
0x86: {  	[tilespmem:s13], [sflag:$0x1] =	stream.linear.gather [hbm4b:s18+s2], $0x80, $0x38;
	[tilespmem:$0x10200] =	vst v63  }
0x87: {  	s21 =	spop (v2sf)  }
0x88: {  	s22 =	sand.u32 $0x1FFFFFF0, s21  }
0x89: {  	s18 =	sadd.s32 s3, s22  }
0x8a: {  	[tilespmem:s14], [sflag:$0x1] =	stream.linear.gather [hbm4b:s18+s2], $0x80, $0x38;
	[tilespmem:$0x10200] =	vst v63  }
.Ltmp2:
0x8b: {  	s23 =	spop (v2sf);
	(pc) =	sbr.rel .LBB2_2-.Ltmp2, $4  }
0x8c: {  	s18 =	sand.u32 $0x1FFFFFF0, s23  }
0x8d: {  	s18 =	sadd.s32 s3, s18  }
0x8e: {  	[tilespmem:s15], [sflag:$0x1] =	stream.linear.gather [hbm4b:s18+s2], $0x80, $0x38;
	[tilespmem:$0x10200] =	vst v63  }
0x8f: {  	s19 =	simm.s32 $0x0;
	s20 =	simm.s32 $0x0;
	s18 =	simm.s32 $0x20  }
.LBB2_4:
0x90: {  	_ =	swait.ge [sflag:s16], $0x80  }
0x91: {  	[sflag:s16] =	ssyncset.done $0x0  }
0x92: {  	[sflag:s16] =	ssyncadd.s32 $0xFFFFFF80  }
0x93: {  	_ =	swait.ge [sflag:s16], $0x80  }
0x94: {  	[sflag:s16] =	ssyncset.done $0x0  }
0x95: {  	[sflag:s16] =	ssyncadd.s32 $0xFFFFFF80  }
0x96: {  	_ =	swait.ge [sflag:s16], $0x80  }
0x97: {  	[sflag:s16] =	ssyncset.done $0x0  }
0x98: {  	[sflag:s16] =	ssyncadd.s32 $0xFFFFFF80  }
0x99: {  	_ =	swait.ge [sflag:s16], $0x80  }
0x9a: {  	[sflag:s16] =	ssyncset.done $0x0  }
0x9b: {  	[sflag:s16] =	ssyncadd.s32 $0xFFFFFF80  }
0x9c: {  	_ =	swait.ge [sflag:s16], $0x80  }
0x9d: {  	[sflag:s16] =	ssyncset.done $0x0  }
0x9e: {  	[sflag:s16] =	ssyncadd.s32 $0xFFFFFF80  }
0x9f: {  	_ =	swait.ge [sflag:s16], $0x80  }
0xa0: {  	[sflag:s16] =	ssyncset.done $0x0  }
0xa1: {  	[sflag:s16] =	ssyncadd.s32 $0xFFFFFF80  }
0xa2: {  	_ =	swait.ge [sflag:s16], $0x80  }
0xa3: {  	[sflag:s16] =	ssyncset.done $0x0  }
0xa4: {  	[sflag:s16] =	ssyncadd.s32 $0xFFFFFF80  }
0xa5: {  	_ =	swait.ge [sflag:s16], $0x80  }
0xa6: {  	[sflag:s16] =	ssyncset.done $0x0  }
0xa7: {  	[sflag:s16] =	ssyncadd.s32 $0xFFFFFF80  }
0xa8: {  	_ =	swait.ge [sflag:s16], $0x80  }
0xa9: {  	[sflag:s16] =	ssyncset.done $0x0  }
0xaa: {  	[sflag:s16] =	ssyncadd.s32 $0xFFFFFF80  }
0xab: {  	_ =	swait.ge [sflag:s16], $0x80  }
0xac: {  	[sflag:s16] =	ssyncset.done $0x0  }
0xad: {  	[sflag:s16] =	ssyncadd.s32 $0xFFFFFF80  }
0xae: {  	_ =	swait.ge [sflag:s16], $0x80  }
0xaf: {  	[sflag:s16] =	ssyncset.done $0x0  }
0xb0: {  	[sflag:s16] =	ssyncadd.s32 $0xFFFFFF80  }
0xb1: {  	_ =	swait.ge [sflag:s16], $0x80  }
0xb2: {  	[sflag:s16] =	ssyncset.done $0x0  }
0xb3: {  	[sflag:s16] =	ssyncadd.s32 $0xFFFFFF80  }
0xb4: {  	_ =	swait.ge [sflag:s16], $0x80  }
0xb5: {  	[sflag:s16] =	ssyncset.done $0x0  }
0xb6: {  	[sflag:s16] =	ssyncadd.s32 $0xFFFFFF80  }
0xb7: {  	_ =	swait.ge [sflag:s16], $0x80  }
0xb8: {  	[sflag:s16] =	ssyncset.done $0x0  }
0xb9: {  	s19 =	sadd.s32 $0x2000, s19;
	[sflag:s16] =	ssyncadd.s32 $0xFFFFFF80  }
0xba: {  	p0 =	sne.s32 s19, $0x40000;
	_ =	swait.ge [sflag:s16], $0x80  }
.Ltmp3:
0xbb: {  	[sflag:s16] =	ssyncset.done $0x0;
	(pc) =	sbr.rel @!p0 .LBB2_5-.Ltmp3, $4  }
0xbc: {  	[sflag:s16] =	ssyncadd.s32 $0xFFFFFF80  }
0xbd: {  	_ =	swait.ge [sflag:s16], $0x80  }
0xbe: {  	[sflag:s16] =	ssyncset.done $0x0  }
0xbf: {  	s20 =	sadd.s32 $0x1, s20;
	s18 =	sadd.s32 $0x10, s18;
	[sflag:s16] =	ssyncadd.s32 $0xFFFFFF80  }
.LBB2_2:
0xc0: {  	p0 =	sgt.u32 s20, $0x1D  }
.Ltmp4:
0xc1: {  	_ = 	snop;
	(pc) =	sbr.rel @p0 .LBB2_4-.Ltmp4, $1  }
0xc2: {  	_ =	sdelay $0x3  }
0xc3: {  	v0 =	vld [tilespmem:s18+$0x0];
	_ =	sdelay $0x4  }
0xc4: {  	v0 =	vshll.u32 v0, $0x4  }
0xc5: {  	(v2sf) =	vpush v0, $0x0;
	_ =	sdelay $0x3  }
0xc6: {  	(v2sf) =	vpush v0, $0x1;
	_ =	sdelay $0x3  }
0xc7: {  	(v2sf) =	vpush v0, $0x2;
	_ =	sdelay $0x3  }
0xc8: {  	(v2sf) =	vpush v0, $0x3;
	_ =	sdelay $0x2  }
0xc9: {  	s22 =	spop (v2sf)  }
0xca: {  	s21 =	sshra.s32 s19, $0x2;
	(v2sf) =	vpush v0, $0x4;
	s22 =	sand.u32 $0x1FFFFFF0, s22  }
0xcb: {  	s23 =	sadd.s32 $0x1200, s21;
	s22 =	sadd.s32 s3, s22  }
0xcc: {  	[tilespmem:s23], [sflag:$0x1] =	stream.linear.gather [hbm4b:s22+s2], $0x80, $0x38;
	[tilespmem:$0x10200] =	vst v63  }
0xcd: {  	s23 =	spop (v2sf)  }
0xce: {  	(v2sf) =	vpush v0, $0x5;
	s22 =	sand.u32 $0x1FFFFFF0, s23  }
0xcf: {  	s23 =	sadd.s32 $0x1280, s21;
	s22 =	sadd.s32 s3, s22  }
0xd0: {  	[tilespmem:s23], [sflag:$0x1] =	stream.linear.gather [hbm4b:s22+s2], $0x80, $0x38;
	[tilespmem:$0x10200] =	vst v63  }
0xd1: {  	s23 =	spop (v2sf)  }
0xd2: {  	(v2sf) =	vpush v0, $0x6;
	s22 =	sand.u32 $0x1FFFFFF0, s23  }
0xd3: {  	s23 =	sadd.s32 $0x1300, s21;
	s22 =	sadd.s32 s3, s22  }
0xd4: {  	[tilespmem:s23], [sflag:$0x1] =	stream.linear.gather [hbm4b:s22+s2], $0x80, $0x38;
	[tilespmem:$0x10200] =	vst v63  }
0xd5: {  	s23 =	spop (v2sf)  }
0xd6: {  	(v2sf) =	vpush v0, $0x7;
	s22 =	sand.u32 $0x1FFFFFF0, s23  }
0xd7: {  	s23 =	sadd.s32 $0x1380, s21;
	s22 =	sadd.s32 s3, s22  }
0xd8: {  	[tilespmem:s23], [sflag:$0x1] =	stream.linear.gather [hbm4b:s22+s2], $0x80, $0x38;
	[tilespmem:$0x10200] =	vst v63  }
0xd9: {  	s23 =	spop (v2sf)  }
0xda: {  	(v2sf) =	vpush v0, $0x8;
	s22 =	sand.u32 $0x1FFFFFF0, s23  }
0xdb: {  	s23 =	sadd.s32 $0x1400, s21;
	s22 =	sadd.s32 s3, s22  }
0xdc: {  	[tilespmem:s23], [sflag:$0x1] =	stream.linear.gather [hbm4b:s22+s2], $0x80, $0x38;
	[tilespmem:$0x10200] =	vst v63  }
0xdd: {  	s23 =	spop (v2sf)  }
0xde: {  	(v2sf) =	vpush v0, $0x9;
	s22 =	sand.u32 $0x1FFFFFF0, s23  }
0xdf: {  	s23 =	sadd.s32 $0x1480, s21;
	s22 =	sadd.s32 s3, s22  }
0xe0: {  	[tilespmem:s23], [sflag:$0x1] =	stream.linear.gather [hbm4b:s22+s2], $0x80, $0x38;
	[tilespmem:$0x10200] =	vst v63  }
0xe1: {  	s23 =	spop (v2sf)  }
0xe2: {  	(v2sf) =	vpush v0, $0xA;
	s22 =	sand.u32 $0x1FFFFFF0, s23  }
0xe3: {  	s23 =	sadd.s32 $0x1500, s21;
	s22 =	sadd.s32 s3, s22  }
0xe4: {  	[tilespmem:s23], [sflag:$0x1] =	stream.linear.gather [hbm4b:s22+s2], $0x80, $0x38;
	[tilespmem:$0x10200] =	vst v63  }
0xe5: {  	s23 =	spop (v2sf)  }
0xe6: {  	(v2sf) =	vpush v0, $0xB;
	s22 =	sand.u32 $0x1FFFFFF0, s23  }
0xe7: {  	s23 =	sadd.s32 $0x1580, s21;
	s22 =	sadd.s32 s3, s22  }
0xe8: {  	[tilespmem:s23], [sflag:$0x1] =	stream.linear.gather [hbm4b:s22+s2], $0x80, $0x38;
	[tilespmem:$0x10200] =	vst v63  }
0xe9: {  	s23 =	spop (v2sf)  }
0xea: {  	(v2sf) =	vpush v0, $0xC;
	s22 =	sand.u32 $0x1FFFFFF0, s23  }
0xeb: {  	s23 =	sadd.s32 $0x1600, s21;
	s22 =	sadd.s32 s3, s22  }
0xec: {  	[tilespmem:s23], [sflag:$0x1] =	stream.linear.gather [hbm4b:s22+s2], $0x80, $0x38;
	[tilespmem:$0x10200] =	vst v63  }
0xed: {  	s23 =	spop (v2sf)  }
0xee: {  	(v2sf) =	vpush v0, $0xD;
	s22 =	sand.u32 $0x1FFFFFF0, s23  }
0xef: {  	s23 =	sadd.s32 $0x1680, s21;
	s22 =	sadd.s32 s3, s22  }
0xf0: {  	[tilespmem:s23], [sflag:$0x1] =	stream.linear.gather [hbm4b:s22+s2], $0x80, $0x38;
	[tilespmem:$0x10200] =	vst v63  }
0xf1: {  	s23 =	spop (v2sf)  }
0xf2: {  	(v2sf) =	vpush v0, $0xE;
	s22 =	sand.u32 $0x1FFFFFF0, s23  }
0xf3: {  	s23 =	sadd.s32 $0x1700, s21;
	s22 =	sadd.s32 s3, s22  }
0xf4: {  	[tilespmem:s23], [sflag:$0x1] =	stream.linear.gather [hbm4b:s22+s2], $0x80, $0x38;
	[tilespmem:$0x10200] =	vst v63  }
0xf5: {  	s23 =	spop (v2sf)  }
0xf6: {  	s22 =	sand.u32 $0x1FFFFFF0, s23  }
0xf7: {  	(v2sf) =	vpush v0, $0xF;
	s23 =	sadd.s32 $0x1780, s21;
	s22 =	sadd.s32 s3, s22  }
0xf8: {  	[tilespmem:s23], [sflag:$0x1] =	stream.linear.gather [hbm4b:s22+s2], $0x80, $0x38;
	[tilespmem:$0x10200] =	vst v63  }
0xf9: {  	s23 =	spop (v2sf)  }
0xfa: {  	s22 =	sand.u32 $0x1FFFFFF0, s23  }
0xfb: {  	s23 =	sadd.s32 $0x1800, s21;
	s22 =	sadd.s32 s3, s22  }
0xfc: {  	[tilespmem:s23], [sflag:$0x1] =	stream.linear.gather [hbm4b:s22+s2], $0x80, $0x38;
	[tilespmem:$0x10200] =	vst v63  }
0xfd: {  	s23 =	spop (v2sf)  }
0xfe: {  	s22 =	sand.u32 $0x1FFFFFF0, s23  }
0xff: {  	s23 =	sadd.s32 $0x1880, s21;
	s22 =	sadd.s32 s3, s22  }
0x100: {  	[tilespmem:s23], [sflag:$0x1] =	stream.linear.gather [hbm4b:s22+s2], $0x80, $0x38;
	[tilespmem:$0x10200] =	vst v63  }
0x101: {  	s23 =	spop (v2sf)  }
0x102: {  	s22 =	sand.u32 $0x1FFFFFF0, s23  }
0x103: {  	s23 =	sadd.s32 $0x1900, s21;
	s22 =	sadd.s32 s3, s22  }
0x104: {  	[tilespmem:s23], [sflag:$0x1] =	stream.linear.gather [hbm4b:s22+s2], $0x80, $0x38;
	[tilespmem:$0x10200] =	vst v63  }
.Ltmp5:
0x105: {  	_ = 	snop;
	(pc) =	sbr.rel .LBB2_4-.Ltmp5, $4  }
0x106: {  	s23 =	spop (v2sf)  }
0x107: {  	s22 =	sand.u32 $0x1FFFFFF0, s23  }
0x108: {  	s21 =	sadd.s32 $0x1980, s21;
	s22 =	sadd.s32 s3, s22  }
0x109: {  	[tilespmem:s21], [sflag:$0x1] =	stream.linear.gather [hbm4b:s22+s2], $0x80, $0x38;
	[tilespmem:$0x10200] =	vst v63  }
.LBB2_6:
0x10a: {  	_ =	sfence.sel $0x180000  }
0x10b: {  	[bflag:$0x0] =	sbarrier.arrive $0xFFFF  }
0x10c: {  	_ =	strace $0x90000047  }
0x10d: {  	s0 =	stileid.u32;
	[bflag:$0x2] =	sbarrier.arrive $0xFFFF  }
0x10e: {  	p0 =	sne.s32 s0, $0x0;
	s0 =	rddreg [dreg:$0x2]  }
0x10f: {  	s0 =	sadd.s32 @!p0 $0x100000, s0  }
0x110: {  	[sflag:s0] =	ssyncadd.tile.s32 @!p0 $0x1;
	_ =	shalt  }
.Lfunc_end2:
_tile_overlayer_lowered:
.L_overlay_start_2:
0x111: {  	(tag) =	ssettag $0x2  }
0x112: {  	s0 =	rddreg [dreg:$0x0];
	s2 =	stileid.u32  }
0x113: {  	s1 =	rddreg [dreg:$0x1];
	p0 =	sne.s32 s2, $0x0  }
0x114: {  	s3 =	rddreg [dreg:$0x2];
	[bflag:$0x3] =	sbarrier.arrive $0xFFFF;
	s2 =	simm.s32 @!p0 $0x1C02  }
0x115: {  	[timem:s3], [sflag:s2] =	dma.local @!p0 [hbm:s0], s1  }
0x116: {  	s0 =	simm.s32 @!p0 $0x2  }
0x117: {  	_ =	swait.ge @!p0 [sflag:s0], s1  }
0x118: {  	s1 =	ssub.s32 @!p0 $0x0, s1;
	[sflag:s0] =	ssyncset.done @!p0 $0x0  }
0x119: {  	[sflag:s0] =	ssyncadd.s32 @!p0 s1  }
0x11a: {  	[bflag:$0x3] =	sbarrier.arrive $0xFFFF  }
0x11b: {  	_ =	shalt  }

</sc_bundles>
